<compile_context>
chip_gen: v7x
topology: tpu7x:2x2x1
jax: 0.10.2.dev20260603
libtpu: 0.0.44.dev20260713+nightly
codegen_flags: <defaults>
</compile_context>

<pallas_src>
import functools

import jax
import jax.numpy as jnp
from jax import lax
from jax.experimental import pallas as pl
from jax.experimental.pallas import tpu as pltpu
from jax.experimental.pallas import tpu_sc as plsc

N = 10000
E = 320000
F_IN = 128
NC_OUT = 16
NG = 64

N_PAD = 10240
NUM_CORES = 2
NUM_SUBCORES = 16
NW = NUM_CORES * NUM_SUBCORES
EW = 10112
E_PAD = NW * EW
ROWS_PER_TILE = N_PAD // NUM_SUBCORES

_F32 = jnp.float32
_HIGH = jax.lax.Precision.HIGHEST


def _mesh():
    return plsc.VectorSubcoreMesh(
        core_axis_name="c", subcore_axis_name="s",
        num_cores=NUM_CORES, num_subcores=NUM_SUBCORES)



def _make_sc_scatter(D):
    SEG = D * N_PAD // NUM_SUBCORES

    @functools.partial(
        pl.kernel,
        out_type=jax.ShapeDtypeStruct((NUM_CORES, D * N_PAD), _F32),
        mesh=_mesh(),
        scratch_types=[
            pltpu.VMEM((EW,), jnp.int32),
            pltpu.VMEM((EW,), jnp.int32),
            pltpu.VMEM((EW,), _F32),
            pltpu.VMEM_SHARED((D * N_PAD,), _F32),
            pltpu.VMEM_SHARED((D * N_PAD,), _F32),
            pltpu.SemaphoreType.DMA,
        ],
    )
    def sc_scatter(gt_hbm, src_hbm, dst_hbm, out_hbm,
                   sidx, didx, vals, sh_g, sh_agg, sem):
        c = lax.axis_index("c")
        s = lax.axis_index("s")
        wid = s * NUM_CORES + c
        seg_sl = pl.ds(s * SEG, SEG)
        pltpu.sync_copy(src_hbm.at[wid], sidx)
        pltpu.sync_copy(dst_hbm.at[wid], didx)
        pltpu.sync_copy(gt_hbm.at[seg_sl], sh_g.at[seg_sl])
        pltpu.sync_copy(gt_hbm.at[seg_sl], sh_agg.at[seg_sl])
        plsc.subcore_barrier()

        def step(f, carry):
            col = pl.ds(f * N_PAD, N_PAD)
            pltpu.async_copy(sh_g.at[col].at[sidx], vals, sem).wait()
            pltpu.sync_copy(vals, sh_agg.at[col].at[didx], add=True)
            return carry

        lax.fori_loop(0, D, step, 0)
        plsc.subcore_barrier()
        pltpu.sync_copy(sh_agg.at[seg_sl], out_hbm.at[c, seg_sl])

    return sc_scatter


def _make_sc_scatter_grouped():
    D = 32
    NGF = 8
    FPG = 4
    EQ = E_PAD // 4
    CH = 10112
    NCHUNK = EQ // CH
    G16 = CH // 16
    SEG = D * N_PAD // NUM_SUBCORES
    AGGW = FPG * N_PAD
    HALF = AGGW // 2

    @functools.partial(
        pl.kernel,
        out_type=(jax.ShapeDtypeStruct((NUM_CORES * D * N_PAD,), _F32),
                  jax.ShapeDtypeStruct((NW * AGGW,), _F32)),
        mesh=_mesh(),
        compiler_params=pltpu.CompilerParams(needs_layout_passes=False),
        scratch_types=[
            pltpu.VMEM((CH,), jnp.int32),
            pltpu.VMEM((CH,), jnp.int32),
            pltpu.VMEM((CH,), _F32),
            pltpu.VMEM((CH,), _F32),
            pltpu.VMEM((CH,), _F32),
            pltpu.VMEM((CH,), _F32),
            pltpu.VMEM((AGGW,), _F32),
            pltpu.VMEM_SHARED((D * N_PAD,), _F32),
            pltpu.SemaphoreType.DMA,
            pltpu.SemaphoreType.DMA,
            pltpu.SemaphoreType.DMA,
            pltpu.SemaphoreType.DMA,
        ],
    )
    def sc_scatter(gt_hbm, srcq_hbm, dstq_hbm, out_hbm, stage_hbm,
                   sidx, didx, v0, v1, v2, v3, agg,
                   sh_g, s0, s1, s2, s3):
        vals = [v0, v1, v2, v3]
        sems = [s0, s1, s2, s3]
        c = lax.axis_index("c")
        s = lax.axis_index("s")
        q = s % NGF
        e = s // NGF
        quarter = c * 2 + e
        seg_sl = pl.ds(s * SEG, SEG)
        pltpu.sync_copy(gt_hbm.at[seg_sl], sh_g.at[seg_sl])

        def zf(j, carry):
            agg[pl.ds(pl.multiple_of(j * 16, 16), 16)] = jnp.zeros((16,), _F32)
            return carry

        @pl.when(e == 1)
        def _():
            lax.fori_loop(0, AGGW // 16, zf, 0)

        plsc.subcore_barrier()

        @pl.when(e == 0)
        def _():
            pltpu.sync_copy(sh_g.at[pl.ds(q * AGGW, AGGW)], agg)

        def chunk_body(t, carry):
            base = pl.multiple_of(quarter * EQ + t * CH, 128)
            pltpu.sync_copy(srcq_hbm.at[pl.ds(base, CH)], sidx)
            pltpu.sync_copy(dstq_hbm.at[pl.ds(base, CH)], didx)
            descs = [pltpu.async_copy(
                sh_g.at[pl.ds((q * FPG + j) * N_PAD, N_PAD)].at[sidx],
                vals[j], sems[j]) for j in range(FPG)]
            for j in range(FPG):
                descs[j].wait()

                def grp(g, carry2, _j=j):
                    sl = pl.ds(pl.multiple_of(g * 16, 16), 16)
                    tgt = didx[sl] + jnp.int32(_j * N_PAD)
                    plsc.addupdate_scatter(agg, [tgt], vals[_j][sl])
                    return carry2

                lax.fori_loop(0, G16, grp, 0, unroll=8)
            return carry

        lax.fori_loop(0, NCHUNK, chunk_body, 0)

        wbase = pl.multiple_of((c * NUM_SUBCORES + s) * AGGW, 128)
        pltpu.sync_copy(agg, stage_hbm.at[pl.ds(wbase, AGGW)])
        plsc.subcore_barrier()
        half = s // NGF
        moff = q * AGGW + half * HALF
        cbase = c * NUM_SUBCORES * AGGW
        pltpu.sync_copy(
            stage_hbm.at[pl.ds(pl.multiple_of(cbase + moff, 128), HALF)],
            agg.at[pl.ds(0, HALF)])
        pltpu.sync_copy(
            stage_hbm.at[pl.ds(
                pl.multiple_of(cbase + NGF * AGGW + moff, 128), HALF)],
            agg.at[pl.ds(HALF, HALF)])

        def addl(k, carry):
            a = pl.ds(pl.multiple_of(k * 16, 16), 16)
            b = pl.ds(pl.multiple_of(HALF + k * 16, 16), 16)
            agg[a] = agg[a] + agg[b]
            return carry

        lax.fori_loop(0, HALF // 16, addl, 0, unroll=8)
        pltpu.sync_copy(agg.at[pl.ds(0, HALF)],
                        out_hbm.at[pl.ds(
                            pl.multiple_of(c * D * N_PAD + moff, 128), HALF)])

    return sc_scatter


@functools.partial(
    pl.kernel,
    out_type=jax.ShapeDtypeStruct((NUM_CORES, N_PAD), _F32),
    mesh=_mesh(),
    scratch_types=[
        pltpu.VMEM((EW,), jnp.int32),
        pltpu.VMEM((EW,), _F32),
        pltpu.VMEM((ROWS_PER_TILE,), _F32),
        pltpu.VMEM_SHARED((N_PAD,), _F32),
    ],
)
def _sc_degree(dst_hbm, ones_hbm, out_hbm, didx, ones_v, zeros_v, sh_deg):
    c = lax.axis_index("c")
    s = lax.axis_index("s")
    wid = s * NUM_CORES + c
    row_sl = pl.ds(s * ROWS_PER_TILE, ROWS_PER_TILE)
    pltpu.sync_copy(dst_hbm.at[wid], didx)
    pltpu.sync_copy(ones_hbm, ones_v)

    def zfill(j, carry):
        zeros_v[pl.ds(j * 16, 16)] = jnp.zeros((16,), _F32)
        return carry

    lax.fori_loop(0, ROWS_PER_TILE // 16, zfill, 0)
    pltpu.sync_copy(zeros_v, sh_deg.at[row_sl])
    plsc.subcore_barrier()
    pltpu.sync_copy(ones_v, sh_deg.at[didx], add=True)
    plsc.subcore_barrier()
    pltpu.sync_copy(sh_deg.at[row_sl], out_hbm.at[c, row_sl])



def _tc1(deg2, x_pad, W1):
    def body(deg_ref, x_ref, w_ref, g_ref, dinv_ref):
        deg = deg_ref[pl.ds(0, 1)] + deg_ref[pl.ds(1, 1)] + 1.0
        dinv = lax.rsqrt(deg)
        h = lax.dot_general(w_ref[...], x_ref[...], (((0,), (1,)), ((), ())),
                            preferred_element_type=_F32, precision=_HIGH)
        g_ref[...] = dinv * h
        dinv_ref[...] = dinv

    return pl.pallas_call(
        body,
        out_shape=(jax.ShapeDtypeStruct((32, N_PAD), _F32),
                   jax.ShapeDtypeStruct((1, N_PAD), _F32)),
    )(deg2, x_pad, W1)


def _tc2(agg, gt, dinv, b2d):
    def body(agg_ref, g_ref, dinv_ref, b_ref, o_ref):
        a = agg_ref[0] + agg_ref[1] - g_ref[...]
        h = jax.nn.relu(dinv_ref[...] * a + b_ref[...])
        o_ref[...] = dinv_ref[...] * h

    return pl.pallas_call(
        body,
        out_shape=jax.ShapeDtypeStruct((32, N_PAD), _F32),
    )(agg, gt, dinv, b2d)


def _tc3(agg, gt, dinv, b2d, W2, W3):
    def body(agg_ref, g_ref, dinv_ref, b_ref, w2_ref, w3_ref, o_ref):
        s2 = dinv_ref[...] * (agg_ref[0] + agg_ref[1] - g_ref[...])
        h2 = jax.nn.relu(
            lax.dot_general(w2_ref[...], s2, (((0,), (0,)), ((), ())),
                            preferred_element_type=_F32, precision=_HIGH)
            + b_ref[...])
        o_ref[...] = dinv_ref[...] * lax.dot_general(
            w3_ref[...], h2, (((0,), (0,)), ((), ())),
            preferred_element_type=_F32, precision=_HIGH)

    return pl.pallas_call(
        body,
        out_shape=jax.ShapeDtypeStruct((16, N_PAD), _F32),
    )(agg, gt, dinv, b2d, W2, W3)


def _tc_final(agg, gt, dinv, b2d, batchT):
    def body(agg_ref, g_ref, dinv_ref, b_ref, batch_ref, o_ref):
        a = agg_ref[0] + agg_ref[1] - g_ref[...]
        out3 = dinv_ref[...] * a + b_ref[...]
        gid = lax.broadcasted_iota(jnp.int32, (NG, 1), 0)
        oh = (batch_ref[...] == gid).astype(_F32)
        sums = lax.dot_general(oh, out3, (((1,), (1,)), ((), ())),
                               preferred_element_type=_F32, precision=_HIGH)
        counts = jnp.sum(oh, axis=1, keepdims=True)
        pooled = sums / jnp.maximum(counts, 1.0)
        m = jnp.max(pooled, axis=1, keepdims=True)
        lse = jnp.log(jnp.sum(jnp.exp(pooled - m), axis=1, keepdims=True))
        o_ref[...] = pooled - m - lse

    return pl.pallas_call(
        body,
        out_shape=jax.ShapeDtypeStruct((NG, NC_OUT), _F32),
    )(agg, gt, dinv, b2d, batchT)



def kernel(x, edge_index, batch, W1, b1, W2, b2, W3, b3):
    src, dst = edge_index[0], edge_index[1]
    npad = E_PAD - E
    pad_ids = (jnp.arange(npad, dtype=jnp.int32) % (N_PAD - N)) + N
    src_p = jnp.concatenate([src, pad_ids]).reshape(NW, EW)
    dst_p = jnp.concatenate([dst, pad_ids]).reshape(NW, EW)

    x_pad = jnp.pad(x, ((0, N_PAD - N), (0, 0)))
    batchT = jnp.pad(batch, (0, N_PAD - N),
                     constant_values=NG).reshape(1, N_PAD)
    ones_e = jnp.ones((EW,), _F32)

    src_q = src_p.reshape(-1)
    dst_q = dst_p.reshape(-1)

    scat32 = _make_sc_scatter_grouped()
    deg = _sc_degree(dst_p, ones_e)
    g1, dinv = _tc1(deg, x_pad, W1)
    agg1, _ = scat32(g1.reshape(-1), src_q, dst_q)
    g2 = _tc2(agg1.reshape(2, 32, N_PAD), g1, dinv, b1.reshape(32, 1))
    agg2, _ = scat32(g2.reshape(-1), src_q, dst_q)
    g3 = _tc3(agg2.reshape(2, 32, N_PAD), g2, dinv,
              b2.reshape(64, 1), W2, W3)
    agg3 = _make_sc_scatter(16)(g3.reshape(-1), src_p, dst_p)
    return _tc_final(agg3.reshape(2, 16, N_PAD), g3, dinv,
                     b3.reshape(16, 1), batchT)

# --- scband reference (transcript-rebuilt; emitter-appended) ---
"""Pipeline reference for scband-enhanced-gnn-16389595201745 (READ-ONLY COPY).

The authoritative reference and input builder live on the scoring server;
editing this copy changes nothing except your own understanding.
"""

import jax, jax.numpy as jnp
import numpy as np

N = 10000
E = 320000
F_IN = 128
NC = 16
NG = 64


def gcn_conv(x, src, dst, W, b, n):
    # GCNConv: h = D^{-1/2} (A + I) D^{-1/2} (x W) + b
    h = x @ W
    loop = jnp.arange(n, dtype=src.dtype)
    si = jnp.concatenate([src, loop])
    di = jnp.concatenate([dst, loop])
    deg = jax.ops.segment_sum(jnp.ones(si.shape, dtype=h.dtype), di, num_segments=n)
    dinv = jnp.where(deg > 0, 1.0 / jnp.sqrt(jnp.where(deg > 0, deg, 1.0)), 0.0)
    norm = dinv[si] * dinv[di]
    out = jax.ops.segment_sum(h[si] * norm[:, None], di, num_segments=n)
    return out + b


def setup_inputs(seed: int = 0) -> dict:
    key = jax.random.key(seed)
    ks = jax.random.split(key, 10)
    x = jax.random.normal(ks[0], (N, F_IN), dtype=jnp.float32)
    edge_index = jax.random.randint(ks[1], (2, E), 0, N, dtype=jnp.int32)
    batch = jnp.sort(jax.random.randint(ks[2], (N,), 0, NG, dtype=jnp.int32))
    W1 = jax.random.normal(ks[3], (F_IN, 32), dtype=jnp.float32) * (1.0 / np.sqrt(F_IN))
    b1 = jnp.zeros((32,), dtype=jnp.float32)
    W2 = jax.random.normal(ks[4], (32, 64), dtype=jnp.float32) * (1.0 / np.sqrt(32))
    b2 = jnp.zeros((64,), dtype=jnp.float32)
    W3 = jax.random.normal(ks[5], (64, NC), dtype=jnp.float32) * (1.0 / np.sqrt(64))
    b3 = jnp.zeros((NC,), dtype=jnp.float32)
    return {"x": x, "edge_index": edge_index, "batch": batch,
            "W1": W1, "b1": b1, "W2": W2, "b2": b2, "W3": W3, "b3": b3}


def reference(x, edge_index, batch, W1, b1, W2, b2, W3, b3):
    src, dst = edge_index[0], edge_index[1]
    h = jax.nn.relu(gcn_conv(x, src, dst, W1, b1, N))
    # dropout is identity in eval mode
    h = jax.nn.relu(gcn_conv(h, src, dst, W2, b2, N))
    h = gcn_conv(h, src, dst, W3, b3, N)
    sums = jax.ops.segment_sum(h, batch, num_segments=NG)
    counts = jax.ops.segment_sum(jnp.ones((N,), dtype=h.dtype), batch, num_segments=NG)
    pooled = sums / jnp.maximum(counts, 1.0)[:, None]
    return jax.nn.log_softmax(pooled, axis=1)

if __name__ == "__main__":
    import jax
    _d = setup_inputs()
    print(jax.jit(kernel)(*tuple(_d.values())))

</pallas_src>

<mosaic_0001>
#map = affine_map<(d0, d1) -> (0)>
#map1 = affine_map<(d0, d1) -> (0, 0)>
module attributes {stable_mosaic.version = 14 : i64} {
  func.func @sc_scatter(%arg0: i32, %arg1: i32, %arg2: memref<163840xf32, #tpu.memory_space<hbm>>, %arg3: memref<32x10112xi32, #tpu.memory_space<hbm>>, %arg4: memref<32x10112xi32, #tpu.memory_space<hbm>>, %arg5: memref<2x163840xf32, #tpu.memory_space<hbm>>, %arg6: memref<10112xi32, #tpu.memory_space<vmem>>, %arg7: memref<10112xi32, #tpu.memory_space<vmem>>, %arg8: memref<10112xf32, #tpu.memory_space<vmem>>, %arg9: memref<163840xf32, #tpu.memory_space<vmem_shared>>, %arg10: memref<163840xf32, #tpu.memory_space<vmem_shared>>, %arg11: memref<!tpu.dma_semaphore, #tpu.memory_space<semaphore_mem>>) attributes {dimension_semantics = [#tpu.dimension_semantics<core_parallel>, #tpu.dimension_semantics<subcore_parallel>], iteration_bounds = array<i64: 2, 16>, scalar_prefetch = 0 : i64, scratch_operands = 6 : i64, tpu.core_type = #tpu.core_type<sc_vector_subcore>, window_params = [{transform_indices = #map}, {transform_indices = #map1}, {transform_indices = #map1}, {transform_indices = #map1}]} {
    %mul3A = arith.constant 2 : i32
    %mul3A_0 = arith.muli %arg1, %mul3A : i32
    %add3A = arith.addi %mul3A_0, %arg0 : i32
    %mul3A_1 = arith.constant 10240 : i32
    %mul3A_2 = arith.muli %arg1, %mul3A_1 : i32
    "tpu.region"() ({
      %run_scoped3A = tpu.sem_alloc : memref<!tpu.dma_semaphore, #tpu.memory_space<semaphore_mem>>
      %dma_start3A = arith.constant 0 : i32
      %dma_start3A_9 = tpu.memref_slice %arg3[%add3A, %dma_start3A] : memref<32x10112xi32, #tpu.memory_space<hbm>> -> memref<1x10112xi32, #tpu.memory_space<hbm>>
      %dma_start3A_10 = tpu.memref_squeeze %dma_start3A_9 : memref<1x10112xi32, #tpu.memory_space<hbm>> -> memref<10112xi32, #tpu.memory_space<hbm>>
      %dma_start3A_11 = arith.constant 0 : i32
      %dma_start3A_12 = tpu.memref_slice %arg3[%add3A, %dma_start3A_11] : memref<32x10112xi32, #tpu.memory_space<hbm>> -> memref<1x10112xi32, #tpu.memory_space<hbm>>
      %dma_start3A_13 = tpu.memref_squeeze %dma_start3A_12 : memref<1x10112xi32, #tpu.memory_space<hbm>> -> memref<10112xi32, #tpu.memory_space<hbm>>
      tpu.enqueue_dma source(%dma_start3A_13 : memref<10112xi32, #tpu.memory_space<hbm>>) target(%arg6 : memref<10112xi32, #tpu.memory_space<vmem>>) target_semaphore(%run_scoped3A : memref<!tpu.dma_semaphore, #tpu.memory_space<semaphore_mem>>)
      %dma_wait3A = arith.constant 0 : i32
      %dma_wait3A_14 = tpu.memref_slice %arg3[%add3A, %dma_wait3A] : memref<32x10112xi32, #tpu.memory_space<hbm>> -> memref<1x10112xi32, #tpu.memory_space<hbm>>
      %dma_wait3A_15 = tpu.memref_squeeze %dma_wait3A_14 : memref<1x10112xi32, #tpu.memory_space<hbm>> -> memref<10112xi32, #tpu.memory_space<hbm>>
      %dma_wait3A_16 = arith.constant 0 : i32
      %dma_wait3A_17 = tpu.memref_slice %arg3[%add3A, %dma_wait3A_16] : memref<32x10112xi32, #tpu.memory_space<hbm>> -> memref<1x10112xi32, #tpu.memory_space<hbm>>
      %dma_wait3A_18 = tpu.memref_squeeze %dma_wait3A_17 : memref<1x10112xi32, #tpu.memory_space<hbm>> -> memref<10112xi32, #tpu.memory_space<hbm>>
      tpu.wait_dma2 semaphore(%run_scoped3A : memref<!tpu.dma_semaphore, #tpu.memory_space<semaphore_mem>>) src(%dma_wait3A_18 : memref<10112xi32, #tpu.memory_space<hbm>>) dst(%arg6 : memref<10112xi32, #tpu.memory_space<vmem>>)
      tpu.yield
    }) : () -> ()
    "tpu.region"() ({
      %run_scoped3A = tpu.sem_alloc : memref<!tpu.dma_semaphore, #tpu.memory_space<semaphore_mem>>
      %dma_start3A = arith.constant 0 : i32
      %dma_start3A_9 = tpu.memref_slice %arg4[%add3A, %dma_start3A] : memref<32x10112xi32, #tpu.memory_space<hbm>> -> memref<1x10112xi32, #tpu.memory_space<hbm>>
      %dma_start3A_10 = tpu.memref_squeeze %dma_start3A_9 : memref<1x10112xi32, #tpu.memory_space<hbm>> -> memref<10112xi32, #tpu.memory_space<hbm>>
      %dma_start3A_11 = arith.constant 0 : i32
      %dma_start3A_12 = tpu.memref_slice %arg4[%add3A, %dma_start3A_11] : memref<32x10112xi32, #tpu.memory_space<hbm>> -> memref<1x10112xi32, #tpu.memory_space<hbm>>
      %dma_start3A_13 = tpu.memref_squeeze %dma_start3A_12 : memref<1x10112xi32, #tpu.memory_space<hbm>> -> memref<10112xi32, #tpu.memory_space<hbm>>
      tpu.enqueue_dma source(%dma_start3A_13 : memref<10112xi32, #tpu.memory_space<hbm>>) target(%arg7 : memref<10112xi32, #tpu.memory_space<vmem>>) target_semaphore(%run_scoped3A : memref<!tpu.dma_semaphore, #tpu.memory_space<semaphore_mem>>)
      %dma_wait3A = arith.constant 0 : i32
      %dma_wait3A_14 = tpu.memref_slice %arg4[%add3A, %dma_wait3A] : memref<32x10112xi32, #tpu.memory_space<hbm>> -> memref<1x10112xi32, #tpu.memory_space<hbm>>
      %dma_wait3A_15 = tpu.memref_squeeze %dma_wait3A_14 : memref<1x10112xi32, #tpu.memory_space<hbm>> -> memref<10112xi32, #tpu.memory_space<hbm>>
      %dma_wait3A_16 = arith.constant 0 : i32
      %dma_wait3A_17 = tpu.memref_slice %arg4[%add3A, %dma_wait3A_16] : memref<32x10112xi32, #tpu.memory_space<hbm>> -> memref<1x10112xi32, #tpu.memory_space<hbm>>
      %dma_wait3A_18 = tpu.memref_squeeze %dma_wait3A_17 : memref<1x10112xi32, #tpu.memory_space<hbm>> -> memref<10112xi32, #tpu.memory_space<hbm>>
      tpu.wait_dma2 semaphore(%run_scoped3A : memref<!tpu.dma_semaphore, #tpu.memory_space<semaphore_mem>>) src(%dma_wait3A_18 : memref<10112xi32, #tpu.memory_space<hbm>>) dst(%arg7 : memref<10112xi32, #tpu.memory_space<vmem>>)
      tpu.yield
    }) : () -> ()
    "tpu.region"() ({
      %run_scoped3A = tpu.sem_alloc : memref<!tpu.dma_semaphore, #tpu.memory_space<semaphore_mem>>
      %dma_start3A = tpu.memref_slice %arg9[%mul3A_2] : memref<163840xf32, #tpu.memory_space<vmem_shared>> -> memref<10240xf32, #tpu.memory_space<vmem_shared>>
      %dma_start3A_9 = tpu.memref_slice %arg2[%mul3A_2] : memref<163840xf32, #tpu.memory_space<hbm>> -> memref<10240xf32, #tpu.memory_space<hbm>>
      tpu.enqueue_dma source(%dma_start3A_9 : memref<10240xf32, #tpu.memory_space<hbm>>) target(%dma_start3A : memref<10240xf32, #tpu.memory_space<vmem_shared>>) target_semaphore(%run_scoped3A : memref<!tpu.dma_semaphore, #tpu.memory_space<semaphore_mem>>)
      %dma_wait3A = tpu.memref_slice %arg9[%mul3A_2] : memref<163840xf32, #tpu.memory_space<vmem_shared>> -> memref<10240xf32, #tpu.memory_space<vmem_shared>>
      %dma_wait3A_10 = tpu.memref_slice %arg2[%mul3A_2] : memref<163840xf32, #tpu.memory_space<hbm>> -> memref<10240xf32, #tpu.memory_space<hbm>>
      tpu.wait_dma2 semaphore(%run_scoped3A : memref<!tpu.dma_semaphore, #tpu.memory_space<semaphore_mem>>) src(%dma_wait3A_10 : memref<10240xf32, #tpu.memory_space<hbm>>) dst(%dma_wait3A : memref<10240xf32, #tpu.memory_space<vmem_shared>>)
      tpu.yield
    }) : () -> ()
    "tpu.region"() ({
      %run_scoped3A = tpu.sem_alloc : memref<!tpu.dma_semaphore, #tpu.memory_space<semaphore_mem>>
      %dma_start3A = tpu.memref_slice %arg10[%mul3A_2] : memref<163840xf32, #tpu.memory_space<vmem_shared>> -> memref<10240xf32, #tpu.memory_space<vmem_shared>>
      %dma_start3A_9 = tpu.memref_slice %arg2[%mul3A_2] : memref<163840xf32, #tpu.memory_space<hbm>> -> memref<10240xf32, #tpu.memory_space<hbm>>
      tpu.enqueue_dma source(%dma_start3A_9 : memref<10240xf32, #tpu.memory_space<hbm>>) target(%dma_start3A : memref<10240xf32, #tpu.memory_space<vmem_shared>>) target_semaphore(%run_scoped3A : memref<!tpu.dma_semaphore, #tpu.memory_space<semaphore_mem>>)
      %dma_wait3A = tpu.memref_slice %arg10[%mul3A_2] : memref<163840xf32, #tpu.memory_space<vmem_shared>> -> memref<10240xf32, #tpu.memory_space<vmem_shared>>
      %dma_wait3A_10 = tpu.memref_slice %arg2[%mul3A_2] : memref<163840xf32, #tpu.memory_space<hbm>> -> memref<10240xf32, #tpu.memory_space<hbm>>
      tpu.wait_dma2 semaphore(%run_scoped3A : memref<!tpu.dma_semaphore, #tpu.memory_space<semaphore_mem>>) src(%dma_wait3A_10 : memref<10240xf32, #tpu.memory_space<hbm>>) dst(%dma_wait3A : memref<10240xf32, #tpu.memory_space<vmem_shared>>)
      tpu.yield
    }) : () -> ()
    %barrier3A = arith.constant 0 : index
    tpu.barrier barrier_id(%barrier3A)
    %scan3A = arith.constant 0 : i32
    %scan3A_3 = arith.constant 0 : i32
    %scan3A_4 = arith.constant 16 : i32
    %scan3A_5 = arith.addi %scan3A_3, %scan3A_4 : i32
    %scan3A_6 = arith.constant 1 : i32
    scf.for %scan3A_9 = %scan3A_3 to %scan3A_5 step %scan3A_6  : i32 {
      %mul3A_10 = arith.constant 10240 : i32
      %mul3A_11 = arith.muli %scan3A_9, %mul3A_10 : i32
      %dma_start3A = tpu.memref_slice %arg9[%mul3A_11] : memref<163840xf32, #tpu.memory_space<vmem_shared>> -> memref<10240xf32, #tpu.memory_space<vmem_shared>>
      %dma_start3A_12 = arith.constant 0 : i32
      %dma_start3A_13 = tpu.memref_slice %dma_start3A[%dma_start3A_12] : memref<10240xf32, #tpu.memory_space<vmem_shared>> -> memref<10240xf32, #tpu.memory_space<vmem_shared>>
      tpu.enqueue_indirect_dma source(%dma_start3A_13 : memref<10240xf32, #tpu.memory_space<vmem_shared>>) target(%arg8 : memref<10112xf32, #tpu.memory_space<vmem>>) offsets(%arg6 : memref<10112xi32, #tpu.memory_space<vmem>>) semaphore(%arg11 : memref<!tpu.dma_semaphore, #tpu.memory_space<semaphore_mem>>)
      %dma_wait3A = tpu.memref_slice %arg9[%mul3A_11] : memref<163840xf32, #tpu.memory_space<vmem_shared>> -> memref<10240xf32, #tpu.memory_space<vmem_shared>>
      %dma_wait3A_14 = arith.constant 0 : i32
      %dma_wait3A_15 = tpu.memref_slice %dma_wait3A[%dma_wait3A_14] : memref<10240xf32, #tpu.memory_space<vmem_shared>> -> memref<10240xf32, #tpu.memory_space<vmem_shared>>
      tpu.wait_indirect_dma semaphore(%arg11 : memref<!tpu.dma_semaphore, #tpu.memory_space<semaphore_mem>>) src(%dma_wait3A_15 : memref<10240xf32, #tpu.memory_space<vmem_shared>>) dst(%arg8 : memref<10112xf32, #tpu.memory_space<vmem>>)
      "tpu.region"() ({
        %run_scoped3A = tpu.sem_alloc : memref<!tpu.dma_semaphore, #tpu.memory_space<semaphore_mem>>
        %dma_start3A_16 = tpu.memref_slice %arg10[%mul3A_11] : memref<163840xf32, #tpu.memory_space<vmem_shared>> -> memref<10240xf32, #tpu.memory_space<vmem_shared>>
        %dma_start3A_17 = arith.constant 0 : i32
        %dma_start3A_18 = tpu.memref_slice %dma_start3A_16[%dma_start3A_17] : memref<10240xf32, #tpu.memory_space<vmem_shared>> -> memref<10240xf32, #tpu.memory_space<vmem_shared>>
        tpu.enqueue_indirect_dma source(%arg8 : memref<10112xf32, #tpu.memory_space<vmem>>) target(%dma_start3A_18 : memref<10240xf32, #tpu.memory_space<vmem_shared>>) offsets(%arg7 : memref<10112xi32, #tpu.memory_space<vmem>>) semaphore(%run_scoped3A : memref<!tpu.dma_semaphore, #tpu.memory_space<semaphore_mem>>) {add = true}
        %dma_wait3A_19 = tpu.memref_slice %arg10[%mul3A_11] : memref<163840xf32, #tpu.memory_space<vmem_shared>> -> memref<10240xf32, #tpu.memory_space<vmem_shared>>
        %dma_wait3A_20 = arith.constant 0 : i32
        %dma_wait3A_21 = tpu.memref_slice %dma_wait3A_19[%dma_wait3A_20] : memref<10240xf32, #tpu.memory_space<vmem_shared>> -> memref<10240xf32, #tpu.memory_space<vmem_shared>>
        tpu.wait_indirect_dma semaphore(%run_scoped3A : memref<!tpu.dma_semaphore, #tpu.memory_space<semaphore_mem>>) src(%arg8 : memref<10112xf32, #tpu.memory_space<vmem>>) dst(%dma_wait3A_21 : memref<10240xf32, #tpu.memory_space<vmem_shared>>)
        tpu.yield
      }) : () -> ()
    }
    %scan3A_7 = arith.constant 16 : i32
    %barrier3A_8 = arith.constant 0 : index
    tpu.barrier barrier_id(%barrier3A_8)
    "tpu.region"() ({
      %run_scoped3A = tpu.sem_alloc : memref<!tpu.dma_semaphore, #tpu.memory_space<semaphore_mem>>
      %dma_start3A = tpu.memref_slice %arg5[%arg0, %mul3A_2] : memref<2x163840xf32, #tpu.memory_space<hbm>> -> memref<1x10240xf32, #tpu.memory_space<hbm>>
      %dma_start3A_9 = tpu.memref_squeeze %dma_start3A : memref<1x10240xf32, #tpu.memory_space<hbm>> -> memref<10240xf32, #tpu.memory_space<hbm>>
      %dma_start3A_10 = tpu.memref_slice %arg10[%mul3A_2] : memref<163840xf32, #tpu.memory_space<vmem_shared>> -> memref<10240xf32, #tpu.memory_space<vmem_shared>>
      tpu.enqueue_dma source(%dma_start3A_10 : memref<10240xf32, #tpu.memory_space<vmem_shared>>) target(%dma_start3A_9 : memref<10240xf32, #tpu.memory_space<hbm>>) target_semaphore(%run_scoped3A : memref<!tpu.dma_semaphore, #tpu.memory_space<semaphore_mem>>)
      %dma_wait3A = tpu.memref_slice %arg5[%arg0, %mul3A_2] : memref<2x163840xf32, #tpu.memory_space<hbm>> -> memref<1x10240xf32, #tpu.memory_space<hbm>>
      %dma_wait3A_11 = tpu.memref_squeeze %dma_wait3A : memref<1x10240xf32, #tpu.memory_space<hbm>> -> memref<10240xf32, #tpu.memory_space<hbm>>
      %dma_wait3A_12 = tpu.memref_slice %arg10[%mul3A_2] : memref<163840xf32, #tpu.memory_space<vmem_shared>> -> memref<10240xf32, #tpu.memory_space<vmem_shared>>
      tpu.wait_dma2 semaphore(%run_scoped3A : memref<!tpu.dma_semaphore, #tpu.memory_space<semaphore_mem>>) src(%dma_wait3A_12 : memref<10240xf32, #tpu.memory_space<vmem_shared>>) dst(%dma_wait3A_11 : memref<10240xf32, #tpu.memory_space<hbm>>)
      tpu.yield
    }) : () -> ()
    return
  }
}

#map = affine_map<(d0, d1) -> (0, 0)>
#map1 = affine_map<(d0, d1) -> (0)>
module attributes {stable_mosaic.version = 14 : i64} {
  func.func @_sc_degree(%arg0: i32, %arg1: i32, %arg2: memref<32x10112xi32, #tpu.memory_space<hbm>>, %arg3: memref<10112xf32, #tpu.memory_space<hbm>>, %arg4: memref<2x10240xf32, #tpu.memory_space<hbm>>, %arg5: memref<10112xi32, #tpu.memory_space<vmem>>, %arg6: memref<10112xf32, #tpu.memory_space<vmem>>, %arg7: memref<640xf32, #tpu.memory_space<vmem>>, %arg8: memref<10240xf32, #tpu.memory_space<vmem_shared>>) attributes {dimension_semantics = [#tpu.dimension_semantics<core_parallel>, #tpu.dimension_semantics<subcore_parallel>], iteration_bounds = array<i64: 2, 16>, scalar_prefetch = 0 : i64, scratch_operands = 4 : i64, tpu.core_type = #tpu.core_type<sc_vector_subcore>, window_params = [{transform_indices = #map}, {transform_indices = #map1}, {transform_indices = #map}]} {
    %mul3A = arith.constant 2 : i32
    %mul3A_0 = arith.muli %arg1, %mul3A : i32
    %add3A = arith.addi %mul3A_0, %arg0 : i32
    %mul3A_1 = arith.constant 640 : i32
    %mul3A_2 = arith.muli %arg1, %mul3A_1 : i32
    "tpu.region"() ({
      %run_scoped3A = tpu.sem_alloc : memref<!tpu.dma_semaphore, #tpu.memory_space<semaphore_mem>>
      %dma_start3A = arith.constant 0 : i32
      %dma_start3A_9 = tpu.memref_slice %arg2[%add3A, %dma_start3A] : memref<32x10112xi32, #tpu.memory_space<hbm>> -> memref<1x10112xi32, #tpu.memory_space<hbm>>
      %dma_start3A_10 = tpu.memref_squeeze %dma_start3A_9 : memref<1x10112xi32, #tpu.memory_space<hbm>> -> memref<10112xi32, #tpu.memory_space<hbm>>
      %dma_start3A_11 = arith.constant 0 : i32
      %dma_start3A_12 = tpu.memref_slice %arg2[%add3A, %dma_start3A_11] : memref<32x10112xi32, #tpu.memory_space<hbm>> -> memref<1x10112xi32, #tpu.memory_space<hbm>>
      %dma_start3A_13 = tpu.memref_squeeze %dma_start3A_12 : memref<1x10112xi32, #tpu.memory_space<hbm>> -> memref<10112xi32, #tpu.memory_space<hbm>>
      tpu.enqueue_dma source(%dma_start3A_13 : memref<10112xi32, #tpu.memory_space<hbm>>) target(%arg5 : memref<10112xi32, #tpu.memory_space<vmem>>) target_semaphore(%run_scoped3A : memref<!tpu.dma_semaphore, #tpu.memory_space<semaphore_mem>>)
      %dma_wait3A = arith.constant 0 : i32
      %dma_wait3A_14 = tpu.memref_slice %arg2[%add3A, %dma_wait3A] : memref<32x10112xi32, #tpu.memory_space<hbm>> -> memref<1x10112xi32, #tpu.memory_space<hbm>>
      %dma_wait3A_15 = tpu.memref_squeeze %dma_wait3A_14 : memref<1x10112xi32, #tpu.memory_space<hbm>> -> memref<10112xi32, #tpu.memory_space<hbm>>
      %dma_wait3A_16 = arith.constant 0 : i32
      %dma_wait3A_17 = tpu.memref_slice %arg2[%add3A, %dma_wait3A_16] : memref<32x10112xi32, #tpu.memory_space<hbm>> -> memref<1x10112xi32, #tpu.memory_space<hbm>>
      %dma_wait3A_18 = tpu.memref_squeeze %dma_wait3A_17 : memref<1x10112xi32, #tpu.memory_space<hbm>> -> memref<10112xi32, #tpu.memory_space<hbm>>
      tpu.wait_dma2 semaphore(%run_scoped3A : memref<!tpu.dma_semaphore, #tpu.memory_space<semaphore_mem>>) src(%dma_wait3A_18 : memref<10112xi32, #tpu.memory_space<hbm>>) dst(%arg5 : memref<10112xi32, #tpu.memory_space<vmem>>)
      tpu.yield
    }) : () -> ()
    "tpu.region"() ({
      %run_scoped3A = tpu.sem_alloc : memref<!tpu.dma_semaphore, #tpu.memory_space<semaphore_mem>>
      tpu.enqueue_dma source(%arg3 : memref<10112xf32, #tpu.memory_space<hbm>>) target(%arg6 : memref<10112xf32, #tpu.memory_space<vmem>>) target_semaphore(%run_scoped3A : memref<!tpu.dma_semaphore, #tpu.memory_space<semaphore_mem>>)
      tpu.wait_dma2 semaphore(%run_scoped3A : memref<!tpu.dma_semaphore, #tpu.memory_space<semaphore_mem>>) src(%arg3 : memref<10112xf32, #tpu.memory_space<hbm>>) dst(%arg6 : memref<10112xf32, #tpu.memory_space<vmem>>)
      tpu.yield
    }) : () -> ()
    %scan3A = arith.constant 0 : i32
    %scan3A_3 = arith.constant 0 : i32
    %scan3A_4 = arith.constant 40 : i32
    %scan3A_5 = arith.addi %scan3A_3, %scan3A_4 : i32
    %scan3A_6 = arith.constant 1 : i32
    scf.for %scan3A_9 = %scan3A_3 to %scan3A_5 step %scan3A_6  : i32 {
      %broadcast_in_dim3A = arith.constant 0.000000e+00 : f32
      %broadcast_in_dim3A_10 = vector.broadcast %broadcast_in_dim3A : f32 to vector<16xf32>
      %mul3A_11 = arith.constant 16 : i32
      %mul3A_12 = arith.muli %scan3A_9, %mul3A_11 : i32
      %swap3A = arith.index_cast %mul3A_12 : i32 to index
      %swap3A_13 = tpu.vector_load %arg7[%swap3A] {strides = array<i32>} : memref<640xf32, #tpu.memory_space<vmem>>, vector<16xf32>,
      %swap3A_14 = vector.shape_cast %swap3A_13 : vector<16xf32> to vector<16xf32>
      %swap3A_15 = vector.shape_cast %broadcast_in_dim3A_10 : vector<16xf32> to vector<16xf32>
      tpu.vector_store %arg7[%swap3A], %swap3A_15 {strides = array<i32>} : memref<640xf32, #tpu.memory_space<vmem>>, vector<16xf32>,
    }
    %scan3A_7 = arith.constant 40 : i32
    "tpu.region"() ({
      %run_scoped3A = tpu.sem_alloc : memref<!tpu.dma_semaphore, #tpu.memory_space<semaphore_mem>>
      %dma_start3A = tpu.memref_slice %arg8[%mul3A_2] : memref<10240xf32, #tpu.memory_space<vmem_shared>> -> memref<640xf32, #tpu.memory_space<vmem_shared>>
      %dma_start3A_9 = tpu.memref_slice %arg8[%mul3A_2] : memref<10240xf32, #tpu.memory_space<vmem_shared>> -> memref<640xf32, #tpu.memory_space<vmem_shared>>
      tpu.enqueue_dma source(%arg7 : memref<640xf32, #tpu.memory_space<vmem>>) target(%dma_start3A_9 : memref<640xf32, #tpu.memory_space<vmem_shared>>) target_semaphore(%run_scoped3A : memref<!tpu.dma_semaphore, #tpu.memory_space<semaphore_mem>>)
      %dma_wait3A = tpu.memref_slice %arg8[%mul3A_2] : memref<10240xf32, #tpu.memory_space<vmem_shared>> -> memref<640xf32, #tpu.memory_space<vmem_shared>>
      %dma_wait3A_10 = tpu.memref_slice %arg8[%mul3A_2] : memref<10240xf32, #tpu.memory_space<vmem_shared>> -> memref<640xf32, #tpu.memory_space<vmem_shared>>
      tpu.wait_dma2 semaphore(%run_scoped3A : memref<!tpu.dma_semaphore, #tpu.memory_space<semaphore_mem>>) src(%arg7 : memref<640xf32, #tpu.memory_space<vmem>>) dst(%dma_wait3A_10 : memref<640xf32, #tpu.memory_space<vmem_shared>>)
      tpu.yield
    }) : () -> ()
    %barrier3A = arith.constant 0 : index
    tpu.barrier barrier_id(%barrier3A)
    "tpu.region"() ({
      %run_scoped3A = tpu.sem_alloc : memref<!tpu.dma_semaphore, #tpu.memory_space<semaphore_mem>>
      %dma_start3A = arith.constant 0 : i32
      %dma_start3A_9 = tpu.memref_slice %arg8[%dma_start3A] : memref<10240xf32, #tpu.memory_space<vmem_shared>> -> memref<10240xf32, #tpu.memory_space<vmem_shared>>
      tpu.enqueue_indirect_dma source(%arg6 : memref<10112xf32, #tpu.memory_space<vmem>>) target(%dma_start3A_9 : memref<10240xf32, #tpu.memory_space<vmem_shared>>) offsets(%arg5 : memref<10112xi32, #tpu.memory_space<vmem>>) semaphore(%run_scoped3A : memref<!tpu.dma_semaphore, #tpu.memory_space<semaphore_mem>>) {add = true}
      %dma_wait3A = arith.constant 0 : i32
      %dma_wait3A_10 = tpu.memref_slice %arg8[%dma_wait3A] : memref<10240xf32, #tpu.memory_space<vmem_shared>> -> memref<10240xf32, #tpu.memory_space<vmem_shared>>
      tpu.wait_indirect_dma semaphore(%run_scoped3A : memref<!tpu.dma_semaphore, #tpu.memory_space<semaphore_mem>>) src(%arg6 : memref<10112xf32, #tpu.memory_space<vmem>>) dst(%dma_wait3A_10 : memref<10240xf32, #tpu.memory_space<vmem_shared>>)
      tpu.yield
    }) : () -> ()
    %barrier3A_8 = arith.constant 0 : index
    tpu.barrier barrier_id(%barrier3A_8)
    "tpu.region"() ({
      %run_scoped3A = tpu.sem_alloc : memref<!tpu.dma_semaphore, #tpu.memory_space<semaphore_mem>>
      %dma_start3A = tpu.memref_slice %arg4[%arg0, %mul3A_2] : memref<2x10240xf32, #tpu.memory_space<hbm>> -> memref<1x640xf32, #tpu.memory_space<hbm>>
      %dma_start3A_9 = tpu.memref_squeeze %dma_start3A : memref<1x640xf32, #tpu.memory_space<hbm>> -> memref<640xf32, #tpu.memory_space<hbm>>
      %dma_start3A_10 = tpu.memref_slice %arg8[%mul3A_2] : memref<10240xf32, #tpu.memory_space<vmem_shared>> -> memref<640xf32, #tpu.memory_space<vmem_shared>>
      tpu.enqueue_dma source(%dma_start3A_10 : memref<640xf32, #tpu.memory_space<vmem_shared>>) target(%dma_start3A_9 : memref<640xf32, #tpu.memory_space<hbm>>) target_semaphore(%run_scoped3A : memref<!tpu.dma_semaphore, #tpu.memory_space<semaphore_mem>>)
      %dma_wait3A = tpu.memref_slice %arg4[%arg0, %mul3A_2] : memref<2x10240xf32, #tpu.memory_space<hbm>> -> memref<1x640xf32, #tpu.memory_space<hbm>>
      %dma_wait3A_11 = tpu.memref_squeeze %dma_wait3A : memref<1x640xf32, #tpu.memory_space<hbm>> -> memref<640xf32, #tpu.memory_space<hbm>>
      %dma_wait3A_12 = tpu.memref_slice %arg8[%mul3A_2] : memref<10240xf32, #tpu.memory_space<vmem_shared>> -> memref<640xf32, #tpu.memory_space<vmem_shared>>
      tpu.wait_dma2 semaphore(%run_scoped3A : memref<!tpu.dma_semaphore, #tpu.memory_space<semaphore_mem>>) src(%dma_wait3A_12 : memref<640xf32, #tpu.memory_space<vmem_shared>>) dst(%dma_wait3A_11 : memref<640xf32, #tpu.memory_space<hbm>>)
      tpu.yield
    }) : () -> ()
    return
  }
}

#map = affine_map<(d0, d1) -> (0)>
module attributes {stable_mosaic.version = 14 : i64} {
  func.func @sc_scatter(%arg0: i32, %arg1: i32, %arg2: memref<327680xf32, #tpu.memory_space<hbm>>, %arg3: memref<323584xi32, #tpu.memory_space<hbm>>, %arg4: memref<323584xi32, #tpu.memory_space<hbm>>, %arg5: memref<655360xf32, #tpu.memory_space<hbm>>, %arg6: memref<1310720xf32, #tpu.memory_space<hbm>>, %arg7: memref<10112xi32, #tpu.memory_space<vmem>>, %arg8: memref<10112xi32, #tpu.memory_space<vmem>>, %arg9: memref<10112xf32, #tpu.memory_space<vmem>>, %arg10: memref<10112xf32, #tpu.memory_space<vmem>>, %arg11: memref<10112xf32, #tpu.memory_space<vmem>>, %arg12: memref<10112xf32, #tpu.memory_space<vmem>>, %arg13: memref<40960xf32, #tpu.memory_space<vmem>>, %arg14: memref<327680xf32, #tpu.memory_space<vmem_shared>>, %arg15: memref<!tpu.dma_semaphore, #tpu.memory_space<semaphore_mem>>, %arg16: memref<!tpu.dma_semaphore, #tpu.memory_space<semaphore_mem>>, %arg17: memref<!tpu.dma_semaphore, #tpu.memory_space<semaphore_mem>>, %arg18: memref<!tpu.dma_semaphore, #tpu.memory_space<semaphore_mem>>) attributes {dimension_semantics = [#tpu.dimension_semantics<core_parallel>, #tpu.dimension_semantics<subcore_parallel>], iteration_bounds = array<i64: 2, 16>, scalar_prefetch = 0 : i64, scratch_operands = 12 : i64, tpu.core_type = #tpu.core_type<sc_vector_subcore>, window_params = [{transform_indices = #map}, {transform_indices = #map}, {transform_indices = #map}, {transform_indices = #map}, {transform_indices = #map}]} {
    %jit3A = arith.constant 8 : i32
    %eq3A = arith.constant 0 : i32
    %eq3A_0 = arith.cmpi eq, %jit3A, %eq3A : i32
    %jit3A_1 = arith.constant 1 : i32
    %select_n3A = arith.select %eq3A_0, %jit3A_1, %jit3A : i32
    %rem3A = arith.remsi %arg1, %select_n3A : i32
    %ne3A = arith.constant 0 : i32
    %ne3A_2 = arith.cmpi ne, %rem3A, %ne3A : i32
    %lt3A = arith.constant 0 : i32
    %lt3A_3 = arith.cmpi slt, %rem3A, %lt3A : i32
    %lt3A_4 = arith.constant 0 : i32
    %lt3A_5 = arith.cmpi slt, %select_n3A, %lt3A_4 : i32
    %ne3A_6 = arith.xori %lt3A_3, %lt3A_5 : i1
    %and3A = arith.andi %ne3A_6, %ne3A_2 : i1
    %add3A = arith.addi %rem3A, %select_n3A : i32
    %select_n3A_7 = arith.select %and3A, %add3A, %rem3A : i32
    %jit3A_8 = arith.constant 8 : i32
    %div3A = arith.divsi %arg1, %jit3A_8 : i32
    %sign3A = arith.constant 0 : i32
    %sign3A_9 = arith.cmpi sgt, %arg1, %sign3A : i32
    %sign3A_10 = arith.extui %sign3A_9 : i1 to i32
    %sign3A_11 = arith.constant 0 : i32
    %sign3A_12 = arith.cmpi slt, %arg1, %sign3A_11 : i32
    %sign3A_13 = arith.extui %sign3A_12 : i1 to i32
    %sign3A_14 = arith.subi %sign3A_10, %sign3A_13 : i32
    %sign3A_15 = arith.constant 0 : i32
    %sign3A_16 = arith.cmpi sgt, %jit3A_8, %sign3A_15 : i32
    %sign3A_17 = arith.extui %sign3A_16 : i1 to i32
    %sign3A_18 = arith.constant 0 : i32
    %sign3A_19 = arith.cmpi slt, %jit3A_8, %sign3A_18 : i32
    %sign3A_20 = arith.extui %sign3A_19 : i1 to i32
    %sign3A_21 = arith.subi %sign3A_17, %sign3A_20 : i32
    %ne3A_22 = arith.cmpi ne, %sign3A_14, %sign3A_21 : i32
    %rem3A_23 = arith.remsi %arg1, %jit3A_8 : i32
    %ne3A_24 = arith.constant 0 : i32
    %ne3A_25 = arith.cmpi ne, %rem3A_23, %ne3A_24 : i32
    %and3A_26 = arith.andi %ne3A_22, %ne3A_25 : i1
    %sub3A = arith.constant 1 : i32
    %sub3A_27 = arith.subi %div3A, %sub3A : i32
    %select_n3A_28 = arith.select %and3A_26, %sub3A_27, %div3A : i32
    %mul3A = arith.constant 2 : i32
    %mul3A_29 = arith.muli %arg0, %mul3A : i32
    %add3A_30 = arith.addi %mul3A_29, %select_n3A_28 : i32
    %mul3A_31 = arith.constant 20480 : i32
    %mul3A_32 = arith.muli %arg1, %mul3A_31 : i32
    "tpu.region"() ({
      %run_scoped3A = tpu.sem_alloc : memref<!tpu.dma_semaphore, #tpu.memory_space<semaphore_mem>>
      %dma_start3A = tpu.memref_slice %arg14[%mul3A_32] : memref<327680xf32, #tpu.memory_space<vmem_shared>> -> memref<20480xf32, #tpu.memory_space<vmem_shared>>
      %dma_start3A_103 = tpu.memref_slice %arg2[%mul3A_32] : memref<327680xf32, #tpu.memory_space<hbm>> -> memref<20480xf32, #tpu.memory_space<hbm>>
      tpu.enqueue_dma source(%dma_start3A_103 : memref<20480xf32, #tpu.memory_space<hbm>>) target(%dma_start3A : memref<20480xf32, #tpu.memory_space<vmem_shared>>) target_semaphore(%run_scoped3A : memref<!tpu.dma_semaphore, #tpu.memory_space<semaphore_mem>>)
      %dma_wait3A = tpu.memref_slice %arg14[%mul3A_32] : memref<327680xf32, #tpu.memory_space<vmem_shared>> -> memref<20480xf32, #tpu.memory_space<vmem_shared>>
      %dma_wait3A_104 = tpu.memref_slice %arg2[%mul3A_32] : memref<327680xf32, #tpu.memory_space<hbm>> -> memref<20480xf32, #tpu.memory_space<hbm>>
      tpu.wait_dma2 semaphore(%run_scoped3A : memref<!tpu.dma_semaphore, #tpu.memory_space<semaphore_mem>>) src(%dma_wait3A_104 : memref<20480xf32, #tpu.memory_space<hbm>>) dst(%dma_wait3A : memref<20480xf32, #tpu.memory_space<vmem_shared>>)
      tpu.yield
    }) : () -> ()
    %eq3A_33 = arith.constant 1 : i32
    %eq3A_34 = arith.cmpi eq, %select_n3A_28, %eq3A_33 : i32
    %convert_element_type3A = arith.extui %eq3A_34 : i1 to i32
    %cond3A = arith.constant 0 : i32
    %cond3A_35 = arith.cmpi ne, %convert_element_type3A, %cond3A : i32
    scf.if %cond3A_35 {
      %scan3A_103 = arith.constant 0 : i32
      %scan3A_104 = arith.constant 0 : i32
      %scan3A_105 = arith.constant 2560 : i32
      %scan3A_106 = arith.addi %scan3A_104, %scan3A_105 : i32
      %scan3A_107 = arith.constant 1 : i32
      scf.for %scan3A_109 = %scan3A_104 to %scan3A_106 step %scan3A_107  : i32 {
        %broadcast_in_dim3A = arith.constant 0.000000e+00 : f32
        %broadcast_in_dim3A_110 = vector.broadcast %broadcast_in_dim3A : f32 to vector<16xf32>
        %mul3A_111 = arith.constant 16 : i32
        %mul3A_112 = arith.muli %scan3A_109, %mul3A_111 : i32
        %multiple_of3A_113 = tpu.assume_multiple %mul3A_112, 16 : i32
        %swap3A = arith.index_cast %multiple_of3A_113 : i32 to index
        %swap3A_114 = tpu.vector_load %arg13[%swap3A] {strides = array<i32>} : memref<40960xf32, #tpu.memory_space<vmem>>, vector<16xf32>,
        tpu.vector_store %arg13[%swap3A], %broadcast_in_dim3A_110 {strides = array<i32>} : memref<40960xf32, #tpu.memory_space<vmem>>, vector<16xf32>,
      }
      %scan3A_108 = arith.constant 2560 : i32
    } else {
    }
    %barrier3A = arith.constant 0 : index
    tpu.barrier barrier_id(%barrier3A)
    %eq3A_36 = arith.constant 0 : i32
    %eq3A_37 = arith.cmpi eq, %select_n3A_28, %eq3A_36 : i32
    %convert_element_type3A_38 = arith.extui %eq3A_37 : i1 to i32
    %cond3A_39 = arith.constant 0 : i32
    %cond3A_40 = arith.cmpi ne, %convert_element_type3A_38, %cond3A_39 : i32
    scf.if %cond3A_40 {
      %mul3A_103 = arith.constant 40960 : i32
      %mul3A_104 = arith.muli %select_n3A_7, %mul3A_103 : i32
      "tpu.region"() ({
        %run_scoped3A = tpu.sem_alloc : memref<!tpu.dma_semaphore, #tpu.memory_space<semaphore_mem>>
        %dma_start3A = tpu.memref_slice %arg14[%mul3A_104] : memref<327680xf32, #tpu.memory_space<vmem_shared>> -> memref<40960xf32, #tpu.memory_space<vmem_shared>>
        %dma_start3A_105 = tpu.memref_slice %arg14[%mul3A_104] : memref<327680xf32, #tpu.memory_space<vmem_shared>> -> memref<40960xf32, #tpu.memory_space<vmem_shared>>
        tpu.enqueue_dma source(%dma_start3A_105 : memref<40960xf32, #tpu.memory_space<vmem_shared>>) target(%arg13 : memref<40960xf32, #tpu.memory_space<vmem>>) target_semaphore(%run_scoped3A : memref<!tpu.dma_semaphore, #tpu.memory_space<semaphore_mem>>)
        %dma_wait3A = tpu.memref_slice %arg14[%mul3A_104] : memref<327680xf32, #tpu.memory_space<vmem_shared>> -> memref<40960xf32, #tpu.memory_space<vmem_shared>>
        %dma_wait3A_106 = tpu.memref_slice %arg14[%mul3A_104] : memref<327680xf32, #tpu.memory_space<vmem_shared>> -> memref<40960xf32, #tpu.memory_space<vmem_shared>>
        tpu.wait_dma2 semaphore(%run_scoped3A : memref<!tpu.dma_semaphore, #tpu.memory_space<semaphore_mem>>) src(%dma_wait3A_106 : memref<40960xf32, #tpu.memory_space<vmem_shared>>) dst(%arg13 : memref<40960xf32, #tpu.memory_space<vmem>>)
        tpu.yield
      }) : () -> ()
    } else {
    }
    %scan3A = arith.constant 0 : i32
    %scan3A_41 = arith.constant 0 : i32
    %scan3A_42 = arith.constant 8 : i32
    %scan3A_43 = arith.addi %scan3A_41, %scan3A_42 : i32
    %scan3A_44 = arith.constant 1 : i32
    scf.for %scan3A_103 = %scan3A_41 to %scan3A_43 step %scan3A_44  : i32 {
      %mul3A_104 = arith.constant 80896 : i32
      %mul3A_105 = arith.muli %add3A_30, %mul3A_104 : i32
      %mul3A_106 = arith.constant 10112 : i32
      %mul3A_107 = arith.muli %scan3A_103, %mul3A_106 : i32
      %add3A_108 = arith.addi %mul3A_105, %mul3A_107 : i32
      %multiple_of3A_109 = tpu.assume_multiple %add3A_108, 128 : i32
      "tpu.region"() ({
        %run_scoped3A = tpu.sem_alloc : memref<!tpu.dma_semaphore, #tpu.memory_space<semaphore_mem>>
        %dma_start3A_180 = tpu.memref_slice %arg3[%multiple_of3A_109] : memref<323584xi32, #tpu.memory_space<hbm>> -> memref<10112xi32, #tpu.memory_space<hbm>>
        %dma_start3A_181 = tpu.memref_slice %arg3[%multiple_of3A_109] : memref<323584xi32, #tpu.memory_space<hbm>> -> memref<10112xi32, #tpu.memory_space<hbm>>
        tpu.enqueue_dma source(%dma_start3A_181 : memref<10112xi32, #tpu.memory_space<hbm>>) target(%arg7 : memref<10112xi32, #tpu.memory_space<vmem>>) target_semaphore(%run_scoped3A : memref<!tpu.dma_semaphore, #tpu.memory_space<semaphore_mem>>)
        %dma_wait3A_182 = tpu.memref_slice %arg3[%multiple_of3A_109] : memref<323584xi32, #tpu.memory_space<hbm>> -> memref<10112xi32, #tpu.memory_space<hbm>>
        %dma_wait3A_183 = tpu.memref_slice %arg3[%multiple_of3A_109] : memref<323584xi32, #tpu.memory_space<hbm>> -> memref<10112xi32, #tpu.memory_space<hbm>>
        tpu.wait_dma2 semaphore(%run_scoped3A : memref<!tpu.dma_semaphore, #tpu.memory_space<semaphore_mem>>) src(%dma_wait3A_183 : memref<10112xi32, #tpu.memory_space<hbm>>) dst(%arg7 : memref<10112xi32, #tpu.memory_space<vmem>>)
        tpu.yield
      }) : () -> ()
      "tpu.region"() ({
        %run_scoped3A = tpu.sem_alloc : memref<!tpu.dma_semaphore, #tpu.memory_space<semaphore_mem>>
        %dma_start3A_180 = tpu.memref_slice %arg4[%multiple_of3A_109] : memref<323584xi32, #tpu.memory_space<hbm>> -> memref<10112xi32, #tpu.memory_space<hbm>>
        %dma_start3A_181 = tpu.memref_slice %arg4[%multiple_of3A_109] : memref<323584xi32, #tpu.memory_space<hbm>> -> memref<10112xi32, #tpu.memory_space<hbm>>
        tpu.enqueue_dma source(%dma_start3A_181 : memref<10112xi32, #tpu.memory_space<hbm>>) target(%arg8 : memref<10112xi32, #tpu.memory_space<vmem>>) target_semaphore(%run_scoped3A : memref<!tpu.dma_semaphore, #tpu.memory_space<semaphore_mem>>)
        %dma_wait3A_182 = tpu.memref_slice %arg4[%multiple_of3A_109] : memref<323584xi32, #tpu.memory_space<hbm>> -> memref<10112xi32, #tpu.memory_space<hbm>>
        %dma_wait3A_183 = tpu.memref_slice %arg4[%multiple_of3A_109] : memref<323584xi32, #tpu.memory_space<hbm>> -> memref<10112xi32, #tpu.memory_space<hbm>>
        tpu.wait_dma2 semaphore(%run_scoped3A : memref<!tpu.dma_semaphore, #tpu.memory_space<semaphore_mem>>) src(%dma_wait3A_183 : memref<10112xi32, #tpu.memory_space<hbm>>) dst(%arg8 : memref<10112xi32, #tpu.memory_space<vmem>>)
        tpu.yield
      }) : () -> ()
      %mul3A_110 = arith.constant 4 : i32
      %mul3A_111 = arith.muli %select_n3A_7, %mul3A_110 : i32
      %add3A_112 = arith.constant 0 : i32
      %add3A_113 = arith.addi %mul3A_111, %add3A_112 : i32
      %mul3A_114 = arith.constant 10240 : i32
      %mul3A_115 = arith.muli %add3A_113, %mul3A_114 : i32
      %dma_start3A = tpu.memref_slice %arg14[%mul3A_115] : memref<327680xf32, #tpu.memory_space<vmem_shared>> -> memref<10240xf32, #tpu.memory_space<vmem_shared>>
      %dma_start3A_116 = arith.constant 0 : i32
      %dma_start3A_117 = tpu.memref_slice %dma_start3A[%dma_start3A_116] : memref<10240xf32, #tpu.memory_space<vmem_shared>> -> memref<10240xf32, #tpu.memory_space<vmem_shared>>
      tpu.enqueue_indirect_dma source(%dma_start3A_117 : memref<10240xf32, #tpu.memory_space<vmem_shared>>) target(%arg9 : memref<10112xf32, #tpu.memory_space<vmem>>) offsets(%arg7 : memref<10112xi32, #tpu.memory_space<vmem>>) semaphore(%arg15 : memref<!tpu.dma_semaphore, #tpu.memory_space<semaphore_mem>>)
      %mul3A_118 = arith.constant 4 : i32
      %mul3A_119 = arith.muli %select_n3A_7, %mul3A_118 : i32
      %add3A_120 = arith.constant 1 : i32
      %add3A_121 = arith.addi %mul3A_119, %add3A_120 : i32
      %mul3A_122 = arith.constant 10240 : i32
      %mul3A_123 = arith.muli %add3A_121, %mul3A_122 : i32
      %dma_start3A_124 = tpu.memref_slice %arg14[%mul3A_123] : memref<327680xf32, #tpu.memory_space<vmem_shared>> -> memref<10240xf32, #tpu.memory_space<vmem_shared>>
      %dma_start3A_125 = arith.constant 0 : i32
      %dma_start3A_126 = tpu.memref_slice %dma_start3A_124[%dma_start3A_125] : memref<10240xf32, #tpu.memory_space<vmem_shared>> -> memref<10240xf32, #tpu.memory_space<vmem_shared>>
      tpu.enqueue_indirect_dma source(%dma_start3A_126 : memref<10240xf32, #tpu.memory_space<vmem_shared>>) target(%arg10 : memref<10112xf32, #tpu.memory_space<vmem>>) offsets(%arg7 : memref<10112xi32, #tpu.memory_space<vmem>>) semaphore(%arg16 : memref<!tpu.dma_semaphore, #tpu.memory_space<semaphore_mem>>)
      %mul3A_127 = arith.constant 4 : i32
      %mul3A_128 = arith.muli %select_n3A_7, %mul3A_127 : i32
      %add3A_129 = arith.constant 2 : i32
      %add3A_130 = arith.addi %mul3A_128, %add3A_129 : i32
      %mul3A_131 = arith.constant 10240 : i32
      %mul3A_132 = arith.muli %add3A_130, %mul3A_131 : i32
      %dma_start3A_133 = tpu.memref_slice %arg14[%mul3A_132] : memref<327680xf32, #tpu.memory_space<vmem_shared>> -> memref<10240xf32, #tpu.memory_space<vmem_shared>>
      %dma_start3A_134 = arith.constant 0 : i32
      %dma_start3A_135 = tpu.memref_slice %dma_start3A_133[%dma_start3A_134] : memref<10240xf32, #tpu.memory_space<vmem_shared>> -> memref<10240xf32, #tpu.memory_space<vmem_shared>>
      tpu.enqueue_indirect_dma source(%dma_start3A_135 : memref<10240xf32, #tpu.memory_space<vmem_shared>>) target(%arg11 : memref<10112xf32, #tpu.memory_space<vmem>>) offsets(%arg7 : memref<10112xi32, #tpu.memory_space<vmem>>) semaphore(%arg17 : memref<!tpu.dma_semaphore, #tpu.memory_space<semaphore_mem>>)
      %mul3A_136 = arith.constant 4 : i32
      %mul3A_137 = arith.muli %select_n3A_7, %mul3A_136 : i32
      %add3A_138 = arith.constant 3 : i32
      %add3A_139 = arith.addi %mul3A_137, %add3A_138 : i32
      %mul3A_140 = arith.constant 10240 : i32
      %mul3A_141 = arith.muli %add3A_139, %mul3A_140 : i32
      %dma_start3A_142 = tpu.memref_slice %arg14[%mul3A_141] : memref<327680xf32, #tpu.memory_space<vmem_shared>> -> memref<10240xf32, #tpu.memory_space<vmem_shared>>
      %dma_start3A_143 = arith.constant 0 : i32
      %dma_start3A_144 = tpu.memref_slice %dma_start3A_142[%dma_start3A_143] : memref<10240xf32, #tpu.memory_space<vmem_shared>> -> memref<10240xf32, #tpu.memory_space<vmem_shared>>
      tpu.enqueue_indirect_dma source(%dma_start3A_144 : memref<10240xf32, #tpu.memory_space<vmem_shared>>) target(%arg12 : memref<10112xf32, #tpu.memory_space<vmem>>) offsets(%arg7 : memref<10112xi32, #tpu.memory_space<vmem>>) semaphore(%arg18 : memref<!tpu.dma_semaphore, #tpu.memory_space<semaphore_mem>>)
      %dma_wait3A = tpu.memref_slice %arg14[%mul3A_115] : memref<327680xf32, #tpu.memory_space<vmem_shared>> -> memref<10240xf32, #tpu.memory_space<vmem_shared>>
      %dma_wait3A_145 = arith.constant 0 : i32
      %dma_wait3A_146 = tpu.memref_slice %dma_wait3A[%dma_wait3A_145] : memref<10240xf32, #tpu.memory_space<vmem_shared>> -> memref<10240xf32, #tpu.memory_space<vmem_shared>>
      tpu.wait_indirect_dma semaphore(%arg15 : memref<!tpu.dma_semaphore, #tpu.memory_space<semaphore_mem>>) src(%dma_wait3A_146 : memref<10240xf32, #tpu.memory_space<vmem_shared>>) dst(%arg9 : memref<10112xf32, #tpu.memory_space<vmem>>)
      %scan3A_147 = arith.constant 0 : i32
      %scan3A_148 = arith.constant 0 : i32
      %scan3A_149 = arith.constant 632 : i32
      %scan3A_150 = arith.addi %scan3A_148, %scan3A_149 : i32
      %scan3A_151 = arith.constant 8 : i32
      scf.for %scan3A_180 = %scan3A_148 to %scan3A_150 step %scan3A_151  : i32 {
        %mul3A_181 = arith.constant 16 : i32
        %mul3A_182 = arith.muli %scan3A_180, %mul3A_181 : i32
        %multiple_of3A_183 = tpu.assume_multiple %mul3A_182, 16 : i32
        %get3A = arith.index_cast %multiple_of3A_183 : i32 to index
        %get3A_184 = tpu.vector_load %arg8[%get3A] {strides = array<i32>} : memref<10112xi32, #tpu.memory_space<vmem>>, vector<16xi32>,
        %add3A_185 = arith.constant 0 : i32
        %add3A_186 = vector.broadcast %add3A_185 : i32 to vector<16xi32>
        %add3A_187 = arith.addi %get3A_184, %add3A_186 : vector<16xi32>
        %get3A_188 = arith.index_cast %multiple_of3A_183 : i32 to index
        %get3A_189 = tpu.vector_load %arg9[%get3A_188] {strides = array<i32>} : memref<10112xf32, #tpu.memory_space<vmem>>, vector<16xf32>,
        tpu.vector_store_idx %arg13[%add3A_187], %get3A_189 {add = true} : memref<40960xf32, #tpu.memory_space<vmem>>[vector<16xi32>], vector<16xf32>,
        %scan3A_190 = arith.constant 1 : i32
        %scan3A_191 = arith.addi %scan3A_180, %scan3A_190 : i32
        %mul3A_192 = arith.constant 16 : i32
        %mul3A_193 = arith.muli %scan3A_191, %mul3A_192 : i32
        %multiple_of3A_194 = tpu.assume_multiple %mul3A_193, 16 : i32
        %get3A_195 = arith.index_cast %multiple_of3A_194 : i32 to index
        %get3A_196 = tpu.vector_load %arg8[%get3A_195] {strides = array<i32>} : memref<10112xi32, #tpu.memory_space<vmem>>, vector<16xi32>,
        %add3A_197 = arith.constant 0 : i32
        %add3A_198 = vector.broadcast %add3A_197 : i32 to vector<16xi32>
        %add3A_199 = arith.addi %get3A_196, %add3A_198 : vector<16xi32>
        %get3A_200 = arith.index_cast %multiple_of3A_194 : i32 to index
        %get3A_201 = tpu.vector_load %arg9[%get3A_200] {strides = array<i32>} : memref<10112xf32, #tpu.memory_space<vmem>>, vector<16xf32>,
        tpu.vector_store_idx %arg13[%add3A_199], %get3A_201 {add = true} : memref<40960xf32, #tpu.memory_space<vmem>>[vector<16xi32>], vector<16xf32>,
        %scan3A_202 = arith.constant 2 : i32
        %scan3A_203 = arith.addi %scan3A_180, %scan3A_202 : i32
        %mul3A_204 = arith.constant 16 : i32
        %mul3A_205 = arith.muli %scan3A_203, %mul3A_204 : i32
        %multiple_of3A_206 = tpu.assume_multiple %mul3A_205, 16 : i32
        %get3A_207 = arith.index_cast %multiple_of3A_206 : i32 to index
        %get3A_208 = tpu.vector_load %arg8[%get3A_207] {strides = array<i32>} : memref<10112xi32, #tpu.memory_space<vmem>>, vector<16xi32>,
        %add3A_209 = arith.constant 0 : i32
        %add3A_210 = vector.broadcast %add3A_209 : i32 to vector<16xi32>
        %add3A_211 = arith.addi %get3A_208, %add3A_210 : vector<16xi32>
        %get3A_212 = arith.index_cast %multiple_of3A_206 : i32 to index
        %get3A_213 = tpu.vector_load %arg9[%get3A_212] {strides = array<i32>} : memref<10112xf32, #tpu.memory_space<vmem>>, vector<16xf32>,
        tpu.vector_store_idx %arg13[%add3A_211], %get3A_213 {add = true} : memref<40960xf32, #tpu.memory_space<vmem>>[vector<16xi32>], vector<16xf32>,
        %scan3A_214 = arith.constant 3 : i32
        %scan3A_215 = arith.addi %scan3A_180, %scan3A_214 : i32
        %mul3A_216 = arith.constant 16 : i32
        %mul3A_217 = arith.muli %scan3A_215, %mul3A_216 : i32
        %multiple_of3A_218 = tpu.assume_multiple %mul3A_217, 16 : i32
        %get3A_219 = arith.index_cast %multiple_of3A_218 : i32 to index
        %get3A_220 = tpu.vector_load %arg8[%get3A_219] {strides = array<i32>} : memref<10112xi32, #tpu.memory_space<vmem>>, vector<16xi32>,
        %add3A_221 = arith.constant 0 : i32
        %add3A_222 = vector.broadcast %add3A_221 : i32 to vector<16xi32>
        %add3A_223 = arith.addi %get3A_220, %add3A_222 : vector<16xi32>
        %get3A_224 = arith.index_cast %multiple_of3A_218 : i32 to index
        %get3A_225 = tpu.vector_load %arg9[%get3A_224] {strides = array<i32>} : memref<10112xf32, #tpu.memory_space<vmem>>, vector<16xf32>,
        tpu.vector_store_idx %arg13[%add3A_223], %get3A_225 {add = true} : memref<40960xf32, #tpu.memory_space<vmem>>[vector<16xi32>], vector<16xf32>,
        %scan3A_226 = arith.constant 4 : i32
        %scan3A_227 = arith.addi %scan3A_180, %scan3A_226 : i32
        %mul3A_228 = arith.constant 16 : i32
        %mul3A_229 = arith.muli %scan3A_227, %mul3A_228 : i32
        %multiple_of3A_230 = tpu.assume_multiple %mul3A_229, 16 : i32
        %get3A_231 = arith.index_cast %multiple_of3A_230 : i32 to index
        %get3A_232 = tpu.vector_load %arg8[%get3A_231] {strides = array<i32>} : memref<10112xi32, #tpu.memory_space<vmem>>, vector<16xi32>,
        %add3A_233 = arith.constant 0 : i32
        %add3A_234 = vector.broadcast %add3A_233 : i32 to vector<16xi32>
        %add3A_235 = arith.addi %get3A_232, %add3A_234 : vector<16xi32>
        %get3A_236 = arith.index_cast %multiple_of3A_230 : i32 to index
        %get3A_237 = tpu.vector_load %arg9[%get3A_236] {strides = array<i32>} : memref<10112xf32, #tpu.memory_space<vmem>>, vector<16xf32>,
        tpu.vector_store_idx %arg13[%add3A_235], %get3A_237 {add = true} : memref<40960xf32, #tpu.memory_space<vmem>>[vector<16xi32>], vector<16xf32>,
        %scan3A_238 = arith.constant 5 : i32
        %scan3A_239 = arith.addi %scan3A_180, %scan3A_238 : i32
        %mul3A_240 = arith.constant 16 : i32
        %mul3A_241 = arith.muli %scan3A_239, %mul3A_240 : i32
        %multiple_of3A_242 = tpu.assume_multiple %mul3A_241, 16 : i32
        %get3A_243 = arith.index_cast %multiple_of3A_242 : i32 to index
        %get3A_244 = tpu.vector_load %arg8[%get3A_243] {strides = array<i32>} : memref<10112xi32, #tpu.memory_space<vmem>>, vector<16xi32>,
        %add3A_245 = arith.constant 0 : i32
        %add3A_246 = vector.broadcast %add3A_245 : i32 to vector<16xi32>
        %add3A_247 = arith.addi %get3A_244, %add3A_246 : vector<16xi32>
        %get3A_248 = arith.index_cast %multiple_of3A_242 : i32 to index
        %get3A_249 = tpu.vector_load %arg9[%get3A_248] {strides = array<i32>} : memref<10112xf32, #tpu.memory_space<vmem>>, vector<16xf32>,
        tpu.vector_store_idx %arg13[%add3A_247], %get3A_249 {add = true} : memref<40960xf32, #tpu.memory_space<vmem>>[vector<16xi32>], vector<16xf32>,
        %scan3A_250 = arith.constant 6 : i32
        %scan3A_251 = arith.addi %scan3A_180, %scan3A_250 : i32
        %mul3A_252 = arith.constant 16 : i32
        %mul3A_253 = arith.muli %scan3A_251, %mul3A_252 : i32
        %multiple_of3A_254 = tpu.assume_multiple %mul3A_253, 16 : i32
        %get3A_255 = arith.index_cast %multiple_of3A_254 : i32 to index
        %get3A_256 = tpu.vector_load %arg8[%get3A_255] {strides = array<i32>} : memref<10112xi32, #tpu.memory_space<vmem>>, vector<16xi32>,
        %add3A_257 = arith.constant 0 : i32
        %add3A_258 = vector.broadcast %add3A_257 : i32 to vector<16xi32>
        %add3A_259 = arith.addi %get3A_256, %add3A_258 : vector<16xi32>
        %get3A_260 = arith.index_cast %multiple_of3A_254 : i32 to index
        %get3A_261 = tpu.vector_load %arg9[%get3A_260] {strides = array<i32>} : memref<10112xf32, #tpu.memory_space<vmem>>, vector<16xf32>,
        tpu.vector_store_idx %arg13[%add3A_259], %get3A_261 {add = true} : memref<40960xf32, #tpu.memory_space<vmem>>[vector<16xi32>], vector<16xf32>,
        %scan3A_262 = arith.constant 7 : i32
        %scan3A_263 = arith.addi %scan3A_180, %scan3A_262 : i32
        %mul3A_264 = arith.constant 16 : i32
        %mul3A_265 = arith.muli %scan3A_263, %mul3A_264 : i32
        %multiple_of3A_266 = tpu.assume_multiple %mul3A_265, 16 : i32
        %get3A_267 = arith.index_cast %multiple_of3A_266 : i32 to index
        %get3A_268 = tpu.vector_load %arg8[%get3A_267] {strides = array<i32>} : memref<10112xi32, #tpu.memory_space<vmem>>, vector<16xi32>,
        %add3A_269 = arith.constant 0 : i32
        %add3A_270 = vector.broadcast %add3A_269 : i32 to vector<16xi32>
        %add3A_271 = arith.addi %get3A_268, %add3A_270 : vector<16xi32>
        %get3A_272 = arith.index_cast %multiple_of3A_266 : i32 to index
        %get3A_273 = tpu.vector_load %arg9[%get3A_272] {strides = array<i32>} : memref<10112xf32, #tpu.memory_space<vmem>>, vector<16xf32>,
        tpu.vector_store_idx %arg13[%add3A_271], %get3A_273 {add = true} : memref<40960xf32, #tpu.memory_space<vmem>>[vector<16xi32>], vector<16xf32>,
      }
      %scan3A_152 = arith.constant 632 : i32
      %dma_wait3A_153 = tpu.memref_slice %arg14[%mul3A_123] : memref<327680xf32, #tpu.memory_space<vmem_shared>> -> memref<10240xf32, #tpu.memory_space<vmem_shared>>
      %dma_wait3A_154 = arith.constant 0 : i32
      %dma_wait3A_155 = tpu.memref_slice %dma_wait3A_153[%dma_wait3A_154] : memref<10240xf32, #tpu.memory_space<vmem_shared>> -> memref<10240xf32, #tpu.memory_space<vmem_shared>>
      tpu.wait_indirect_dma semaphore(%arg16 : memref<!tpu.dma_semaphore, #tpu.memory_space<semaphore_mem>>) src(%dma_wait3A_155 : memref<10240xf32, #tpu.memory_space<vmem_shared>>) dst(%arg10 : memref<10112xf32, #tpu.memory_space<vmem>>)
      %scan3A_156 = arith.constant 0 : i32
      %scan3A_157 = arith.constant 0 : i32
      %scan3A_158 = arith.constant 632 : i32
      %scan3A_159 = arith.addi %scan3A_157, %scan3A_158 : i32
      %scan3A_160 = arith.constant 8 : i32
      scf.for %scan3A_180 = %scan3A_157 to %scan3A_159 step %scan3A_160  : i32 {
        %mul3A_181 = arith.constant 16 : i32
        %mul3A_182 = arith.muli %scan3A_180, %mul3A_181 : i32
        %multiple_of3A_183 = tpu.assume_multiple %mul3A_182, 16 : i32
        %get3A = arith.index_cast %multiple_of3A_183 : i32 to index
        %get3A_184 = tpu.vector_load %arg8[%get3A] {strides = array<i32>} : memref<10112xi32, #tpu.memory_space<vmem>>, vector<16xi32>,
        %add3A_185 = arith.constant 10240 : i32
        %add3A_186 = vector.broadcast %add3A_185 : i32 to vector<16xi32>
        %add3A_187 = arith.addi %get3A_184, %add3A_186 : vector<16xi32>
        %get3A_188 = arith.index_cast %multiple_of3A_183 : i32 to index
        %get3A_189 = tpu.vector_load %arg10[%get3A_188] {strides = array<i32>} : memref<10112xf32, #tpu.memory_space<vmem>>, vector<16xf32>,
        tpu.vector_store_idx %arg13[%add3A_187], %get3A_189 {add = true} : memref<40960xf32, #tpu.memory_space<vmem>>[vector<16xi32>], vector<16xf32>,
        %scan3A_190 = arith.constant 1 : i32
        %scan3A_191 = arith.addi %scan3A_180, %scan3A_190 : i32
        %mul3A_192 = arith.constant 16 : i32
        %mul3A_193 = arith.muli %scan3A_191, %mul3A_192 : i32
        %multiple_of3A_194 = tpu.assume_multiple %mul3A_193, 16 : i32
        %get3A_195 = arith.index_cast %multiple_of3A_194 : i32 to index
        %get3A_196 = tpu.vector_load %arg8[%get3A_195] {strides = array<i32>} : memref<10112xi32, #tpu.memory_space<vmem>>, vector<16xi32>,
        %add3A_197 = arith.constant 10240 : i32
        %add3A_198 = vector.broadcast %add3A_197 : i32 to vector<16xi32>
        %add3A_199 = arith.addi %get3A_196, %add3A_198 : vector<16xi32>
        %get3A_200 = arith.index_cast %multiple_of3A_194 : i32 to index
        %get3A_201 = tpu.vector_load %arg10[%get3A_200] {strides = array<i32>} : memref<10112xf32, #tpu.memory_space<vmem>>, vector<16xf32>,
        tpu.vector_store_idx %arg13[%add3A_199], %get3A_201 {add = true} : memref<40960xf32, #tpu.memory_space<vmem>>[vector<16xi32>], vector<16xf32>,
        %scan3A_202 = arith.constant 2 : i32
        %scan3A_203 = arith.addi %scan3A_180, %scan3A_202 : i32
        %mul3A_204 = arith.constant 16 : i32
        %mul3A_205 = arith.muli %scan3A_203, %mul3A_204 : i32
        %multiple_of3A_206 = tpu.assume_multiple %mul3A_205, 16 : i32
        %get3A_207 = arith.index_cast %multiple_of3A_206 : i32 to index
        %get3A_208 = tpu.vector_load %arg8[%get3A_207] {strides = array<i32>} : memref<10112xi32, #tpu.memory_space<vmem>>, vector<16xi32>,
        %add3A_209 = arith.constant 10240 : i32
        %add3A_210 = vector.broadcast %add3A_209 : i32 to vector<16xi32>
        %add3A_211 = arith.addi %get3A_208, %add3A_210 : vector<16xi32>
        %get3A_212 = arith.index_cast %multiple_of3A_206 : i32 to index
        %get3A_213 = tpu.vector_load %arg10[%get3A_212] {strides = array<i32>} : memref<10112xf32, #tpu.memory_space<vmem>>, vector<16xf32>,
        tpu.vector_store_idx %arg13[%add3A_211], %get3A_213 {add = true} : memref<40960xf32, #tpu.memory_space<vmem>>[vector<16xi32>], vector<16xf32>,
        %scan3A_214 = arith.constant 3 : i32
        %scan3A_215 = arith.addi %scan3A_180, %scan3A_214 : i32
        %mul3A_216 = arith.constant 16 : i32
        %mul3A_217 = arith.muli %scan3A_215, %mul3A_216 : i32
        %multiple_of3A_218 = tpu.assume_multiple %mul3A_217, 16 : i32
        %get3A_219 = arith.index_cast %multiple_of3A_218 : i32 to index
        %get3A_220 = tpu.vector_load %arg8[%get3A_219] {strides = array<i32>} : memref<10112xi32, #tpu.memory_space<vmem>>, vector<16xi32>,
        %add3A_221 = arith.constant 10240 : i32
        %add3A_222 = vector.broadcast %add3A_221 : i32 to vector<16xi32>
        %add3A_223 = arith.addi %get3A_220, %add3A_222 : vector<16xi32>
        %get3A_224 = arith.index_cast %multiple_of3A_218 : i32 to index
        %get3A_225 = tpu.vector_load %arg10[%get3A_224] {strides = array<i32>} : memref<10112xf32, #tpu.memory_space<vmem>>, vector<16xf32>,
        tpu.vector_store_idx %arg13[%add3A_223], %get3A_225 {add = true} : memref<40960xf32, #tpu.memory_space<vmem>>[vector<16xi32>], vector<16xf32>,
        %scan3A_226 = arith.constant 4 : i32
        %scan3A_227 = arith.addi %scan3A_180, %scan3A_226 : i32
        %mul3A_228 = arith.constant 16 : i32
        %mul3A_229 = arith.muli %scan3A_227, %mul3A_228 : i32
        %multiple_of3A_230 = tpu.assume_multiple %mul3A_229, 16 : i32
        %get3A_231 = arith.index_cast %multiple_of3A_230 : i32 to index
        %get3A_232 = tpu.vector_load %arg8[%get3A_231] {strides = array<i32>} : memref<10112xi32, #tpu.memory_space<vmem>>, vector<16xi32>,
        %add3A_233 = arith.constant 10240 : i32
        %add3A_234 = vector.broadcast %add3A_233 : i32 to vector<16xi32>
        %add3A_235 = arith.addi %get3A_232, %add3A_234 : vector<16xi32>
        %get3A_236 = arith.index_cast %multiple_of3A_230 : i32 to index
        %get3A_237 = tpu.vector_load %arg10[%get3A_236] {strides = array<i32>} : memref<10112xf32, #tpu.memory_space<vmem>>, vector<16xf32>,
        tpu.vector_store_idx %arg13[%add3A_235], %get3A_237 {add = true} : memref<40960xf32, #tpu.memory_space<vmem>>[vector<16xi32>], vector<16xf32>,
        %scan3A_238 = arith.constant 5 : i32
        %scan3A_239 = arith.addi %scan3A_180, %scan3A_238 : i32
        %mul3A_240 = arith.constant 16 : i32
        %mul3A_241 = arith.muli %scan3A_239, %mul3A_240 : i32
        %multiple_of3A_242 = tpu.assume_multiple %mul3A_241, 16 : i32
        %get3A_243 = arith.index_cast %multiple_of3A_242 : i32 to index
        %get3A_244 = tpu.vector_load %arg8[%get3A_243] {strides = array<i32>} : memref<10112xi32, #tpu.memory_space<vmem>>, vector<16xi32>,
        %add3A_245 = arith.constant 10240 : i32
        %add3A_246 = vector.broadcast %add3A_245 : i32 to vector<16xi32>
        %add3A_247 = arith.addi %get3A_244, %add3A_246 : vector<16xi32>
        %get3A_248 = arith.index_cast %multiple_of3A_242 : i32 to index
        %get3A_249 = tpu.vector_load %arg10[%get3A_248] {strides = array<i32>} : memref<10112xf32, #tpu.memory_space<vmem>>, vector<16xf32>,
        tpu.vector_store_idx %arg13[%add3A_247], %get3A_249 {add = true} : memref<40960xf32, #tpu.memory_space<vmem>>[vector<16xi32>], vector<16xf32>,
        %scan3A_250 = arith.constant 6 : i32
        %scan3A_251 = arith.addi %scan3A_180, %scan3A_250 : i32
        %mul3A_252 = arith.constant 16 : i32
        %mul3A_253 = arith.muli %scan3A_251, %mul3A_252 : i32
        %multiple_of3A_254 = tpu.assume_multiple %mul3A_253, 16 : i32
        %get3A_255 = arith.index_cast %multiple_of3A_254 : i32 to index
        %get3A_256 = tpu.vector_load %arg8[%get3A_255] {strides = array<i32>} : memref<10112xi32, #tpu.memory_space<vmem>>, vector<16xi32>,
        %add3A_257 = arith.constant 10240 : i32
        %add3A_258 = vector.broadcast %add3A_257 : i32 to vector<16xi32>
        %add3A_259 = arith.addi %get3A_256, %add3A_258 : vector<16xi32>
        %get3A_260 = arith.index_cast %multiple_of3A_254 : i32 to index
        %get3A_261 = tpu.vector_load %arg10[%get3A_260] {strides = array<i32>} : memref<10112xf32, #tpu.memory_space<vmem>>, vector<16xf32>,
        tpu.vector_store_idx %arg13[%add3A_259], %get3A_261 {add = true} : memref<40960xf32, #tpu.memory_space<vmem>>[vector<16xi32>], vector<16xf32>,
        %scan3A_262 = arith.constant 7 : i32
        %scan3A_263 = arith.addi %scan3A_180, %scan3A_262 : i32
        %mul3A_264 = arith.constant 16 : i32
        %mul3A_265 = arith.muli %scan3A_263, %mul3A_264 : i32
        %multiple_of3A_266 = tpu.assume_multiple %mul3A_265, 16 : i32
        %get3A_267 = arith.index_cast %multiple_of3A_266 : i32 to index
        %get3A_268 = tpu.vector_load %arg8[%get3A_267] {strides = array<i32>} : memref<10112xi32, #tpu.memory_space<vmem>>, vector<16xi32>,
        %add3A_269 = arith.constant 10240 : i32
        %add3A_270 = vector.broadcast %add3A_269 : i32 to vector<16xi32>
        %add3A_271 = arith.addi %get3A_268, %add3A_270 : vector<16xi32>
        %get3A_272 = arith.index_cast %multiple_of3A_266 : i32 to index
        %get3A_273 = tpu.vector_load %arg10[%get3A_272] {strides = array<i32>} : memref<10112xf32, #tpu.memory_space<vmem>>, vector<16xf32>,
        tpu.vector_store_idx %arg13[%add3A_271], %get3A_273 {add = true} : memref<40960xf32, #tpu.memory_space<vmem>>[vector<16xi32>], vector<16xf32>,
      }
      %scan3A_161 = arith.constant 632 : i32
      %dma_wait3A_162 = tpu.memref_slice %arg14[%mul3A_132] : memref<327680xf32, #tpu.memory_space<vmem_shared>> -> memref<10240xf32, #tpu.memory_space<vmem_shared>>
      %dma_wait3A_163 = arith.constant 0 : i32
      %dma_wait3A_164 = tpu.memref_slice %dma_wait3A_162[%dma_wait3A_163] : memref<10240xf32, #tpu.memory_space<vmem_shared>> -> memref<10240xf32, #tpu.memory_space<vmem_shared>>
      tpu.wait_indirect_dma semaphore(%arg17 : memref<!tpu.dma_semaphore, #tpu.memory_space<semaphore_mem>>) src(%dma_wait3A_164 : memref<10240xf32, #tpu.memory_space<vmem_shared>>) dst(%arg11 : memref<10112xf32, #tpu.memory_space<vmem>>)
      %scan3A_165 = arith.constant 0 : i32
      %scan3A_166 = arith.constant 0 : i32
      %scan3A_167 = arith.constant 632 : i32
      %scan3A_168 = arith.addi %scan3A_166, %scan3A_167 : i32
      %scan3A_169 = arith.constant 8 : i32
      scf.for %scan3A_180 = %scan3A_166 to %scan3A_168 step %scan3A_169  : i32 {
        %mul3A_181 = arith.constant 16 : i32
        %mul3A_182 = arith.muli %scan3A_180, %mul3A_181 : i32
        %multiple_of3A_183 = tpu.assume_multiple %mul3A_182, 16 : i32
        %get3A = arith.index_cast %multiple_of3A_183 : i32 to index
        %get3A_184 = tpu.vector_load %arg8[%get3A] {strides = array<i32>} : memref<10112xi32, #tpu.memory_space<vmem>>, vector<16xi32>,
        %add3A_185 = arith.constant 20480 : i32
        %add3A_186 = vector.broadcast %add3A_185 : i32 to vector<16xi32>
        %add3A_187 = arith.addi %get3A_184, %add3A_186 : vector<16xi32>
        %get3A_188 = arith.index_cast %multiple_of3A_183 : i32 to index
        %get3A_189 = tpu.vector_load %arg11[%get3A_188] {strides = array<i32>} : memref<10112xf32, #tpu.memory_space<vmem>>, vector<16xf32>,
        tpu.vector_store_idx %arg13[%add3A_187], %get3A_189 {add = true} : memref<40960xf32, #tpu.memory_space<vmem>>[vector<16xi32>], vector<16xf32>,
        %scan3A_190 = arith.constant 1 : i32
        %scan3A_191 = arith.addi %scan3A_180, %scan3A_190 : i32
        %mul3A_192 = arith.constant 16 : i32
        %mul3A_193 = arith.muli %scan3A_191, %mul3A_192 : i32
        %multiple_of3A_194 = tpu.assume_multiple %mul3A_193, 16 : i32
        %get3A_195 = arith.index_cast %multiple_of3A_194 : i32 to index
        %get3A_196 = tpu.vector_load %arg8[%get3A_195] {strides = array<i32>} : memref<10112xi32, #tpu.memory_space<vmem>>, vector<16xi32>,
        %add3A_197 = arith.constant 20480 : i32
        %add3A_198 = vector.broadcast %add3A_197 : i32 to vector<16xi32>
        %add3A_199 = arith.addi %get3A_196, %add3A_198 : vector<16xi32>
        %get3A_200 = arith.index_cast %multiple_of3A_194 : i32 to index
        %get3A_201 = tpu.vector_load %arg11[%get3A_200] {strides = array<i32>} : memref<10112xf32, #tpu.memory_space<vmem>>, vector<16xf32>,
        tpu.vector_store_idx %arg13[%add3A_199], %get3A_201 {add = true} : memref<40960xf32, #tpu.memory_space<vmem>>[vector<16xi32>], vector<16xf32>,
        %scan3A_202 = arith.constant 2 : i32
        %scan3A_203 = arith.addi %scan3A_180, %scan3A_202 : i32
        %mul3A_204 = arith.constant 16 : i32
        %mul3A_205 = arith.muli %scan3A_203, %mul3A_204 : i32
        %multiple_of3A_206 = tpu.assume_multiple %mul3A_205, 16 : i32
        %get3A_207 = arith.index_cast %multiple_of3A_206 : i32 to index
        %get3A_208 = tpu.vector_load %arg8[%get3A_207] {strides = array<i32>} : memref<10112xi32, #tpu.memory_space<vmem>>, vector<16xi32>,
        %add3A_209 = arith.constant 20480 : i32
        %add3A_210 = vector.broadcast %add3A_209 : i32 to vector<16xi32>
        %add3A_211 = arith.addi %get3A_208, %add3A_210 : vector<16xi32>
        %get3A_212 = arith.index_cast %multiple_of3A_206 : i32 to index
        %get3A_213 = tpu.vector_load %arg11[%get3A_212] {strides = array<i32>} : memref<10112xf32, #tpu.memory_space<vmem>>, vector<16xf32>,
        tpu.vector_store_idx %arg13[%add3A_211], %get3A_213 {add = true} : memref<40960xf32, #tpu.memory_space<vmem>>[vector<16xi32>], vector<16xf32>,
        %scan3A_214 = arith.constant 3 : i32
        %scan3A_215 = arith.addi %scan3A_180, %scan3A_214 : i32
        %mul3A_216 = arith.constant 16 : i32
        %mul3A_217 = arith.muli %scan3A_215, %mul3A_216 : i32
        %multiple_of3A_218 = tpu.assume_multiple %mul3A_217, 16 : i32
        %get3A_219 = arith.index_cast %multiple_of3A_218 : i32 to index
        %get3A_220 = tpu.vector_load %arg8[%get3A_219] {strides = array<i32>} : memref<10112xi32, #tpu.memory_space<vmem>>, vector<16xi32>,
        %add3A_221 = arith.constant 20480 : i32
        %add3A_222 = vector.broadcast %add3A_221 : i32 to vector<16xi32>
        %add3A_223 = arith.addi %get3A_220, %add3A_222 : vector<16xi32>
        %get3A_224 = arith.index_cast %multiple_of3A_218 : i32 to index
        %get3A_225 = tpu.vector_load %arg11[%get3A_224] {strides = array<i32>} : memref<10112xf32, #tpu.memory_space<vmem>>, vector<16xf32>,
        tpu.vector_store_idx %arg13[%add3A_223], %get3A_225 {add = true} : memref<40960xf32, #tpu.memory_space<vmem>>[vector<16xi32>], vector<16xf32>,
        %scan3A_226 = arith.constant 4 : i32
        %scan3A_227 = arith.addi %scan3A_180, %scan3A_226 : i32
        %mul3A_228 = arith.constant 16 : i32
        %mul3A_229 = arith.muli %scan3A_227, %mul3A_228 : i32
        %multiple_of3A_230 = tpu.assume_multiple %mul3A_229, 16 : i32
        %get3A_231 = arith.index_cast %multiple_of3A_230 : i32 to index
        %get3A_232 = tpu.vector_load %arg8[%get3A_231] {strides = array<i32>} : memref<10112xi32, #tpu.memory_space<vmem>>, vector<16xi32>,
        %add3A_233 = arith.constant 20480 : i32
        %add3A_234 = vector.broadcast %add3A_233 : i32 to vector<16xi32>
        %add3A_235 = arith.addi %get3A_232, %add3A_234 : vector<16xi32>
        %get3A_236 = arith.index_cast %multiple_of3A_230 : i32 to index
        %get3A_237 = tpu.vector_load %arg11[%get3A_236] {strides = array<i32>} : memref<10112xf32, #tpu.memory_space<vmem>>, vector<16xf32>,
        tpu.vector_store_idx %arg13[%add3A_235], %get3A_237 {add = true} : memref<40960xf32, #tpu.memory_space<vmem>>[vector<16xi32>], vector<16xf32>,
        %scan3A_238 = arith.constant 5 : i32
        %scan3A_239 = arith.addi %scan3A_180, %scan3A_238 : i32
        %mul3A_240 = arith.constant 16 : i32
        %mul3A_241 = arith.muli %scan3A_239, %mul3A_240 : i32
        %multiple_of3A_242 = tpu.assume_multiple %mul3A_241, 16 : i32
        %get3A_243 = arith.index_cast %multiple_of3A_242 : i32 to index
        %get3A_244 = tpu.vector_load %arg8[%get3A_243] {strides = array<i32>} : memref<10112xi32, #tpu.memory_space<vmem>>, vector<16xi32>,
        %add3A_245 = arith.constant 20480 : i32
        %add3A_246 = vector.broadcast %add3A_245 : i32 to vector<16xi32>
        %add3A_247 = arith.addi %get3A_244, %add3A_246 : vector<16xi32>
        %get3A_248 = arith.index_cast %multiple_of3A_242 : i32 to index
        %get3A_249 = tpu.vector_load %arg11[%get3A_248] {strides = array<i32>} : memref<10112xf32, #tpu.memory_space<vmem>>, vector<16xf32>,
        tpu.vector_store_idx %arg13[%add3A_247], %get3A_249 {add = true} : memref<40960xf32, #tpu.memory_space<vmem>>[vector<16xi32>], vector<16xf32>,
        %scan3A_250 = arith.constant 6 : i32
        %scan3A_251 = arith.addi %scan3A_180, %scan3A_250 : i32
        %mul3A_252 = arith.constant 16 : i32
        %mul3A_253 = arith.muli %scan3A_251, %mul3A_252 : i32
        %multiple_of3A_254 = tpu.assume_multiple %mul3A_253, 16 : i32
        %get3A_255 = arith.index_cast %multiple_of3A_254 : i32 to index
        %get3A_256 = tpu.vector_load %arg8[%get3A_255] {strides = array<i32>} : memref<10112xi32, #tpu.memory_space<vmem>>, vector<16xi32>,
        %add3A_257 = arith.constant 20480 : i32
        %add3A_258 = vector.broadcast %add3A_257 : i32 to vector<16xi32>
        %add3A_259 = arith.addi %get3A_256, %add3A_258 : vector<16xi32>
        %get3A_260 = arith.index_cast %multiple_of3A_254 : i32 to index
        %get3A_261 = tpu.vector_load %arg11[%get3A_260] {strides = array<i32>} : memref<10112xf32, #tpu.memory_space<vmem>>, vector<16xf32>,
        tpu.vector_store_idx %arg13[%add3A_259], %get3A_261 {add = true} : memref<40960xf32, #tpu.memory_space<vmem>>[vector<16xi32>], vector<16xf32>,
        %scan3A_262 = arith.constant 7 : i32
        %scan3A_263 = arith.addi %scan3A_180, %scan3A_262 : i32
        %mul3A_264 = arith.constant 16 : i32
        %mul3A_265 = arith.muli %scan3A_263, %mul3A_264 : i32
        %multiple_of3A_266 = tpu.assume_multiple %mul3A_265, 16 : i32
        %get3A_267 = arith.index_cast %multiple_of3A_266 : i32 to index
        %get3A_268 = tpu.vector_load %arg8[%get3A_267] {strides = array<i32>} : memref<10112xi32, #tpu.memory_space<vmem>>, vector<16xi32>,
        %add3A_269 = arith.constant 20480 : i32
        %add3A_270 = vector.broadcast %add3A_269 : i32 to vector<16xi32>
        %add3A_271 = arith.addi %get3A_268, %add3A_270 : vector<16xi32>
        %get3A_272 = arith.index_cast %multiple_of3A_266 : i32 to index
        %get3A_273 = tpu.vector_load %arg11[%get3A_272] {strides = array<i32>} : memref<10112xf32, #tpu.memory_space<vmem>>, vector<16xf32>,
        tpu.vector_store_idx %arg13[%add3A_271], %get3A_273 {add = true} : memref<40960xf32, #tpu.memory_space<vmem>>[vector<16xi32>], vector<16xf32>,
      }
      %scan3A_170 = arith.constant 632 : i32
      %dma_wait3A_171 = tpu.memref_slice %arg14[%mul3A_141] : memref<327680xf32, #tpu.memory_space<vmem_shared>> -> memref<10240xf32, #tpu.memory_space<vmem_shared>>
      %dma_wait3A_172 = arith.constant 0 : i32
      %dma_wait3A_173 = tpu.memref_slice %dma_wait3A_171[%dma_wait3A_172] : memref<10240xf32, #tpu.memory_space<vmem_shared>> -> memref<10240xf32, #tpu.memory_space<vmem_shared>>
      tpu.wait_indirect_dma semaphore(%arg18 : memref<!tpu.dma_semaphore, #tpu.memory_space<semaphore_mem>>) src(%dma_wait3A_173 : memref<10240xf32, #tpu.memory_space<vmem_shared>>) dst(%arg12 : memref<10112xf32, #tpu.memory_space<vmem>>)
      %scan3A_174 = arith.constant 0 : i32
      %scan3A_175 = arith.constant 0 : i32
      %scan3A_176 = arith.constant 632 : i32
      %scan3A_177 = arith.addi %scan3A_175, %scan3A_176 : i32
      %scan3A_178 = arith.constant 8 : i32
      scf.for %scan3A_180 = %scan3A_175 to %scan3A_177 step %scan3A_178  : i32 {
        %mul3A_181 = arith.constant 16 : i32
        %mul3A_182 = arith.muli %scan3A_180, %mul3A_181 : i32
        %multiple_of3A_183 = tpu.assume_multiple %mul3A_182, 16 : i32
        %get3A = arith.index_cast %multiple_of3A_183 : i32 to index
        %get3A_184 = tpu.vector_load %arg8[%get3A] {strides = array<i32>} : memref<10112xi32, #tpu.memory_space<vmem>>, vector<16xi32>,
        %add3A_185 = arith.constant 30720 : i32
        %add3A_186 = vector.broadcast %add3A_185 : i32 to vector<16xi32>
        %add3A_187 = arith.addi %get3A_184, %add3A_186 : vector<16xi32>
        %get3A_188 = arith.index_cast %multiple_of3A_183 : i32 to index
        %get3A_189 = tpu.vector_load %arg12[%get3A_188] {strides = array<i32>} : memref<10112xf32, #tpu.memory_space<vmem>>, vector<16xf32>,
        tpu.vector_store_idx %arg13[%add3A_187], %get3A_189 {add = true} : memref<40960xf32, #tpu.memory_space<vmem>>[vector<16xi32>], vector<16xf32>,
        %scan3A_190 = arith.constant 1 : i32
        %scan3A_191 = arith.addi %scan3A_180, %scan3A_190 : i32
        %mul3A_192 = arith.constant 16 : i32
        %mul3A_193 = arith.muli %scan3A_191, %mul3A_192 : i32
        %multiple_of3A_194 = tpu.assume_multiple %mul3A_193, 16 : i32
        %get3A_195 = arith.index_cast %multiple_of3A_194 : i32 to index
        %get3A_196 = tpu.vector_load %arg8[%get3A_195] {strides = array<i32>} : memref<10112xi32, #tpu.memory_space<vmem>>, vector<16xi32>,
        %add3A_197 = arith.constant 30720 : i32
        %add3A_198 = vector.broadcast %add3A_197 : i32 to vector<16xi32>
        %add3A_199 = arith.addi %get3A_196, %add3A_198 : vector<16xi32>
        %get3A_200 = arith.index_cast %multiple_of3A_194 : i32 to index
        %get3A_201 = tpu.vector_load %arg12[%get3A_200] {strides = array<i32>} : memref<10112xf32, #tpu.memory_space<vmem>>, vector<16xf32>,
        tpu.vector_store_idx %arg13[%add3A_199], %get3A_201 {add = true} : memref<40960xf32, #tpu.memory_space<vmem>>[vector<16xi32>], vector<16xf32>,
        %scan3A_202 = arith.constant 2 : i32
        %scan3A_203 = arith.addi %scan3A_180, %scan3A_202 : i32
        %mul3A_204 = arith.constant 16 : i32
        %mul3A_205 = arith.muli %scan3A_203, %mul3A_204 : i32
        %multiple_of3A_206 = tpu.assume_multiple %mul3A_205, 16 : i32
        %get3A_207 = arith.index_cast %multiple_of3A_206 : i32 to index
        %get3A_208 = tpu.vector_load %arg8[%get3A_207] {strides = array<i32>} : memref<10112xi32, #tpu.memory_space<vmem>>, vector<16xi32>,
        %add3A_209 = arith.constant 30720 : i32
        %add3A_210 = vector.broadcast %add3A_209 : i32 to vector<16xi32>
        %add3A_211 = arith.addi %get3A_208, %add3A_210 : vector<16xi32>
        %get3A_212 = arith.index_cast %multiple_of3A_206 : i32 to index
        %get3A_213 = tpu.vector_load %arg12[%get3A_212] {strides = array<i32>} : memref<10112xf32, #tpu.memory_space<vmem>>, vector<16xf32>,
        tpu.vector_store_idx %arg13[%add3A_211], %get3A_213 {add = true} : memref<40960xf32, #tpu.memory_space<vmem>>[vector<16xi32>], vector<16xf32>,
        %scan3A_214 = arith.constant 3 : i32
        %scan3A_215 = arith.addi %scan3A_180, %scan3A_214 : i32
        %mul3A_216 = arith.constant 16 : i32
        %mul3A_217 = arith.muli %scan3A_215, %mul3A_216 : i32
        %multiple_of3A_218 = tpu.assume_multiple %mul3A_217, 16 : i32
        %get3A_219 = arith.index_cast %multiple_of3A_218 : i32 to index
        %get3A_220 = tpu.vector_load %arg8[%get3A_219] {strides = array<i32>} : memref<10112xi32, #tpu.memory_space<vmem>>, vector<16xi32>,
        %add3A_221 = arith.constant 30720 : i32
        %add3A_222 = vector.broadcast %add3A_221 : i32 to vector<16xi32>
        %add3A_223 = arith.addi %get3A_220, %add3A_222 : vector<16xi32>
        %get3A_224 = arith.index_cast %multiple_of3A_218 : i32 to index
        %get3A_225 = tpu.vector_load %arg12[%get3A_224] {strides = array<i32>} : memref<10112xf32, #tpu.memory_space<vmem>>, vector<16xf32>,
        tpu.vector_store_idx %arg13[%add3A_223], %get3A_225 {add = true} : memref<40960xf32, #tpu.memory_space<vmem>>[vector<16xi32>], vector<16xf32>,
        %scan3A_226 = arith.constant 4 : i32
        %scan3A_227 = arith.addi %scan3A_180, %scan3A_226 : i32
        %mul3A_228 = arith.constant 16 : i32
        %mul3A_229 = arith.muli %scan3A_227, %mul3A_228 : i32
        %multiple_of3A_230 = tpu.assume_multiple %mul3A_229, 16 : i32
        %get3A_231 = arith.index_cast %multiple_of3A_230 : i32 to index
        %get3A_232 = tpu.vector_load %arg8[%get3A_231] {strides = array<i32>} : memref<10112xi32, #tpu.memory_space<vmem>>, vector<16xi32>,
        %add3A_233 = arith.constant 30720 : i32
        %add3A_234 = vector.broadcast %add3A_233 : i32 to vector<16xi32>
        %add3A_235 = arith.addi %get3A_232, %add3A_234 : vector<16xi32>
        %get3A_236 = arith.index_cast %multiple_of3A_230 : i32 to index
        %get3A_237 = tpu.vector_load %arg12[%get3A_236] {strides = array<i32>} : memref<10112xf32, #tpu.memory_space<vmem>>, vector<16xf32>,
        tpu.vector_store_idx %arg13[%add3A_235], %get3A_237 {add = true} : memref<40960xf32, #tpu.memory_space<vmem>>[vector<16xi32>], vector<16xf32>,
        %scan3A_238 = arith.constant 5 : i32
        %scan3A_239 = arith.addi %scan3A_180, %scan3A_238 : i32
        %mul3A_240 = arith.constant 16 : i32
        %mul3A_241 = arith.muli %scan3A_239, %mul3A_240 : i32
        %multiple_of3A_242 = tpu.assume_multiple %mul3A_241, 16 : i32
        %get3A_243 = arith.index_cast %multiple_of3A_242 : i32 to index
        %get3A_244 = tpu.vector_load %arg8[%get3A_243] {strides = array<i32>} : memref<10112xi32, #tpu.memory_space<vmem>>, vector<16xi32>,
        %add3A_245 = arith.constant 30720 : i32
        %add3A_246 = vector.broadcast %add3A_245 : i32 to vector<16xi32>
        %add3A_247 = arith.addi %get3A_244, %add3A_246 : vector<16xi32>
        %get3A_248 = arith.index_cast %multiple_of3A_242 : i32 to index
        %get3A_249 = tpu.vector_load %arg12[%get3A_248] {strides = array<i32>} : memref<10112xf32, #tpu.memory_space<vmem>>, vector<16xf32>,
        tpu.vector_store_idx %arg13[%add3A_247], %get3A_249 {add = true} : memref<40960xf32, #tpu.memory_space<vmem>>[vector<16xi32>], vector<16xf32>,
        %scan3A_250 = arith.constant 6 : i32
        %scan3A_251 = arith.addi %scan3A_180, %scan3A_250 : i32
        %mul3A_252 = arith.constant 16 : i32
        %mul3A_253 = arith.muli %scan3A_251, %mul3A_252 : i32
        %multiple_of3A_254 = tpu.assume_multiple %mul3A_253, 16 : i32
        %get3A_255 = arith.index_cast %multiple_of3A_254 : i32 to index
        %get3A_256 = tpu.vector_load %arg8[%get3A_255] {strides = array<i32>} : memref<10112xi32, #tpu.memory_space<vmem>>, vector<16xi32>,
        %add3A_257 = arith.constant 30720 : i32
        %add3A_258 = vector.broadcast %add3A_257 : i32 to vector<16xi32>
        %add3A_259 = arith.addi %get3A_256, %add3A_258 : vector<16xi32>
        %get3A_260 = arith.index_cast %multiple_of3A_254 : i32 to index
        %get3A_261 = tpu.vector_load %arg12[%get3A_260] {strides = array<i32>} : memref<10112xf32, #tpu.memory_space<vmem>>, vector<16xf32>,
        tpu.vector_store_idx %arg13[%add3A_259], %get3A_261 {add = true} : memref<40960xf32, #tpu.memory_space<vmem>>[vector<16xi32>], vector<16xf32>,
        %scan3A_262 = arith.constant 7 : i32
        %scan3A_263 = arith.addi %scan3A_180, %scan3A_262 : i32
        %mul3A_264 = arith.constant 16 : i32
        %mul3A_265 = arith.muli %scan3A_263, %mul3A_264 : i32
        %multiple_of3A_266 = tpu.assume_multiple %mul3A_265, 16 : i32
        %get3A_267 = arith.index_cast %multiple_of3A_266 : i32 to index
        %get3A_268 = tpu.vector_load %arg8[%get3A_267] {strides = array<i32>} : memref<10112xi32, #tpu.memory_space<vmem>>, vector<16xi32>,
        %add3A_269 = arith.constant 30720 : i32
        %add3A_270 = vector.broadcast %add3A_269 : i32 to vector<16xi32>
        %add3A_271 = arith.addi %get3A_268, %add3A_270 : vector<16xi32>
        %get3A_272 = arith.index_cast %multiple_of3A_266 : i32 to index
        %get3A_273 = tpu.vector_load %arg12[%get3A_272] {strides = array<i32>} : memref<10112xf32, #tpu.memory_space<vmem>>, vector<16xf32>,
        tpu.vector_store_idx %arg13[%add3A_271], %get3A_273 {add = true} : memref<40960xf32, #tpu.memory_space<vmem>>[vector<16xi32>], vector<16xf32>,
      }
      %scan3A_179 = arith.constant 632 : i32
    }
    %scan3A_45 = arith.constant 8 : i32
    %mul3A_46 = arith.constant 16 : i32
    %mul3A_47 = arith.muli %arg0, %mul3A_46 : i32
    %add3A_48 = arith.addi %mul3A_47, %arg1 : i32
    %mul3A_49 = arith.constant 40960 : i32
    %mul3A_50 = arith.muli %add3A_48, %mul3A_49 : i32
    %multiple_of3A = tpu.assume_multiple %mul3A_50, 128 : i32
    "tpu.region"() ({
      %run_scoped3A = tpu.sem_alloc : memref<!tpu.dma_semaphore, #tpu.memory_space<semaphore_mem>>
      %dma_start3A = tpu.memref_slice %arg6[%multiple_of3A] : memref<1310720xf32, #tpu.memory_space<hbm>> -> memref<40960xf32, #tpu.memory_space<hbm>>
      %dma_start3A_103 = tpu.memref_slice %arg6[%multiple_of3A] : memref<1310720xf32, #tpu.memory_space<hbm>> -> memref<40960xf32, #tpu.memory_space<hbm>>
      tpu.enqueue_dma source(%arg13 : memref<40960xf32, #tpu.memory_space<vmem>>) target(%dma_start3A_103 : memref<40960xf32, #tpu.memory_space<hbm>>) target_semaphore(%run_scoped3A : memref<!tpu.dma_semaphore, #tpu.memory_space<semaphore_mem>>)
      %dma_wait3A = tpu.memref_slice %arg6[%multiple_of3A] : memref<1310720xf32, #tpu.memory_space<hbm>> -> memref<40960xf32, #tpu.memory_space<hbm>>
      %dma_wait3A_104 = tpu.memref_slice %arg6[%multiple_of3A] : memref<1310720xf32, #tpu.memory_space<hbm>> -> memref<40960xf32, #tpu.memory_space<hbm>>
      tpu.wait_dma2 semaphore(%run_scoped3A : memref<!tpu.dma_semaphore, #tpu.memory_space<semaphore_mem>>) src(%arg13 : memref<40960xf32, #tpu.memory_space<vmem>>) dst(%dma_wait3A_104 : memref<40960xf32, #tpu.memory_space<hbm>>)
      tpu.yield
    }) : () -> ()
    %barrier3A_51 = arith.constant 0 : index
    tpu.barrier barrier_id(%barrier3A_51)
    %jit3A_52 = arith.constant 8 : i32
    %div3A_53 = arith.divsi %arg1, %jit3A_52 : i32
    %sign3A_54 = arith.constant 0 : i32
    %sign3A_55 = arith.cmpi sgt, %arg1, %sign3A_54 : i32
    %sign3A_56 = arith.extui %sign3A_55 : i1 to i32
    %sign3A_57 = arith.constant 0 : i32
    %sign3A_58 = arith.cmpi slt, %arg1, %sign3A_57 : i32
    %sign3A_59 = arith.extui %sign3A_58 : i1 to i32
    %sign3A_60 = arith.subi %sign3A_56, %sign3A_59 : i32
    %sign3A_61 = arith.constant 0 : i32
    %sign3A_62 = arith.cmpi sgt, %jit3A_52, %sign3A_61 : i32
    %sign3A_63 = arith.extui %sign3A_62 : i1 to i32
    %sign3A_64 = arith.constant 0 : i32
    %sign3A_65 = arith.cmpi slt, %jit3A_52, %sign3A_64 : i32
    %sign3A_66 = arith.extui %sign3A_65 : i1 to i32
    %sign3A_67 = arith.subi %sign3A_63, %sign3A_66 : i32
    %ne3A_68 = arith.cmpi ne, %sign3A_60, %sign3A_67 : i32
    %rem3A_69 = arith.remsi %arg1, %jit3A_52 : i32
    %ne3A_70 = arith.constant 0 : i32
    %ne3A_71 = arith.cmpi ne, %rem3A_69, %ne3A_70 : i32
    %and3A_72 = arith.andi %ne3A_68, %ne3A_71 : i1
    %sub3A_73 = arith.constant 1 : i32
    %sub3A_74 = arith.subi %div3A_53, %sub3A_73 : i32
    %select_n3A_75 = arith.select %and3A_72, %sub3A_74, %div3A_53 : i32
    %mul3A_76 = arith.constant 40960 : i32
    %mul3A_77 = arith.muli %select_n3A_7, %mul3A_76 : i32
    %mul3A_78 = arith.constant 20480 : i32
    %mul3A_79 = arith.muli %select_n3A_75, %mul3A_78 : i32
    %add3A_80 = arith.addi %mul3A_77, %mul3A_79 : i32
    %mul3A_81 = arith.constant 16 : i32
    %mul3A_82 = arith.muli %arg0, %mul3A_81 : i32
    %mul3A_83 = arith.constant 40960 : i32
    %mul3A_84 = arith.muli %mul3A_82, %mul3A_83 : i32
    %add3A_85 = arith.addi %mul3A_84, %add3A_80 : i32
    %multiple_of3A_86 = tpu.assume_multiple %add3A_85, 128 : i32
    "tpu.region"() ({
      %run_scoped3A = tpu.sem_alloc : memref<!tpu.dma_semaphore, #tpu.memory_space<semaphore_mem>>
      %dma_start3A = arith.constant 0 : i32
      %dma_start3A_103 = tpu.memref_slice %arg13[%dma_start3A] : memref<40960xf32, #tpu.memory_space<vmem>> -> memref<20480xf32, #tpu.memory_space<vmem>>
      %dma_start3A_104 = tpu.memref_slice %arg6[%multiple_of3A_86] : memref<1310720xf32, #tpu.memory_space<hbm>> -> memref<20480xf32, #tpu.memory_space<hbm>>
      %dma_start3A_105 = arith.constant 0 : i32
      %dma_start3A_106 = tpu.memref_slice %arg13[%dma_start3A_105] : memref<40960xf32, #tpu.memory_space<vmem>> -> memref<20480xf32, #tpu.memory_space<vmem>>
      %dma_start3A_107 = tpu.memref_slice %arg6[%multiple_of3A_86] : memref<1310720xf32, #tpu.memory_space<hbm>> -> memref<20480xf32, #tpu.memory_space<hbm>>
      tpu.enqueue_dma source(%dma_start3A_107 : memref<20480xf32, #tpu.memory_space<hbm>>) target(%dma_start3A_106 : memref<20480xf32, #tpu.memory_space<vmem>>) target_semaphore(%run_scoped3A : memref<!tpu.dma_semaphore, #tpu.memory_space<semaphore_mem>>)
      %dma_wait3A = arith.constant 0 : i32
      %dma_wait3A_108 = tpu.memref_slice %arg13[%dma_wait3A] : memref<40960xf32, #tpu.memory_space<vmem>> -> memref<20480xf32, #tpu.memory_space<vmem>>
      %dma_wait3A_109 = tpu.memref_slice %arg6[%multiple_of3A_86] : memref<1310720xf32, #tpu.memory_space<hbm>> -> memref<20480xf32, #tpu.memory_space<hbm>>
      %dma_wait3A_110 = arith.constant 0 : i32
      %dma_wait3A_111 = tpu.memref_slice %arg13[%dma_wait3A_110] : memref<40960xf32, #tpu.memory_space<vmem>> -> memref<20480xf32, #tpu.memory_space<vmem>>
      %dma_wait3A_112 = tpu.memref_slice %arg6[%multiple_of3A_86] : memref<1310720xf32, #tpu.memory_space<hbm>> -> memref<20480xf32, #tpu.memory_space<hbm>>
      tpu.wait_dma2 semaphore(%run_scoped3A : memref<!tpu.dma_semaphore, #tpu.memory_space<semaphore_mem>>) src(%dma_wait3A_112 : memref<20480xf32, #tpu.memory_space<hbm>>) dst(%dma_wait3A_111 : memref<20480xf32, #tpu.memory_space<vmem>>)
      tpu.yield
    }) : () -> ()
    %add3A_87 = arith.constant 327680 : i32
    %add3A_88 = arith.addi %mul3A_84, %add3A_87 : i32
    %add3A_89 = arith.addi %add3A_88, %add3A_80 : i32
    %multiple_of3A_90 = tpu.assume_multiple %add3A_89, 128 : i32
    "tpu.region"() ({
      %run_scoped3A = tpu.sem_alloc : memref<!tpu.dma_semaphore, #tpu.memory_space<semaphore_mem>>
      %dma_start3A = arith.constant 20480 : i32
      %dma_start3A_103 = tpu.memref_slice %arg13[%dma_start3A] : memref<40960xf32, #tpu.memory_space<vmem>> -> memref<20480xf32, #tpu.memory_space<vmem>>
      %dma_start3A_104 = tpu.memref_slice %arg6[%multiple_of3A_90] : memref<1310720xf32, #tpu.memory_space<hbm>> -> memref<20480xf32, #tpu.memory_space<hbm>>
      %dma_start3A_105 = arith.constant 20480 : i32
      %dma_start3A_106 = tpu.memref_slice %arg13[%dma_start3A_105] : memref<40960xf32, #tpu.memory_space<vmem>> -> memref<20480xf32, #tpu.memory_space<vmem>>
      %dma_start3A_107 = tpu.memref_slice %arg6[%multiple_of3A_90] : memref<1310720xf32, #tpu.memory_space<hbm>> -> memref<20480xf32, #tpu.memory_space<hbm>>
      tpu.enqueue_dma source(%dma_start3A_107 : memref<20480xf32, #tpu.memory_space<hbm>>) target(%dma_start3A_106 : memref<20480xf32, #tpu.memory_space<vmem>>) target_semaphore(%run_scoped3A : memref<!tpu.dma_semaphore, #tpu.memory_space<semaphore_mem>>)
      %dma_wait3A = arith.constant 20480 : i32
      %dma_wait3A_108 = tpu.memref_slice %arg13[%dma_wait3A] : memref<40960xf32, #tpu.memory_space<vmem>> -> memref<20480xf32, #tpu.memory_space<vmem>>
      %dma_wait3A_109 = tpu.memref_slice %arg6[%multiple_of3A_90] : memref<1310720xf32, #tpu.memory_space<hbm>> -> memref<20480xf32, #tpu.memory_space<hbm>>
      %dma_wait3A_110 = arith.constant 20480 : i32
      %dma_wait3A_111 = tpu.memref_slice %arg13[%dma_wait3A_110] : memref<40960xf32, #tpu.memory_space<vmem>> -> memref<20480xf32, #tpu.memory_space<vmem>>
      %dma_wait3A_112 = tpu.memref_slice %arg6[%multiple_of3A_90] : memref<1310720xf32, #tpu.memory_space<hbm>> -> memref<20480xf32, #tpu.memory_space<hbm>>
      tpu.wait_dma2 semaphore(%run_scoped3A : memref<!tpu.dma_semaphore, #tpu.memory_space<semaphore_mem>>) src(%dma_wait3A_112 : memref<20480xf32, #tpu.memory_space<hbm>>) dst(%dma_wait3A_111 : memref<20480xf32, #tpu.memory_space<vmem>>)
      tpu.yield
    }) : () -> ()
    %scan3A_91 = arith.constant 0 : i32
    %scan3A_92 = arith.constant 0 : i32
    %scan3A_93 = arith.constant 1280 : i32
    %scan3A_94 = arith.addi %scan3A_92, %scan3A_93 : i32
    %scan3A_95 = arith.constant 8 : i32
    scf.for %scan3A_103 = %scan3A_92 to %scan3A_94 step %scan3A_95  : i32 {
      %mul3A_104 = arith.constant 16 : i32
      %mul3A_105 = arith.muli %scan3A_103, %mul3A_104 : i32
      %multiple_of3A_106 = tpu.assume_multiple %mul3A_105, 16 : i32
      %mul3A_107 = arith.constant 16 : i32
      %mul3A_108 = arith.muli %scan3A_103, %mul3A_107 : i32
      %add3A_109 = arith.constant 20480 : i32
      %add3A_110 = arith.addi %add3A_109, %mul3A_108 : i32
      %multiple_of3A_111 = tpu.assume_multiple %add3A_110, 16 : i32
      %get3A = arith.index_cast %multiple_of3A_106 : i32 to index
      %get3A_112 = tpu.vector_load %arg13[%get3A] {strides = array<i32>} : memref<40960xf32, #tpu.memory_space<vmem>>, vector<16xf32>,
      %get3A_113 = arith.index_cast %multiple_of3A_111 : i32 to index
      %get3A_114 = tpu.vector_load %arg13[%get3A_113] {strides = array<i32>} : memref<40960xf32, #tpu.memory_space<vmem>>, vector<16xf32>,
      %add3A_115 = arith.addf %get3A_112, %get3A_114 : vector<16xf32>
      %swap3A = arith.index_cast %multiple_of3A_106 : i32 to index
      %swap3A_116 = tpu.vector_load %arg13[%swap3A] {strides = array<i32>} : memref<40960xf32, #tpu.memory_space<vmem>>, vector<16xf32>,
      tpu.vector_store %arg13[%swap3A], %add3A_115 {strides = array<i32>} : memref<40960xf32, #tpu.memory_space<vmem>>, vector<16xf32>,
      %scan3A_117 = arith.constant 1 : i32
      %scan3A_118 = arith.addi %scan3A_103, %scan3A_117 : i32
      %mul3A_119 = arith.constant 16 : i32
      %mul3A_120 = arith.muli %scan3A_118, %mul3A_119 : i32
      %multiple_of3A_121 = tpu.assume_multiple %mul3A_120, 16 : i32
      %mul3A_122 = arith.constant 16 : i32
      %mul3A_123 = arith.muli %scan3A_118, %mul3A_122 : i32
      %add3A_124 = arith.constant 20480 : i32
      %add3A_125 = arith.addi %add3A_124, %mul3A_123 : i32
      %multiple_of3A_126 = tpu.assume_multiple %add3A_125, 16 : i32
      %get3A_127 = arith.index_cast %multiple_of3A_121 : i32 to index
      %get3A_128 = tpu.vector_load %arg13[%get3A_127] {strides = array<i32>} : memref<40960xf32, #tpu.memory_space<vmem>>, vector<16xf32>,
      %get3A_129 = arith.index_cast %multiple_of3A_126 : i32 to index
      %get3A_130 = tpu.vector_load %arg13[%get3A_129] {strides = array<i32>} : memref<40960xf32, #tpu.memory_space<vmem>>, vector<16xf32>,
      %add3A_131 = arith.addf %get3A_128, %get3A_130 : vector<16xf32>
      %swap3A_132 = arith.index_cast %multiple_of3A_121 : i32 to index
      %swap3A_133 = tpu.vector_load %arg13[%swap3A_132] {strides = array<i32>} : memref<40960xf32, #tpu.memory_space<vmem>>, vector<16xf32>,
      tpu.vector_store %arg13[%swap3A_132], %add3A_131 {strides = array<i32>} : memref<40960xf32, #tpu.memory_space<vmem>>, vector<16xf32>,
      %scan3A_134 = arith.constant 2 : i32
      %scan3A_135 = arith.addi %scan3A_103, %scan3A_134 : i32
      %mul3A_136 = arith.constant 16 : i32
      %mul3A_137 = arith.muli %scan3A_135, %mul3A_136 : i32
      %multiple_of3A_138 = tpu.assume_multiple %mul3A_137, 16 : i32
      %mul3A_139 = arith.constant 16 : i32
      %mul3A_140 = arith.muli %scan3A_135, %mul3A_139 : i32
      %add3A_141 = arith.constant 20480 : i32
      %add3A_142 = arith.addi %add3A_141, %mul3A_140 : i32
      %multiple_of3A_143 = tpu.assume_multiple %add3A_142, 16 : i32
      %get3A_144 = arith.index_cast %multiple_of3A_138 : i32 to index
      %get3A_145 = tpu.vector_load %arg13[%get3A_144] {strides = array<i32>} : memref<40960xf32, #tpu.memory_space<vmem>>, vector<16xf32>,
      %get3A_146 = arith.index_cast %multiple_of3A_143 : i32 to index
      %get3A_147 = tpu.vector_load %arg13[%get3A_146] {strides = array<i32>} : memref<40960xf32, #tpu.memory_space<vmem>>, vector<16xf32>,
      %add3A_148 = arith.addf %get3A_145, %get3A_147 : vector<16xf32>
      %swap3A_149 = arith.index_cast %multiple_of3A_138 : i32 to index
      %swap3A_150 = tpu.vector_load %arg13[%swap3A_149] {strides = array<i32>} : memref<40960xf32, #tpu.memory_space<vmem>>, vector<16xf32>,
      tpu.vector_store %arg13[%swap3A_149], %add3A_148 {strides = array<i32>} : memref<40960xf32, #tpu.memory_space<vmem>>, vector<16xf32>,
      %scan3A_151 = arith.constant 3 : i32
      %scan3A_152 = arith.addi %scan3A_103, %scan3A_151 : i32
      %mul3A_153 = arith.constant 16 : i32
      %mul3A_154 = arith.muli %scan3A_152, %mul3A_153 : i32
      %multiple_of3A_155 = tpu.assume_multiple %mul3A_154, 16 : i32
      %mul3A_156 = arith.constant 16 : i32
      %mul3A_157 = arith.muli %scan3A_152, %mul3A_156 : i32
      %add3A_158 = arith.constant 20480 : i32
      %add3A_159 = arith.addi %add3A_158, %mul3A_157 : i32
      %multiple_of3A_160 = tpu.assume_multiple %add3A_159, 16 : i32
      %get3A_161 = arith.index_cast %multiple_of3A_155 : i32 to index
      %get3A_162 = tpu.vector_load %arg13[%get3A_161] {strides = array<i32>} : memref<40960xf32, #tpu.memory_space<vmem>>, vector<16xf32>,
      %get3A_163 = arith.index_cast %multiple_of3A_160 : i32 to index
      %get3A_164 = tpu.vector_load %arg13[%get3A_163] {strides = array<i32>} : memref<40960xf32, #tpu.memory_space<vmem>>, vector<16xf32>,
      %add3A_165 = arith.addf %get3A_162, %get3A_164 : vector<16xf32>
      %swap3A_166 = arith.index_cast %multiple_of3A_155 : i32 to index
      %swap3A_167 = tpu.vector_load %arg13[%swap3A_166] {strides = array<i32>} : memref<40960xf32, #tpu.memory_space<vmem>>, vector<16xf32>,
      tpu.vector_store %arg13[%swap3A_166], %add3A_165 {strides = array<i32>} : memref<40960xf32, #tpu.memory_space<vmem>>, vector<16xf32>,
      %scan3A_168 = arith.constant 4 : i32
      %scan3A_169 = arith.addi %scan3A_103, %scan3A_168 : i32
      %mul3A_170 = arith.constant 16 : i32
      %mul3A_171 = arith.muli %scan3A_169, %mul3A_170 : i32
      %multiple_of3A_172 = tpu.assume_multiple %mul3A_171, 16 : i32
      %mul3A_173 = arith.constant 16 : i32
      %mul3A_174 = arith.muli %scan3A_169, %mul3A_173 : i32
      %add3A_175 = arith.constant 20480 : i32
      %add3A_176 = arith.addi %add3A_175, %mul3A_174 : i32
      %multiple_of3A_177 = tpu.assume_multiple %add3A_176, 16 : i32
      %get3A_178 = arith.index_cast %multiple_of3A_172 : i32 to index
      %get3A_179 = tpu.vector_load %arg13[%get3A_178] {strides = array<i32>} : memref<40960xf32, #tpu.memory_space<vmem>>, vector<16xf32>,
      %get3A_180 = arith.index_cast %multiple_of3A_177 : i32 to index
      %get3A_181 = tpu.vector_load %arg13[%get3A_180] {strides = array<i32>} : memref<40960xf32, #tpu.memory_space<vmem>>, vector<16xf32>,
      %add3A_182 = arith.addf %get3A_179, %get3A_181 : vector<16xf32>
      %swap3A_183 = arith.index_cast %multiple_of3A_172 : i32 to index
      %swap3A_184 = tpu.vector_load %arg13[%swap3A_183] {strides = array<i32>} : memref<40960xf32, #tpu.memory_space<vmem>>, vector<16xf32>,
      tpu.vector_store %arg13[%swap3A_183], %add3A_182 {strides = array<i32>} : memref<40960xf32, #tpu.memory_space<vmem>>, vector<16xf32>,
      %scan3A_185 = arith.constant 5 : i32
      %scan3A_186 = arith.addi %scan3A_103, %scan3A_185 : i32
      %mul3A_187 = arith.constant 16 : i32
      %mul3A_188 = arith.muli %scan3A_186, %mul3A_187 : i32
      %multiple_of3A_189 = tpu.assume_multiple %mul3A_188, 16 : i32
      %mul3A_190 = arith.constant 16 : i32
      %mul3A_191 = arith.muli %scan3A_186, %mul3A_190 : i32
      %add3A_192 = arith.constant 20480 : i32
      %add3A_193 = arith.addi %add3A_192, %mul3A_191 : i32
      %multiple_of3A_194 = tpu.assume_multiple %add3A_193, 16 : i32
      %get3A_195 = arith.index_cast %multiple_of3A_189 : i32 to index
      %get3A_196 = tpu.vector_load %arg13[%get3A_195] {strides = array<i32>} : memref<40960xf32, #tpu.memory_space<vmem>>, vector<16xf32>,
      %get3A_197 = arith.index_cast %multiple_of3A_194 : i32 to index
      %get3A_198 = tpu.vector_load %arg13[%get3A_197] {strides = array<i32>} : memref<40960xf32, #tpu.memory_space<vmem>>, vector<16xf32>,
      %add3A_199 = arith.addf %get3A_196, %get3A_198 : vector<16xf32>
      %swap3A_200 = arith.index_cast %multiple_of3A_189 : i32 to index
      %swap3A_201 = tpu.vector_load %arg13[%swap3A_200] {strides = array<i32>} : memref<40960xf32, #tpu.memory_space<vmem>>, vector<16xf32>,
      tpu.vector_store %arg13[%swap3A_200], %add3A_199 {strides = array<i32>} : memref<40960xf32, #tpu.memory_space<vmem>>, vector<16xf32>,
      %scan3A_202 = arith.constant 6 : i32
      %scan3A_203 = arith.addi %scan3A_103, %scan3A_202 : i32
      %mul3A_204 = arith.constant 16 : i32
      %mul3A_205 = arith.muli %scan3A_203, %mul3A_204 : i32
      %multiple_of3A_206 = tpu.assume_multiple %mul3A_205, 16 : i32
      %mul3A_207 = arith.constant 16 : i32
      %mul3A_208 = arith.muli %scan3A_203, %mul3A_207 : i32
      %add3A_209 = arith.constant 20480 : i32
      %add3A_210 = arith.addi %add3A_209, %mul3A_208 : i32
      %multiple_of3A_211 = tpu.assume_multiple %add3A_210, 16 : i32
      %get3A_212 = arith.index_cast %multiple_of3A_206 : i32 to index
      %get3A_213 = tpu.vector_load %arg13[%get3A_212] {strides = array<i32>} : memref<40960xf32, #tpu.memory_space<vmem>>, vector<16xf32>,
      %get3A_214 = arith.index_cast %multiple_of3A_211 : i32 to index
      %get3A_215 = tpu.vector_load %arg13[%get3A_214] {strides = array<i32>} : memref<40960xf32, #tpu.memory_space<vmem>>, vector<16xf32>,
      %add3A_216 = arith.addf %get3A_213, %get3A_215 : vector<16xf32>
      %swap3A_217 = arith.index_cast %multiple_of3A_206 : i32 to index
      %swap3A_218 = tpu.vector_load %arg13[%swap3A_217] {strides = array<i32>} : memref<40960xf32, #tpu.memory_space<vmem>>, vector<16xf32>,
      tpu.vector_store %arg13[%swap3A_217], %add3A_216 {strides = array<i32>} : memref<40960xf32, #tpu.memory_space<vmem>>, vector<16xf32>,
      %scan3A_219 = arith.constant 7 : i32
      %scan3A_220 = arith.addi %scan3A_103, %scan3A_219 : i32
      %mul3A_221 = arith.constant 16 : i32
      %mul3A_222 = arith.muli %scan3A_220, %mul3A_221 : i32
      %multiple_of3A_223 = tpu.assume_multiple %mul3A_222, 16 : i32
      %mul3A_224 = arith.constant 16 : i32
      %mul3A_225 = arith.muli %scan3A_220, %mul3A_224 : i32
      %add3A_226 = arith.constant 20480 : i32
      %add3A_227 = arith.addi %add3A_226, %mul3A_225 : i32
      %multiple_of3A_228 = tpu.assume_multiple %add3A_227, 16 : i32
      %get3A_229 = arith.index_cast %multiple_of3A_223 : i32 to index
      %get3A_230 = tpu.vector_load %arg13[%get3A_229] {strides = array<i32>} : memref<40960xf32, #tpu.memory_space<vmem>>, vector<16xf32>,
      %get3A_231 = arith.index_cast %multiple_of3A_228 : i32 to index
      %get3A_232 = tpu.vector_load %arg13[%get3A_231] {strides = array<i32>} : memref<40960xf32, #tpu.memory_space<vmem>>, vector<16xf32>,
      %add3A_233 = arith.addf %get3A_230, %get3A_232 : vector<16xf32>
      %swap3A_234 = arith.index_cast %multiple_of3A_223 : i32 to index
      %swap3A_235 = tpu.vector_load %arg13[%swap3A_234] {strides = array<i32>} : memref<40960xf32, #tpu.memory_space<vmem>>, vector<16xf32>,
      tpu.vector_store %arg13[%swap3A_234], %add3A_233 {strides = array<i32>} : memref<40960xf32, #tpu.memory_space<vmem>>, vector<16xf32>,
    }
    %scan3A_96 = arith.constant 1280 : i32
    %mul3A_97 = arith.constant 32 : i32
    %mul3A_98 = arith.muli %arg0, %mul3A_97 : i32
    %mul3A_99 = arith.constant 10240 : i32
    %mul3A_100 = arith.muli %mul3A_98, %mul3A_99 : i32
    %add3A_101 = arith.addi %mul3A_100, %add3A_80 : i32
    %multiple_of3A_102 = tpu.assume_multiple %add3A_101, 128 : i32
    "tpu.region"() ({
      %run_scoped3A = tpu.sem_alloc : memref<!tpu.dma_semaphore, #tpu.memory_space<semaphore_mem>>
      %dma_start3A = arith.constant 0 : i32
      %dma_start3A_103 = tpu.memref_slice %arg13[%dma_start3A] : memref<40960xf32, #tpu.memory_space<vmem>> -> memref<20480xf32, #tpu.memory_space<vmem>>
      %dma_start3A_104 = tpu.memref_slice %arg5[%multiple_of3A_102] : memref<655360xf32, #tpu.memory_space<hbm>> -> memref<20480xf32, #tpu.memory_space<hbm>>
      %dma_start3A_105 = tpu.memref_slice %arg5[%multiple_of3A_102] : memref<655360xf32, #tpu.memory_space<hbm>> -> memref<20480xf32, #tpu.memory_space<hbm>>
      %dma_start3A_106 = arith.constant 0 : i32
      %dma_start3A_107 = tpu.memref_slice %arg13[%dma_start3A_106] : memref<40960xf32, #tpu.memory_space<vmem>> -> memref<20480xf32, #tpu.memory_space<vmem>>
      tpu.enqueue_dma source(%dma_start3A_107 : memref<20480xf32, #tpu.memory_space<vmem>>) target(%dma_start3A_105 : memref<20480xf32, #tpu.memory_space<hbm>>) target_semaphore(%run_scoped3A : memref<!tpu.dma_semaphore, #tpu.memory_space<semaphore_mem>>)
      %dma_wait3A = arith.constant 0 : i32
      %dma_wait3A_108 = tpu.memref_slice %arg13[%dma_wait3A] : memref<40960xf32, #tpu.memory_space<vmem>> -> memref<20480xf32, #tpu.memory_space<vmem>>
      %dma_wait3A_109 = tpu.memref_slice %arg5[%multiple_of3A_102] : memref<655360xf32, #tpu.memory_space<hbm>> -> memref<20480xf32, #tpu.memory_space<hbm>>
      %dma_wait3A_110 = tpu.memref_slice %arg5[%multiple_of3A_102] : memref<655360xf32, #tpu.memory_space<hbm>> -> memref<20480xf32, #tpu.memory_space<hbm>>
      %dma_wait3A_111 = arith.constant 0 : i32
      %dma_wait3A_112 = tpu.memref_slice %arg13[%dma_wait3A_111] : memref<40960xf32, #tpu.memory_space<vmem>> -> memref<20480xf32, #tpu.memory_space<vmem>>
      tpu.wait_dma2 semaphore(%run_scoped3A : memref<!tpu.dma_semaphore, #tpu.memory_space<semaphore_mem>>) src(%dma_wait3A_112 : memref<20480xf32, #tpu.memory_space<vmem>>) dst(%dma_wait3A_110 : memref<20480xf32, #tpu.memory_space<hbm>>)
      tpu.yield
    }) : () -> ()
    return
  }
}

#map = affine_map<(d0, d1) -> (0)>
module attributes {stable_mosaic.version = 14 : i64} {
  func.func @sc_scatter(%arg0: i32, %arg1: i32, %arg2: memref<327680xf32, #tpu.memory_space<hbm>>, %arg3: memref<323584xi32, #tpu.memory_space<hbm>>, %arg4: memref<323584xi32, #tpu.memory_space<hbm>>, %arg5: memref<655360xf32, #tpu.memory_space<hbm>>, %arg6: memref<1310720xf32, #tpu.memory_space<hbm>>, %arg7: memref<10112xi32, #tpu.memory_space<vmem>>, %arg8: memref<10112xi32, #tpu.memory_space<vmem>>, %arg9: memref<10112xf32, #tpu.memory_space<vmem>>, %arg10: memref<10112xf32, #tpu.memory_space<vmem>>, %arg11: memref<10112xf32, #tpu.memory_space<vmem>>, %arg12: memref<10112xf32, #tpu.memory_space<vmem>>, %arg13: memref<40960xf32, #tpu.memory_space<vmem>>, %arg14: memref<327680xf32, #tpu.memory_space<vmem_shared>>, %arg15: memref<!tpu.dma_semaphore, #tpu.memory_space<semaphore_mem>>, %arg16: memref<!tpu.dma_semaphore, #tpu.memory_space<semaphore_mem>>, %arg17: memref<!tpu.dma_semaphore, #tpu.memory_space<semaphore_mem>>, %arg18: memref<!tpu.dma_semaphore, #tpu.memory_space<semaphore_mem>>) attributes {dimension_semantics = [#tpu.dimension_semantics<core_parallel>, #tpu.dimension_semantics<subcore_parallel>], iteration_bounds = array<i64: 2, 16>, scalar_prefetch = 0 : i64, scratch_operands = 12 : i64, tpu.core_type = #tpu.core_type<sc_vector_subcore>, window_params = [{transform_indices = #map}, {transform_indices = #map}, {transform_indices = #map}, {transform_indices = #map}, {transform_indices = #map}]} {
    %jit3A = arith.constant 8 : i32
    %eq3A = arith.constant 0 : i32
    %eq3A_0 = arith.cmpi eq, %jit3A, %eq3A : i32
    %jit3A_1 = arith.constant 1 : i32
    %select_n3A = arith.select %eq3A_0, %jit3A_1, %jit3A : i32
    %rem3A = arith.remsi %arg1, %select_n3A : i32
    %ne3A = arith.constant 0 : i32
    %ne3A_2 = arith.cmpi ne, %rem3A, %ne3A : i32
    %lt3A = arith.constant 0 : i32
    %lt3A_3 = arith.cmpi slt, %rem3A, %lt3A : i32
    %lt3A_4 = arith.constant 0 : i32
    %lt3A_5 = arith.cmpi slt, %select_n3A, %lt3A_4 : i32
    %ne3A_6 = arith.xori %lt3A_3, %lt3A_5 : i1
    %and3A = arith.andi %ne3A_6, %ne3A_2 : i1
    %add3A = arith.addi %rem3A, %select_n3A : i32
    %select_n3A_7 = arith.select %and3A, %add3A, %rem3A : i32
    %jit3A_8 = arith.constant 8 : i32
    %div3A = arith.divsi %arg1, %jit3A_8 : i32
    %sign3A = arith.constant 0 : i32
    %sign3A_9 = arith.cmpi sgt, %arg1, %sign3A : i32
    %sign3A_10 = arith.extui %sign3A_9 : i1 to i32
    %sign3A_11 = arith.constant 0 : i32
    %sign3A_12 = arith.cmpi slt, %arg1, %sign3A_11 : i32
    %sign3A_13 = arith.extui %sign3A_12 : i1 to i32
    %sign3A_14 = arith.subi %sign3A_10, %sign3A_13 : i32
    %sign3A_15 = arith.constant 0 : i32
    %sign3A_16 = arith.cmpi sgt, %jit3A_8, %sign3A_15 : i32
    %sign3A_17 = arith.extui %sign3A_16 : i1 to i32
    %sign3A_18 = arith.constant 0 : i32
    %sign3A_19 = arith.cmpi slt, %jit3A_8, %sign3A_18 : i32
    %sign3A_20 = arith.extui %sign3A_19 : i1 to i32
    %sign3A_21 = arith.subi %sign3A_17, %sign3A_20 : i32
    %ne3A_22 = arith.cmpi ne, %sign3A_14, %sign3A_21 : i32
    %rem3A_23 = arith.remsi %arg1, %jit3A_8 : i32
    %ne3A_24 = arith.constant 0 : i32
    %ne3A_25 = arith.cmpi ne, %rem3A_23, %ne3A_24 : i32
    %and3A_26 = arith.andi %ne3A_22, %ne3A_25 : i1
    %sub3A = arith.constant 1 : i32
    %sub3A_27 = arith.subi %div3A, %sub3A : i32
    %select_n3A_28 = arith.select %and3A_26, %sub3A_27, %div3A : i32
    %mul3A = arith.constant 2 : i32
    %mul3A_29 = arith.muli %arg0, %mul3A : i32
    %add3A_30 = arith.addi %mul3A_29, %select_n3A_28 : i32
    %mul3A_31 = arith.constant 20480 : i32
    %mul3A_32 = arith.muli %arg1, %mul3A_31 : i32
    "tpu.region"() ({
      %run_scoped3A = tpu.sem_alloc : memref<!tpu.dma_semaphore, #tpu.memory_space<semaphore_mem>>
      %dma_start3A = tpu.memref_slice %arg14[%mul3A_32] : memref<327680xf32, #tpu.memory_space<vmem_shared>> -> memref<20480xf32, #tpu.memory_space<vmem_shared>>
      %dma_start3A_103 = tpu.memref_slice %arg2[%mul3A_32] : memref<327680xf32, #tpu.memory_space<hbm>> -> memref<20480xf32, #tpu.memory_space<hbm>>
      tpu.enqueue_dma source(%dma_start3A_103 : memref<20480xf32, #tpu.memory_space<hbm>>) target(%dma_start3A : memref<20480xf32, #tpu.memory_space<vmem_shared>>) target_semaphore(%run_scoped3A : memref<!tpu.dma_semaphore, #tpu.memory_space<semaphore_mem>>)
      %dma_wait3A = tpu.memref_slice %arg14[%mul3A_32] : memref<327680xf32, #tpu.memory_space<vmem_shared>> -> memref<20480xf32, #tpu.memory_space<vmem_shared>>
      %dma_wait3A_104 = tpu.memref_slice %arg2[%mul3A_32] : memref<327680xf32, #tpu.memory_space<hbm>> -> memref<20480xf32, #tpu.memory_space<hbm>>
      tpu.wait_dma2 semaphore(%run_scoped3A : memref<!tpu.dma_semaphore, #tpu.memory_space<semaphore_mem>>) src(%dma_wait3A_104 : memref<20480xf32, #tpu.memory_space<hbm>>) dst(%dma_wait3A : memref<20480xf32, #tpu.memory_space<vmem_shared>>)
      tpu.yield
    }) : () -> ()
    %eq3A_33 = arith.constant 1 : i32
    %eq3A_34 = arith.cmpi eq, %select_n3A_28, %eq3A_33 : i32
    %convert_element_type3A = arith.extui %eq3A_34 : i1 to i32
    %cond3A = arith.constant 0 : i32
    %cond3A_35 = arith.cmpi ne, %convert_element_type3A, %cond3A : i32
    scf.if %cond3A_35 {
      %scan3A_103 = arith.constant 0 : i32
      %scan3A_104 = arith.constant 0 : i32
      %scan3A_105 = arith.constant 2560 : i32
      %scan3A_106 = arith.addi %scan3A_104, %scan3A_105 : i32
      %scan3A_107 = arith.constant 1 : i32
      scf.for %scan3A_109 = %scan3A_104 to %scan3A_106 step %scan3A_107  : i32 {
        %broadcast_in_dim3A = arith.constant 0.000000e+00 : f32
        %broadcast_in_dim3A_110 = vector.broadcast %broadcast_in_dim3A : f32 to vector<16xf32>
        %mul3A_111 = arith.constant 16 : i32
        %mul3A_112 = arith.muli %scan3A_109, %mul3A_111 : i32
        %multiple_of3A_113 = tpu.assume_multiple %mul3A_112, 16 : i32
        %swap3A = arith.index_cast %multiple_of3A_113 : i32 to index
        %swap3A_114 = tpu.vector_load %arg13[%swap3A] {strides = array<i32>} : memref<40960xf32, #tpu.memory_space<vmem>>, vector<16xf32>,
        tpu.vector_store %arg13[%swap3A], %broadcast_in_dim3A_110 {strides = array<i32>} : memref<40960xf32, #tpu.memory_space<vmem>>, vector<16xf32>,
      }
      %scan3A_108 = arith.constant 2560 : i32
    } else {
    }
    %barrier3A = arith.constant 0 : index
    tpu.barrier barrier_id(%barrier3A)
    %eq3A_36 = arith.constant 0 : i32
    %eq3A_37 = arith.cmpi eq, %select_n3A_28, %eq3A_36 : i32
    %convert_element_type3A_38 = arith.extui %eq3A_37 : i1 to i32
    %cond3A_39 = arith.constant 0 : i32
    %cond3A_40 = arith.cmpi ne, %convert_element_type3A_38, %cond3A_39 : i32
    scf.if %cond3A_40 {
      %mul3A_103 = arith.constant 40960 : i32
      %mul3A_104 = arith.muli %select_n3A_7, %mul3A_103 : i32
      "tpu.region"() ({
        %run_scoped3A = tpu.sem_alloc : memref<!tpu.dma_semaphore, #tpu.memory_space<semaphore_mem>>
        %dma_start3A = tpu.memref_slice %arg14[%mul3A_104] : memref<327680xf32, #tpu.memory_space<vmem_shared>> -> memref<40960xf32, #tpu.memory_space<vmem_shared>>
        %dma_start3A_105 = tpu.memref_slice %arg14[%mul3A_104] : memref<327680xf32, #tpu.memory_space<vmem_shared>> -> memref<40960xf32, #tpu.memory_space<vmem_shared>>
        tpu.enqueue_dma source(%dma_start3A_105 : memref<40960xf32, #tpu.memory_space<vmem_shared>>) target(%arg13 : memref<40960xf32, #tpu.memory_space<vmem>>) target_semaphore(%run_scoped3A : memref<!tpu.dma_semaphore, #tpu.memory_space<semaphore_mem>>)
        %dma_wait3A = tpu.memref_slice %arg14[%mul3A_104] : memref<327680xf32, #tpu.memory_space<vmem_shared>> -> memref<40960xf32, #tpu.memory_space<vmem_shared>>
        %dma_wait3A_106 = tpu.memref_slice %arg14[%mul3A_104] : memref<327680xf32, #tpu.memory_space<vmem_shared>> -> memref<40960xf32, #tpu.memory_space<vmem_shared>>
        tpu.wait_dma2 semaphore(%run_scoped3A : memref<!tpu.dma_semaphore, #tpu.memory_space<semaphore_mem>>) src(%dma_wait3A_106 : memref<40960xf32, #tpu.memory_space<vmem_shared>>) dst(%arg13 : memref<40960xf32, #tpu.memory_space<vmem>>)
        tpu.yield
      }) : () -> ()
    } else {
    }
    %scan3A = arith.constant 0 : i32
    %scan3A_41 = arith.constant 0 : i32
    %scan3A_42 = arith.constant 8 : i32
    %scan3A_43 = arith.addi %scan3A_41, %scan3A_42 : i32
    %scan3A_44 = arith.constant 1 : i32
    scf.for %scan3A_103 = %scan3A_41 to %scan3A_43 step %scan3A_44  : i32 {
      %mul3A_104 = arith.constant 80896 : i32
      %mul3A_105 = arith.muli %add3A_30, %mul3A_104 : i32
      %mul3A_106 = arith.constant 10112 : i32
      %mul3A_107 = arith.muli %scan3A_103, %mul3A_106 : i32
      %add3A_108 = arith.addi %mul3A_105, %mul3A_107 : i32
      %multiple_of3A_109 = tpu.assume_multiple %add3A_108, 128 : i32
      "tpu.region"() ({
        %run_scoped3A = tpu.sem_alloc : memref<!tpu.dma_semaphore, #tpu.memory_space<semaphore_mem>>
        %dma_start3A_180 = tpu.memref_slice %arg3[%multiple_of3A_109] : memref<323584xi32, #tpu.memory_space<hbm>> -> memref<10112xi32, #tpu.memory_space<hbm>>
        %dma_start3A_181 = tpu.memref_slice %arg3[%multiple_of3A_109] : memref<323584xi32, #tpu.memory_space<hbm>> -> memref<10112xi32, #tpu.memory_space<hbm>>
        tpu.enqueue_dma source(%dma_start3A_181 : memref<10112xi32, #tpu.memory_space<hbm>>) target(%arg7 : memref<10112xi32, #tpu.memory_space<vmem>>) target_semaphore(%run_scoped3A : memref<!tpu.dma_semaphore, #tpu.memory_space<semaphore_mem>>)
        %dma_wait3A_182 = tpu.memref_slice %arg3[%multiple_of3A_109] : memref<323584xi32, #tpu.memory_space<hbm>> -> memref<10112xi32, #tpu.memory_space<hbm>>
        %dma_wait3A_183 = tpu.memref_slice %arg3[%multiple_of3A_109] : memref<323584xi32, #tpu.memory_space<hbm>> -> memref<10112xi32, #tpu.memory_space<hbm>>
        tpu.wait_dma2 semaphore(%run_scoped3A : memref<!tpu.dma_semaphore, #tpu.memory_space<semaphore_mem>>) src(%dma_wait3A_183 : memref<10112xi32, #tpu.memory_space<hbm>>) dst(%arg7 : memref<10112xi32, #tpu.memory_space<vmem>>)
        tpu.yield
      }) : () -> ()
      "tpu.region"() ({
        %run_scoped3A = tpu.sem_alloc : memref<!tpu.dma_semaphore, #tpu.memory_space<semaphore_mem>>
        %dma_start3A_180 = tpu.memref_slice %arg4[%multiple_of3A_109] : memref<323584xi32, #tpu.memory_space<hbm>> -> memref<10112xi32, #tpu.memory_space<hbm>>
        %dma_start3A_181 = tpu.memref_slice %arg4[%multiple_of3A_109] : memref<323584xi32, #tpu.memory_space<hbm>> -> memref<10112xi32, #tpu.memory_space<hbm>>
        tpu.enqueue_dma source(%dma_start3A_181 : memref<10112xi32, #tpu.memory_space<hbm>>) target(%arg8 : memref<10112xi32, #tpu.memory_space<vmem>>) target_semaphore(%run_scoped3A : memref<!tpu.dma_semaphore, #tpu.memory_space<semaphore_mem>>)
        %dma_wait3A_182 = tpu.memref_slice %arg4[%multiple_of3A_109] : memref<323584xi32, #tpu.memory_space<hbm>> -> memref<10112xi32, #tpu.memory_space<hbm>>
        %dma_wait3A_183 = tpu.memref_slice %arg4[%multiple_of3A_109] : memref<323584xi32, #tpu.memory_space<hbm>> -> memref<10112xi32, #tpu.memory_space<hbm>>
        tpu.wait_dma2 semaphore(%run_scoped3A : memref<!tpu.dma_semaphore, #tpu.memory_space<semaphore_mem>>) src(%dma_wait3A_183 : memref<10112xi32, #tpu.memory_space<hbm>>) dst(%arg8 : memref<10112xi32, #tpu.memory_space<vmem>>)
        tpu.yield
      }) : () -> ()
      %mul3A_110 = arith.constant 4 : i32
      %mul3A_111 = arith.muli %select_n3A_7, %mul3A_110 : i32
      %add3A_112 = arith.constant 0 : i32
      %add3A_113 = arith.addi %mul3A_111, %add3A_112 : i32
      %mul3A_114 = arith.constant 10240 : i32
      %mul3A_115 = arith.muli %add3A_113, %mul3A_114 : i32
      %dma_start3A = tpu.memref_slice %arg14[%mul3A_115] : memref<327680xf32, #tpu.memory_space<vmem_shared>> -> memref<10240xf32, #tpu.memory_space<vmem_shared>>
      %dma_start3A_116 = arith.constant 0 : i32
      %dma_start3A_117 = tpu.memref_slice %dma_start3A[%dma_start3A_116] : memref<10240xf32, #tpu.memory_space<vmem_shared>> -> memref<10240xf32, #tpu.memory_space<vmem_shared>>
      tpu.enqueue_indirect_dma source(%dma_start3A_117 : memref<10240xf32, #tpu.memory_space<vmem_shared>>) target(%arg9 : memref<10112xf32, #tpu.memory_space<vmem>>) offsets(%arg7 : memref<10112xi32, #tpu.memory_space<vmem>>) semaphore(%arg15 : memref<!tpu.dma_semaphore, #tpu.memory_space<semaphore_mem>>)
      %mul3A_118 = arith.constant 4 : i32
      %mul3A_119 = arith.muli %select_n3A_7, %mul3A_118 : i32
      %add3A_120 = arith.constant 1 : i32
      %add3A_121 = arith.addi %mul3A_119, %add3A_120 : i32
      %mul3A_122 = arith.constant 10240 : i32
      %mul3A_123 = arith.muli %add3A_121, %mul3A_122 : i32
      %dma_start3A_124 = tpu.memref_slice %arg14[%mul3A_123] : memref<327680xf32, #tpu.memory_space<vmem_shared>> -> memref<10240xf32, #tpu.memory_space<vmem_shared>>
      %dma_start3A_125 = arith.constant 0 : i32
      %dma_start3A_126 = tpu.memref_slice %dma_start3A_124[%dma_start3A_125] : memref<10240xf32, #tpu.memory_space<vmem_shared>> -> memref<10240xf32, #tpu.memory_space<vmem_shared>>
      tpu.enqueue_indirect_dma source(%dma_start3A_126 : memref<10240xf32, #tpu.memory_space<vmem_shared>>) target(%arg10 : memref<10112xf32, #tpu.memory_space<vmem>>) offsets(%arg7 : memref<10112xi32, #tpu.memory_space<vmem>>) semaphore(%arg16 : memref<!tpu.dma_semaphore, #tpu.memory_space<semaphore_mem>>)
      %mul3A_127 = arith.constant 4 : i32
      %mul3A_128 = arith.muli %select_n3A_7, %mul3A_127 : i32
      %add3A_129 = arith.constant 2 : i32
      %add3A_130 = arith.addi %mul3A_128, %add3A_129 : i32
      %mul3A_131 = arith.constant 10240 : i32
      %mul3A_132 = arith.muli %add3A_130, %mul3A_131 : i32
      %dma_start3A_133 = tpu.memref_slice %arg14[%mul3A_132] : memref<327680xf32, #tpu.memory_space<vmem_shared>> -> memref<10240xf32, #tpu.memory_space<vmem_shared>>
      %dma_start3A_134 = arith.constant 0 : i32
      %dma_start3A_135 = tpu.memref_slice %dma_start3A_133[%dma_start3A_134] : memref<10240xf32, #tpu.memory_space<vmem_shared>> -> memref<10240xf32, #tpu.memory_space<vmem_shared>>
      tpu.enqueue_indirect_dma source(%dma_start3A_135 : memref<10240xf32, #tpu.memory_space<vmem_shared>>) target(%arg11 : memref<10112xf32, #tpu.memory_space<vmem>>) offsets(%arg7 : memref<10112xi32, #tpu.memory_space<vmem>>) semaphore(%arg17 : memref<!tpu.dma_semaphore, #tpu.memory_space<semaphore_mem>>)
      %mul3A_136 = arith.constant 4 : i32
      %mul3A_137 = arith.muli %select_n3A_7, %mul3A_136 : i32
      %add3A_138 = arith.constant 3 : i32
      %add3A_139 = arith.addi %mul3A_137, %add3A_138 : i32
      %mul3A_140 = arith.constant 10240 : i32
      %mul3A_141 = arith.muli %add3A_139, %mul3A_140 : i32
      %dma_start3A_142 = tpu.memref_slice %arg14[%mul3A_141] : memref<327680xf32, #tpu.memory_space<vmem_shared>> -> memref<10240xf32, #tpu.memory_space<vmem_shared>>
      %dma_start3A_143 = arith.constant 0 : i32
      %dma_start3A_144 = tpu.memref_slice %dma_start3A_142[%dma_start3A_143] : memref<10240xf32, #tpu.memory_space<vmem_shared>> -> memref<10240xf32, #tpu.memory_space<vmem_shared>>
      tpu.enqueue_indirect_dma source(%dma_start3A_144 : memref<10240xf32, #tpu.memory_space<vmem_shared>>) target(%arg12 : memref<10112xf32, #tpu.memory_space<vmem>>) offsets(%arg7 : memref<10112xi32, #tpu.memory_space<vmem>>) semaphore(%arg18 : memref<!tpu.dma_semaphore, #tpu.memory_space<semaphore_mem>>)
      %dma_wait3A = tpu.memref_slice %arg14[%mul3A_115] : memref<327680xf32, #tpu.memory_space<vmem_shared>> -> memref<10240xf32, #tpu.memory_space<vmem_shared>>
      %dma_wait3A_145 = arith.constant 0 : i32
      %dma_wait3A_146 = tpu.memref_slice %dma_wait3A[%dma_wait3A_145] : memref<10240xf32, #tpu.memory_space<vmem_shared>> -> memref<10240xf32, #tpu.memory_space<vmem_shared>>
      tpu.wait_indirect_dma semaphore(%arg15 : memref<!tpu.dma_semaphore, #tpu.memory_space<semaphore_mem>>) src(%dma_wait3A_146 : memref<10240xf32, #tpu.memory_space<vmem_shared>>) dst(%arg9 : memref<10112xf32, #tpu.memory_space<vmem>>)
      %scan3A_147 = arith.constant 0 : i32
      %scan3A_148 = arith.constant 0 : i32
      %scan3A_149 = arith.constant 632 : i32
      %scan3A_150 = arith.addi %scan3A_148, %scan3A_149 : i32
      %scan3A_151 = arith.constant 8 : i32
      scf.for %scan3A_180 = %scan3A_148 to %scan3A_150 step %scan3A_151  : i32 {
        %mul3A_181 = arith.constant 16 : i32
        %mul3A_182 = arith.muli %scan3A_180, %mul3A_181 : i32
        %multiple_of3A_183 = tpu.assume_multiple %mul3A_182, 16 : i32
        %get3A = arith.index_cast %multiple_of3A_183 : i32 to index
        %get3A_184 = tpu.vector_load %arg8[%get3A] {strides = array<i32>} : memref<10112xi32, #tpu.memory_space<vmem>>, vector<16xi32>,
        %add3A_185 = arith.constant 0 : i32
        %add3A_186 = vector.broadcast %add3A_185 : i32 to vector<16xi32>
        %add3A_187 = arith.addi %get3A_184, %add3A_186 : vector<16xi32>
        %get3A_188 = arith.index_cast %multiple_of3A_183 : i32 to index
        %get3A_189 = tpu.vector_load %arg9[%get3A_188] {strides = array<i32>} : memref<10112xf32, #tpu.memory_space<vmem>>, vector<16xf32>,
        tpu.vector_store_idx %arg13[%add3A_187], %get3A_189 {add = true} : memref<40960xf32, #tpu.memory_space<vmem>>[vector<16xi32>], vector<16xf32>,
        %scan3A_190 = arith.constant 1 : i32
        %scan3A_191 = arith.addi %scan3A_180, %scan3A_190 : i32
        %mul3A_192 = arith.constant 16 : i32
        %mul3A_193 = arith.muli %scan3A_191, %mul3A_192 : i32
        %multiple_of3A_194 = tpu.assume_multiple %mul3A_193, 16 : i32
        %get3A_195 = arith.index_cast %multiple_of3A_194 : i32 to index
        %get3A_196 = tpu.vector_load %arg8[%get3A_195] {strides = array<i32>} : memref<10112xi32, #tpu.memory_space<vmem>>, vector<16xi32>,
        %add3A_197 = arith.constant 0 : i32
        %add3A_198 = vector.broadcast %add3A_197 : i32 to vector<16xi32>
        %add3A_199 = arith.addi %get3A_196, %add3A_198 : vector<16xi32>
        %get3A_200 = arith.index_cast %multiple_of3A_194 : i32 to index
        %get3A_201 = tpu.vector_load %arg9[%get3A_200] {strides = array<i32>} : memref<10112xf32, #tpu.memory_space<vmem>>, vector<16xf32>,
        tpu.vector_store_idx %arg13[%add3A_199], %get3A_201 {add = true} : memref<40960xf32, #tpu.memory_space<vmem>>[vector<16xi32>], vector<16xf32>,
        %scan3A_202 = arith.constant 2 : i32
        %scan3A_203 = arith.addi %scan3A_180, %scan3A_202 : i32
        %mul3A_204 = arith.constant 16 : i32
        %mul3A_205 = arith.muli %scan3A_203, %mul3A_204 : i32
        %multiple_of3A_206 = tpu.assume_multiple %mul3A_205, 16 : i32
        %get3A_207 = arith.index_cast %multiple_of3A_206 : i32 to index
        %get3A_208 = tpu.vector_load %arg8[%get3A_207] {strides = array<i32>} : memref<10112xi32, #tpu.memory_space<vmem>>, vector<16xi32>,
        %add3A_209 = arith.constant 0 : i32
        %add3A_210 = vector.broadcast %add3A_209 : i32 to vector<16xi32>
        %add3A_211 = arith.addi %get3A_208, %add3A_210 : vector<16xi32>
        %get3A_212 = arith.index_cast %multiple_of3A_206 : i32 to index
        %get3A_213 = tpu.vector_load %arg9[%get3A_212] {strides = array<i32>} : memref<10112xf32, #tpu.memory_space<vmem>>, vector<16xf32>,
        tpu.vector_store_idx %arg13[%add3A_211], %get3A_213 {add = true} : memref<40960xf32, #tpu.memory_space<vmem>>[vector<16xi32>], vector<16xf32>,
        %scan3A_214 = arith.constant 3 : i32
        %scan3A_215 = arith.addi %scan3A_180, %scan3A_214 : i32
        %mul3A_216 = arith.constant 16 : i32
        %mul3A_217 = arith.muli %scan3A_215, %mul3A_216 : i32
        %multiple_of3A_218 = tpu.assume_multiple %mul3A_217, 16 : i32
        %get3A_219 = arith.index_cast %multiple_of3A_218 : i32 to index
        %get3A_220 = tpu.vector_load %arg8[%get3A_219] {strides = array<i32>} : memref<10112xi32, #tpu.memory_space<vmem>>, vector<16xi32>,
        %add3A_221 = arith.constant 0 : i32
        %add3A_222 = vector.broadcast %add3A_221 : i32 to vector<16xi32>
        %add3A_223 = arith.addi %get3A_220, %add3A_222 : vector<16xi32>
        %get3A_224 = arith.index_cast %multiple_of3A_218 : i32 to index
        %get3A_225 = tpu.vector_load %arg9[%get3A_224] {strides = array<i32>} : memref<10112xf32, #tpu.memory_space<vmem>>, vector<16xf32>,
        tpu.vector_store_idx %arg13[%add3A_223], %get3A_225 {add = true} : memref<40960xf32, #tpu.memory_space<vmem>>[vector<16xi32>], vector<16xf32>,
        %scan3A_226 = arith.constant 4 : i32
        %scan3A_227 = arith.addi %scan3A_180, %scan3A_226 : i32
        %mul3A_228 = arith.constant 16 : i32
        %mul3A_229 = arith.muli %scan3A_227, %mul3A_228 : i32
        %multiple_of3A_230 = tpu.assume_multiple %mul3A_229, 16 : i32
        %get3A_231 = arith.index_cast %multiple_of3A_230 : i32 to index
        %get3A_232 = tpu.vector_load %arg8[%get3A_231] {strides = array<i32>} : memref<10112xi32, #tpu.memory_space<vmem>>, vector<16xi32>,
        %add3A_233 = arith.constant 0 : i32
        %add3A_234 = vector.broadcast %add3A_233 : i32 to vector<16xi32>
        %add3A_235 = arith.addi %get3A_232, %add3A_234 : vector<16xi32>
        %get3A_236 = arith.index_cast %multiple_of3A_230 : i32 to index
        %get3A_237 = tpu.vector_load %arg9[%get3A_236] {strides = array<i32>} : memref<10112xf32, #tpu.memory_space<vmem>>, vector<16xf32>,
        tpu.vector_store_idx %arg13[%add3A_235], %get3A_237 {add = true} : memref<40960xf32, #tpu.memory_space<vmem>>[vector<16xi32>], vector<16xf32>,
        %scan3A_238 = arith.constant 5 : i32
        %scan3A_239 = arith.addi %scan3A_180, %scan3A_238 : i32
        %mul3A_240 = arith.constant 16 : i32
        %mul3A_241 = arith.muli %scan3A_239, %mul3A_240 : i32
        %multiple_of3A_242 = tpu.assume_multiple %mul3A_241, 16 : i32
        %get3A_243 = arith.index_cast %multiple_of3A_242 : i32 to index
        %get3A_244 = tpu.vector_load %arg8[%get3A_243] {strides = array<i32>} : memref<10112xi32, #tpu.memory_space<vmem>>, vector<16xi32>,
        %add3A_245 = arith.constant 0 : i32
        %add3A_246 = vector.broadcast %add3A_245 : i32 to vector<16xi32>
        %add3A_247 = arith.addi %get3A_244, %add3A_246 : vector<16xi32>
        %get3A_248 = arith.index_cast %multiple_of3A_242 : i32 to index
        %get3A_249 = tpu.vector_load %arg9[%get3A_248] {strides = array<i32>} : memref<10112xf32, #tpu.memory_space<vmem>>, vector<16xf32>,
        tpu.vector_store_idx %arg13[%add3A_247], %get3A_249 {add = true} : memref<40960xf32, #tpu.memory_space<vmem>>[vector<16xi32>], vector<16xf32>,
        %scan3A_250 = arith.constant 6 : i32
        %scan3A_251 = arith.addi %scan3A_180, %scan3A_250 : i32
        %mul3A_252 = arith.constant 16 : i32
        %mul3A_253 = arith.muli %scan3A_251, %mul3A_252 : i32
        %multiple_of3A_254 = tpu.assume_multiple %mul3A_253, 16 : i32
        %get3A_255 = arith.index_cast %multiple_of3A_254 : i32 to index
        %get3A_256 = tpu.vector_load %arg8[%get3A_255] {strides = array<i32>} : memref<10112xi32, #tpu.memory_space<vmem>>, vector<16xi32>,
        %add3A_257 = arith.constant 0 : i32
        %add3A_258 = vector.broadcast %add3A_257 : i32 to vector<16xi32>
        %add3A_259 = arith.addi %get3A_256, %add3A_258 : vector<16xi32>
        %get3A_260 = arith.index_cast %multiple_of3A_254 : i32 to index
        %get3A_261 = tpu.vector_load %arg9[%get3A_260] {strides = array<i32>} : memref<10112xf32, #tpu.memory_space<vmem>>, vector<16xf32>,
        tpu.vector_store_idx %arg13[%add3A_259], %get3A_261 {add = true} : memref<40960xf32, #tpu.memory_space<vmem>>[vector<16xi32>], vector<16xf32>,
        %scan3A_262 = arith.constant 7 : i32
        %scan3A_263 = arith.addi %scan3A_180, %scan3A_262 : i32
        %mul3A_264 = arith.constant 16 : i32
        %mul3A_265 = arith.muli %scan3A_263, %mul3A_264 : i32
        %multiple_of3A_266 = tpu.assume_multiple %mul3A_265, 16 : i32
        %get3A_267 = arith.index_cast %multiple_of3A_266 : i32 to index
        %get3A_268 = tpu.vector_load %arg8[%get3A_267] {strides = array<i32>} : memref<10112xi32, #tpu.memory_space<vmem>>, vector<16xi32>,
        %add3A_269 = arith.constant 0 : i32
        %add3A_270 = vector.broadcast %add3A_269 : i32 to vector<16xi32>
        %add3A_271 = arith.addi %get3A_268, %add3A_270 : vector<16xi32>
        %get3A_272 = arith.index_cast %multiple_of3A_266 : i32 to index
        %get3A_273 = tpu.vector_load %arg9[%get3A_272] {strides = array<i32>} : memref<10112xf32, #tpu.memory_space<vmem>>, vector<16xf32>,
        tpu.vector_store_idx %arg13[%add3A_271], %get3A_273 {add = true} : memref<40960xf32, #tpu.memory_space<vmem>>[vector<16xi32>], vector<16xf32>,
      }
      %scan3A_152 = arith.constant 632 : i32
      %dma_wait3A_153 = tpu.memref_slice %arg14[%mul3A_123] : memref<327680xf32, #tpu.memory_space<vmem_shared>> -> memref<10240xf32, #tpu.memory_space<vmem_shared>>
      %dma_wait3A_154 = arith.constant 0 : i32
      %dma_wait3A_155 = tpu.memref_slice %dma_wait3A_153[%dma_wait3A_154] : memref<10240xf32, #tpu.memory_space<vmem_shared>> -> memref<10240xf32, #tpu.memory_space<vmem_shared>>
      tpu.wait_indirect_dma semaphore(%arg16 : memref<!tpu.dma_semaphore, #tpu.memory_space<semaphore_mem>>) src(%dma_wait3A_155 : memref<10240xf32, #tpu.memory_space<vmem_shared>>) dst(%arg10 : memref<10112xf32, #tpu.memory_space<vmem>>)
      %scan3A_156 = arith.constant 0 : i32
      %scan3A_157 = arith.constant 0 : i32
      %scan3A_158 = arith.constant 632 : i32
      %scan3A_159 = arith.addi %scan3A_157, %scan3A_158 : i32
      %scan3A_160 = arith.constant 8 : i32
      scf.for %scan3A_180 = %scan3A_157 to %scan3A_159 step %scan3A_160  : i32 {
        %mul3A_181 = arith.constant 16 : i32
        %mul3A_182 = arith.muli %scan3A_180, %mul3A_181 : i32
        %multiple_of3A_183 = tpu.assume_multiple %mul3A_182, 16 : i32
        %get3A = arith.index_cast %multiple_of3A_183 : i32 to index
        %get3A_184 = tpu.vector_load %arg8[%get3A] {strides = array<i32>} : memref<10112xi32, #tpu.memory_space<vmem>>, vector<16xi32>,
        %add3A_185 = arith.constant 10240 : i32
        %add3A_186 = vector.broadcast %add3A_185 : i32 to vector<16xi32>
        %add3A_187 = arith.addi %get3A_184, %add3A_186 : vector<16xi32>
        %get3A_188 = arith.index_cast %multiple_of3A_183 : i32 to index
        %get3A_189 = tpu.vector_load %arg10[%get3A_188] {strides = array<i32>} : memref<10112xf32, #tpu.memory_space<vmem>>, vector<16xf32>,
        tpu.vector_store_idx %arg13[%add3A_187], %get3A_189 {add = true} : memref<40960xf32, #tpu.memory_space<vmem>>[vector<16xi32>], vector<16xf32>,
        %scan3A_190 = arith.constant 1 : i32
        %scan3A_191 = arith.addi %scan3A_180, %scan3A_190 : i32
        %mul3A_192 = arith.constant 16 : i32
        %mul3A_193 = arith.muli %scan3A_191, %mul3A_192 : i32
        %multiple_of3A_194 = tpu.assume_multiple %mul3A_193, 16 : i32
        %get3A_195 = arith.index_cast %multiple_of3A_194 : i32 to index
        %get3A_196 = tpu.vector_load %arg8[%get3A_195] {strides = array<i32>} : memref<10112xi32, #tpu.memory_space<vmem>>, vector<16xi32>,
        %add3A_197 = arith.constant 10240 : i32
        %add3A_198 = vector.broadcast %add3A_197 : i32 to vector<16xi32>
        %add3A_199 = arith.addi %get3A_196, %add3A_198 : vector<16xi32>
        %get3A_200 = arith.index_cast %multiple_of3A_194 : i32 to index
        %get3A_201 = tpu.vector_load %arg10[%get3A_200] {strides = array<i32>} : memref<10112xf32, #tpu.memory_space<vmem>>, vector<16xf32>,
        tpu.vector_store_idx %arg13[%add3A_199], %get3A_201 {add = true} : memref<40960xf32, #tpu.memory_space<vmem>>[vector<16xi32>], vector<16xf32>,
        %scan3A_202 = arith.constant 2 : i32
        %scan3A_203 = arith.addi %scan3A_180, %scan3A_202 : i32
        %mul3A_204 = arith.constant 16 : i32
        %mul3A_205 = arith.muli %scan3A_203, %mul3A_204 : i32
        %multiple_of3A_206 = tpu.assume_multiple %mul3A_205, 16 : i32
        %get3A_207 = arith.index_cast %multiple_of3A_206 : i32 to index
        %get3A_208 = tpu.vector_load %arg8[%get3A_207] {strides = array<i32>} : memref<10112xi32, #tpu.memory_space<vmem>>, vector<16xi32>,
        %add3A_209 = arith.constant 10240 : i32
        %add3A_210 = vector.broadcast %add3A_209 : i32 to vector<16xi32>
        %add3A_211 = arith.addi %get3A_208, %add3A_210 : vector<16xi32>
        %get3A_212 = arith.index_cast %multiple_of3A_206 : i32 to index
        %get3A_213 = tpu.vector_load %arg10[%get3A_212] {strides = array<i32>} : memref<10112xf32, #tpu.memory_space<vmem>>, vector<16xf32>,
        tpu.vector_store_idx %arg13[%add3A_211], %get3A_213 {add = true} : memref<40960xf32, #tpu.memory_space<vmem>>[vector<16xi32>], vector<16xf32>,
        %scan3A_214 = arith.constant 3 : i32
        %scan3A_215 = arith.addi %scan3A_180, %scan3A_214 : i32
        %mul3A_216 = arith.constant 16 : i32
        %mul3A_217 = arith.muli %scan3A_215, %mul3A_216 : i32
        %multiple_of3A_218 = tpu.assume_multiple %mul3A_217, 16 : i32
        %get3A_219 = arith.index_cast %multiple_of3A_218 : i32 to index
        %get3A_220 = tpu.vector_load %arg8[%get3A_219] {strides = array<i32>} : memref<10112xi32, #tpu.memory_space<vmem>>, vector<16xi32>,
        %add3A_221 = arith.constant 10240 : i32
        %add3A_222 = vector.broadcast %add3A_221 : i32 to vector<16xi32>
        %add3A_223 = arith.addi %get3A_220, %add3A_222 : vector<16xi32>
        %get3A_224 = arith.index_cast %multiple_of3A_218 : i32 to index
        %get3A_225 = tpu.vector_load %arg10[%get3A_224] {strides = array<i32>} : memref<10112xf32, #tpu.memory_space<vmem>>, vector<16xf32>,
        tpu.vector_store_idx %arg13[%add3A_223], %get3A_225 {add = true} : memref<40960xf32, #tpu.memory_space<vmem>>[vector<16xi32>], vector<16xf32>,
        %scan3A_226 = arith.constant 4 : i32
        %scan3A_227 = arith.addi %scan3A_180, %scan3A_226 : i32
        %mul3A_228 = arith.constant 16 : i32
        %mul3A_229 = arith.muli %scan3A_227, %mul3A_228 : i32
        %multiple_of3A_230 = tpu.assume_multiple %mul3A_229, 16 : i32
        %get3A_231 = arith.index_cast %multiple_of3A_230 : i32 to index
        %get3A_232 = tpu.vector_load %arg8[%get3A_231] {strides = array<i32>} : memref<10112xi32, #tpu.memory_space<vmem>>, vector<16xi32>,
        %add3A_233 = arith.constant 10240 : i32
        %add3A_234 = vector.broadcast %add3A_233 : i32 to vector<16xi32>
        %add3A_235 = arith.addi %get3A_232, %add3A_234 : vector<16xi32>
        %get3A_236 = arith.index_cast %multiple_of3A_230 : i32 to index
        %get3A_237 = tpu.vector_load %arg10[%get3A_236] {strides = array<i32>} : memref<10112xf32, #tpu.memory_space<vmem>>, vector<16xf32>,
        tpu.vector_store_idx %arg13[%add3A_235], %get3A_237 {add = true} : memref<40960xf32, #tpu.memory_space<vmem>>[vector<16xi32>], vector<16xf32>,
        %scan3A_238 = arith.constant 5 : i32
        %scan3A_239 = arith.addi %scan3A_180, %scan3A_238 : i32
        %mul3A_240 = arith.constant 16 : i32
        %mul3A_241 = arith.muli %scan3A_239, %mul3A_240 : i32
        %multiple_of3A_242 = tpu.assume_multiple %mul3A_241, 16 : i32
        %get3A_243 = arith.index_cast %multiple_of3A_242 : i32 to index
        %get3A_244 = tpu.vector_load %arg8[%get3A_243] {strides = array<i32>} : memref<10112xi32, #tpu.memory_space<vmem>>, vector<16xi32>,
        %add3A_245 = arith.constant 10240 : i32
        %add3A_246 = vector.broadcast %add3A_245 : i32 to vector<16xi32>
        %add3A_247 = arith.addi %get3A_244, %add3A_246 : vector<16xi32>
        %get3A_248 = arith.index_cast %multiple_of3A_242 : i32 to index
        %get3A_249 = tpu.vector_load %arg10[%get3A_248] {strides = array<i32>} : memref<10112xf32, #tpu.memory_space<vmem>>, vector<16xf32>,
        tpu.vector_store_idx %arg13[%add3A_247], %get3A_249 {add = true} : memref<40960xf32, #tpu.memory_space<vmem>>[vector<16xi32>], vector<16xf32>,
        %scan3A_250 = arith.constant 6 : i32
        %scan3A_251 = arith.addi %scan3A_180, %scan3A_250 : i32
        %mul3A_252 = arith.constant 16 : i32
        %mul3A_253 = arith.muli %scan3A_251, %mul3A_252 : i32
        %multiple_of3A_254 = tpu.assume_multiple %mul3A_253, 16 : i32
        %get3A_255 = arith.index_cast %multiple_of3A_254 : i32 to index
        %get3A_256 = tpu.vector_load %arg8[%get3A_255] {strides = array<i32>} : memref<10112xi32, #tpu.memory_space<vmem>>, vector<16xi32>,
        %add3A_257 = arith.constant 10240 : i32
        %add3A_258 = vector.broadcast %add3A_257 : i32 to vector<16xi32>
        %add3A_259 = arith.addi %get3A_256, %add3A_258 : vector<16xi32>
        %get3A_260 = arith.index_cast %multiple_of3A_254 : i32 to index
        %get3A_261 = tpu.vector_load %arg10[%get3A_260] {strides = array<i32>} : memref<10112xf32, #tpu.memory_space<vmem>>, vector<16xf32>,
        tpu.vector_store_idx %arg13[%add3A_259], %get3A_261 {add = true} : memref<40960xf32, #tpu.memory_space<vmem>>[vector<16xi32>], vector<16xf32>,
        %scan3A_262 = arith.constant 7 : i32
        %scan3A_263 = arith.addi %scan3A_180, %scan3A_262 : i32
        %mul3A_264 = arith.constant 16 : i32
        %mul3A_265 = arith.muli %scan3A_263, %mul3A_264 : i32
        %multiple_of3A_266 = tpu.assume_multiple %mul3A_265, 16 : i32
        %get3A_267 = arith.index_cast %multiple_of3A_266 : i32 to index
        %get3A_268 = tpu.vector_load %arg8[%get3A_267] {strides = array<i32>} : memref<10112xi32, #tpu.memory_space<vmem>>, vector<16xi32>,
        %add3A_269 = arith.constant 10240 : i32
        %add3A_270 = vector.broadcast %add3A_269 : i32 to vector<16xi32>
        %add3A_271 = arith.addi %get3A_268, %add3A_270 : vector<16xi32>
        %get3A_272 = arith.index_cast %multiple_of3A_266 : i32 to index
        %get3A_273 = tpu.vector_load %arg10[%get3A_272] {strides = array<i32>} : memref<10112xf32, #tpu.memory_space<vmem>>, vector<16xf32>,
        tpu.vector_store_idx %arg13[%add3A_271], %get3A_273 {add = true} : memref<40960xf32, #tpu.memory_space<vmem>>[vector<16xi32>], vector<16xf32>,
      }
      %scan3A_161 = arith.constant 632 : i32
      %dma_wait3A_162 = tpu.memref_slice %arg14[%mul3A_132] : memref<327680xf32, #tpu.memory_space<vmem_shared>> -> memref<10240xf32, #tpu.memory_space<vmem_shared>>
      %dma_wait3A_163 = arith.constant 0 : i32
      %dma_wait3A_164 = tpu.memref_slice %dma_wait3A_162[%dma_wait3A_163] : memref<10240xf32, #tpu.memory_space<vmem_shared>> -> memref<10240xf32, #tpu.memory_space<vmem_shared>>
      tpu.wait_indirect_dma semaphore(%arg17 : memref<!tpu.dma_semaphore, #tpu.memory_space<semaphore_mem>>) src(%dma_wait3A_164 : memref<10240xf32, #tpu.memory_space<vmem_shared>>) dst(%arg11 : memref<10112xf32, #tpu.memory_space<vmem>>)
      %scan3A_165 = arith.constant 0 : i32
      %scan3A_166 = arith.constant 0 : i32
      %scan3A_167 = arith.constant 632 : i32
      %scan3A_168 = arith.addi %scan3A_166, %scan3A_167 : i32
      %scan3A_169 = arith.constant 8 : i32
      scf.for %scan3A_180 = %scan3A_166 to %scan3A_168 step %scan3A_169  : i32 {
        %mul3A_181 = arith.constant 16 : i32
        %mul3A_182 = arith.muli %scan3A_180, %mul3A_181 : i32
        %multiple_of3A_183 = tpu.assume_multiple %mul3A_182, 16 : i32
        %get3A = arith.index_cast %multiple_of3A_183 : i32 to index
        %get3A_184 = tpu.vector_load %arg8[%get3A] {strides = array<i32>} : memref<10112xi32, #tpu.memory_space<vmem>>, vector<16xi32>,
        %add3A_185 = arith.constant 20480 : i32
        %add3A_186 = vector.broadcast %add3A_185 : i32 to vector<16xi32>
        %add3A_187 = arith.addi %get3A_184, %add3A_186 : vector<16xi32>
        %get3A_188 = arith.index_cast %multiple_of3A_183 : i32 to index
        %get3A_189 = tpu.vector_load %arg11[%get3A_188] {strides = array<i32>} : memref<10112xf32, #tpu.memory_space<vmem>>, vector<16xf32>,
        tpu.vector_store_idx %arg13[%add3A_187], %get3A_189 {add = true} : memref<40960xf32, #tpu.memory_space<vmem>>[vector<16xi32>], vector<16xf32>,
        %scan3A_190 = arith.constant 1 : i32
        %scan3A_191 = arith.addi %scan3A_180, %scan3A_190 : i32
        %mul3A_192 = arith.constant 16 : i32
        %mul3A_193 = arith.muli %scan3A_191, %mul3A_192 : i32
        %multiple_of3A_194 = tpu.assume_multiple %mul3A_193, 16 : i32
        %get3A_195 = arith.index_cast %multiple_of3A_194 : i32 to index
        %get3A_196 = tpu.vector_load %arg8[%get3A_195] {strides = array<i32>} : memref<10112xi32, #tpu.memory_space<vmem>>, vector<16xi32>,
        %add3A_197 = arith.constant 20480 : i32
        %add3A_198 = vector.broadcast %add3A_197 : i32 to vector<16xi32>
        %add3A_199 = arith.addi %get3A_196, %add3A_198 : vector<16xi32>
        %get3A_200 = arith.index_cast %multiple_of3A_194 : i32 to index
        %get3A_201 = tpu.vector_load %arg11[%get3A_200] {strides = array<i32>} : memref<10112xf32, #tpu.memory_space<vmem>>, vector<16xf32>,
        tpu.vector_store_idx %arg13[%add3A_199], %get3A_201 {add = true} : memref<40960xf32, #tpu.memory_space<vmem>>[vector<16xi32>], vector<16xf32>,
        %scan3A_202 = arith.constant 2 : i32
        %scan3A_203 = arith.addi %scan3A_180, %scan3A_202 : i32
        %mul3A_204 = arith.constant 16 : i32
        %mul3A_205 = arith.muli %scan3A_203, %mul3A_204 : i32
        %multiple_of3A_206 = tpu.assume_multiple %mul3A_205, 16 : i32
        %get3A_207 = arith.index_cast %multiple_of3A_206 : i32 to index
        %get3A_208 = tpu.vector_load %arg8[%get3A_207] {strides = array<i32>} : memref<10112xi32, #tpu.memory_space<vmem>>, vector<16xi32>,
        %add3A_209 = arith.constant 20480 : i32
        %add3A_210 = vector.broadcast %add3A_209 : i32 to vector<16xi32>
        %add3A_211 = arith.addi %get3A_208, %add3A_210 : vector<16xi32>
        %get3A_212 = arith.index_cast %multiple_of3A_206 : i32 to index
        %get3A_213 = tpu.vector_load %arg11[%get3A_212] {strides = array<i32>} : memref<10112xf32, #tpu.memory_space<vmem>>, vector<16xf32>,
        tpu.vector_store_idx %arg13[%add3A_211], %get3A_213 {add = true} : memref<40960xf32, #tpu.memory_space<vmem>>[vector<16xi32>], vector<16xf32>,
        %scan3A_214 = arith.constant 3 : i32
        %scan3A_215 = arith.addi %scan3A_180, %scan3A_214 : i32
        %mul3A_216 = arith.constant 16 : i32
        %mul3A_217 = arith.muli %scan3A_215, %mul3A_216 : i32
        %multiple_of3A_218 = tpu.assume_multiple %mul3A_217, 16 : i32
        %get3A_219 = arith.index_cast %multiple_of3A_218 : i32 to index
        %get3A_220 = tpu.vector_load %arg8[%get3A_219] {strides = array<i32>} : memref<10112xi32, #tpu.memory_space<vmem>>, vector<16xi32>,
        %add3A_221 = arith.constant 20480 : i32
        %add3A_222 = vector.broadcast %add3A_221 : i32 to vector<16xi32>
        %add3A_223 = arith.addi %get3A_220, %add3A_222 : vector<16xi32>
        %get3A_224 = arith.index_cast %multiple_of3A_218 : i32 to index
        %get3A_225 = tpu.vector_load %arg11[%get3A_224] {strides = array<i32>} : memref<10112xf32, #tpu.memory_space<vmem>>, vector<16xf32>,
        tpu.vector_store_idx %arg13[%add3A_223], %get3A_225 {add = true} : memref<40960xf32, #tpu.memory_space<vmem>>[vector<16xi32>], vector<16xf32>,
        %scan3A_226 = arith.constant 4 : i32
        %scan3A_227 = arith.addi %scan3A_180, %scan3A_226 : i32
        %mul3A_228 = arith.constant 16 : i32
        %mul3A_229 = arith.muli %scan3A_227, %mul3A_228 : i32
        %multiple_of3A_230 = tpu.assume_multiple %mul3A_229, 16 : i32
        %get3A_231 = arith.index_cast %multiple_of3A_230 : i32 to index
        %get3A_232 = tpu.vector_load %arg8[%get3A_231] {strides = array<i32>} : memref<10112xi32, #tpu.memory_space<vmem>>, vector<16xi32>,
        %add3A_233 = arith.constant 20480 : i32
        %add3A_234 = vector.broadcast %add3A_233 : i32 to vector<16xi32>
        %add3A_235 = arith.addi %get3A_232, %add3A_234 : vector<16xi32>
        %get3A_236 = arith.index_cast %multiple_of3A_230 : i32 to index
        %get3A_237 = tpu.vector_load %arg11[%get3A_236] {strides = array<i32>} : memref<10112xf32, #tpu.memory_space<vmem>>, vector<16xf32>,
        tpu.vector_store_idx %arg13[%add3A_235], %get3A_237 {add = true} : memref<40960xf32, #tpu.memory_space<vmem>>[vector<16xi32>], vector<16xf32>,
        %scan3A_238 = arith.constant 5 : i32
        %scan3A_239 = arith.addi %scan3A_180, %scan3A_238 : i32
        %mul3A_240 = arith.constant 16 : i32
        %mul3A_241 = arith.muli %scan3A_239, %mul3A_240 : i32
        %multiple_of3A_242 = tpu.assume_multiple %mul3A_241, 16 : i32
        %get3A_243 = arith.index_cast %multiple_of3A_242 : i32 to index
        %get3A_244 = tpu.vector_load %arg8[%get3A_243] {strides = array<i32>} : memref<10112xi32, #tpu.memory_space<vmem>>, vector<16xi32>,
        %add3A_245 = arith.constant 20480 : i32
        %add3A_246 = vector.broadcast %add3A_245 : i32 to vector<16xi32>
        %add3A_247 = arith.addi %get3A_244, %add3A_246 : vector<16xi32>
        %get3A_248 = arith.index_cast %multiple_of3A_242 : i32 to index
        %get3A_249 = tpu.vector_load %arg11[%get3A_248] {strides = array<i32>} : memref<10112xf32, #tpu.memory_space<vmem>>, vector<16xf32>,
        tpu.vector_store_idx %arg13[%add3A_247], %get3A_249 {add = true} : memref<40960xf32, #tpu.memory_space<vmem>>[vector<16xi32>], vector<16xf32>,
        %scan3A_250 = arith.constant 6 : i32
        %scan3A_251 = arith.addi %scan3A_180, %scan3A_250 : i32
        %mul3A_252 = arith.constant 16 : i32
        %mul3A_253 = arith.muli %scan3A_251, %mul3A_252 : i32
        %multiple_of3A_254 = tpu.assume_multiple %mul3A_253, 16 : i32
        %get3A_255 = arith.index_cast %multiple_of3A_254 : i32 to index
        %get3A_256 = tpu.vector_load %arg8[%get3A_255] {strides = array<i32>} : memref<10112xi32, #tpu.memory_space<vmem>>, vector<16xi32>,
        %add3A_257 = arith.constant 20480 : i32
        %add3A_258 = vector.broadcast %add3A_257 : i32 to vector<16xi32>
        %add3A_259 = arith.addi %get3A_256, %add3A_258 : vector<16xi32>
        %get3A_260 = arith.index_cast %multiple_of3A_254 : i32 to index
        %get3A_261 = tpu.vector_load %arg11[%get3A_260] {strides = array<i32>} : memref<10112xf32, #tpu.memory_space<vmem>>, vector<16xf32>,
        tpu.vector_store_idx %arg13[%add3A_259], %get3A_261 {add = true} : memref<40960xf32, #tpu.memory_space<vmem>>[vector<16xi32>], vector<16xf32>,
        %scan3A_262 = arith.constant 7 : i32
        %scan3A_263 = arith.addi %scan3A_180, %scan3A_262 : i32
        %mul3A_264 = arith.constant 16 : i32
        %mul3A_265 = arith.muli %scan3A_263, %mul3A_264 : i32
        %multiple_of3A_266 = tpu.assume_multiple %mul3A_265, 16 : i32
        %get3A_267 = arith.index_cast %multiple_of3A_266 : i32 to index
        %get3A_268 = tpu.vector_load %arg8[%get3A_267] {strides = array<i32>} : memref<10112xi32, #tpu.memory_space<vmem>>, vector<16xi32>,
        %add3A_269 = arith.constant 20480 : i32
        %add3A_270 = vector.broadcast %add3A_269 : i32 to vector<16xi32>
        %add3A_271 = arith.addi %get3A_268, %add3A_270 : vector<16xi32>
        %get3A_272 = arith.index_cast %multiple_of3A_266 : i32 to index
        %get3A_273 = tpu.vector_load %arg11[%get3A_272] {strides = array<i32>} : memref<10112xf32, #tpu.memory_space<vmem>>, vector<16xf32>,
        tpu.vector_store_idx %arg13[%add3A_271], %get3A_273 {add = true} : memref<40960xf32, #tpu.memory_space<vmem>>[vector<16xi32>], vector<16xf32>,
      }
      %scan3A_170 = arith.constant 632 : i32
      %dma_wait3A_171 = tpu.memref_slice %arg14[%mul3A_141] : memref<327680xf32, #tpu.memory_space<vmem_shared>> -> memref<10240xf32, #tpu.memory_space<vmem_shared>>
      %dma_wait3A_172 = arith.constant 0 : i32
      %dma_wait3A_173 = tpu.memref_slice %dma_wait3A_171[%dma_wait3A_172] : memref<10240xf32, #tpu.memory_space<vmem_shared>> -> memref<10240xf32, #tpu.memory_space<vmem_shared>>
      tpu.wait_indirect_dma semaphore(%arg18 : memref<!tpu.dma_semaphore, #tpu.memory_space<semaphore_mem>>) src(%dma_wait3A_173 : memref<10240xf32, #tpu.memory_space<vmem_shared>>) dst(%arg12 : memref<10112xf32, #tpu.memory_space<vmem>>)
      %scan3A_174 = arith.constant 0 : i32
      %scan3A_175 = arith.constant 0 : i32
      %scan3A_176 = arith.constant 632 : i32
      %scan3A_177 = arith.addi %scan3A_175, %scan3A_176 : i32
      %scan3A_178 = arith.constant 8 : i32
      scf.for %scan3A_180 = %scan3A_175 to %scan3A_177 step %scan3A_178  : i32 {
        %mul3A_181 = arith.constant 16 : i32
        %mul3A_182 = arith.muli %scan3A_180, %mul3A_181 : i32
        %multiple_of3A_183 = tpu.assume_multiple %mul3A_182, 16 : i32
        %get3A = arith.index_cast %multiple_of3A_183 : i32 to index
        %get3A_184 = tpu.vector_load %arg8[%get3A] {strides = array<i32>} : memref<10112xi32, #tpu.memory_space<vmem>>, vector<16xi32>,
        %add3A_185 = arith.constant 30720 : i32
        %add3A_186 = vector.broadcast %add3A_185 : i32 to vector<16xi32>
        %add3A_187 = arith.addi %get3A_184, %add3A_186 : vector<16xi32>
        %get3A_188 = arith.index_cast %multiple_of3A_183 : i32 to index
        %get3A_189 = tpu.vector_load %arg12[%get3A_188] {strides = array<i32>} : memref<10112xf32, #tpu.memory_space<vmem>>, vector<16xf32>,
        tpu.vector_store_idx %arg13[%add3A_187], %get3A_189 {add = true} : memref<40960xf32, #tpu.memory_space<vmem>>[vector<16xi32>], vector<16xf32>,
        %scan3A_190 = arith.constant 1 : i32
        %scan3A_191 = arith.addi %scan3A_180, %scan3A_190 : i32
        %mul3A_192 = arith.constant 16 : i32
        %mul3A_193 = arith.muli %scan3A_191, %mul3A_192 : i32
        %multiple_of3A_194 = tpu.assume_multiple %mul3A_193, 16 : i32
        %get3A_195 = arith.index_cast %multiple_of3A_194 : i32 to index
        %get3A_196 = tpu.vector_load %arg8[%get3A_195] {strides = array<i32>} : memref<10112xi32, #tpu.memory_space<vmem>>, vector<16xi32>,
        %add3A_197 = arith.constant 30720 : i32
        %add3A_198 = vector.broadcast %add3A_197 : i32 to vector<16xi32>
        %add3A_199 = arith.addi %get3A_196, %add3A_198 : vector<16xi32>
        %get3A_200 = arith.index_cast %multiple_of3A_194 : i32 to index
        %get3A_201 = tpu.vector_load %arg12[%get3A_200] {strides = array<i32>} : memref<10112xf32, #tpu.memory_space<vmem>>, vector<16xf32>,
        tpu.vector_store_idx %arg13[%add3A_199], %get3A_201 {add = true} : memref<40960xf32, #tpu.memory_space<vmem>>[vector<16xi32>], vector<16xf32>,
        %scan3A_202 = arith.constant 2 : i32
        %scan3A_203 = arith.addi %scan3A_180, %scan3A_202 : i32
        %mul3A_204 = arith.constant 16 : i32
        %mul3A_205 = arith.muli %scan3A_203, %mul3A_204 : i32
        %multiple_of3A_206 = tpu.assume_multiple %mul3A_205, 16 : i32
        %get3A_207 = arith.index_cast %multiple_of3A_206 : i32 to index
        %get3A_208 = tpu.vector_load %arg8[%get3A_207] {strides = array<i32>} : memref<10112xi32, #tpu.memory_space<vmem>>, vector<16xi32>,
        %add3A_209 = arith.constant 30720 : i32
        %add3A_210 = vector.broadcast %add3A_209 : i32 to vector<16xi32>
        %add3A_211 = arith.addi %get3A_208, %add3A_210 : vector<16xi32>
        %get3A_212 = arith.index_cast %multiple_of3A_206 : i32 to index
        %get3A_213 = tpu.vector_load %arg12[%get3A_212] {strides = array<i32>} : memref<10112xf32, #tpu.memory_space<vmem>>, vector<16xf32>,
        tpu.vector_store_idx %arg13[%add3A_211], %get3A_213 {add = true} : memref<40960xf32, #tpu.memory_space<vmem>>[vector<16xi32>], vector<16xf32>,
        %scan3A_214 = arith.constant 3 : i32
        %scan3A_215 = arith.addi %scan3A_180, %scan3A_214 : i32
        %mul3A_216 = arith.constant 16 : i32
        %mul3A_217 = arith.muli %scan3A_215, %mul3A_216 : i32
        %multiple_of3A_218 = tpu.assume_multiple %mul3A_217, 16 : i32
        %get3A_219 = arith.index_cast %multiple_of3A_218 : i32 to index
        %get3A_220 = tpu.vector_load %arg8[%get3A_219] {strides = array<i32>} : memref<10112xi32, #tpu.memory_space<vmem>>, vector<16xi32>,
        %add3A_221 = arith.constant 30720 : i32
        %add3A_222 = vector.broadcast %add3A_221 : i32 to vector<16xi32>
        %add3A_223 = arith.addi %get3A_220, %add3A_222 : vector<16xi32>
        %get3A_224 = arith.index_cast %multiple_of3A_218 : i32 to index
        %get3A_225 = tpu.vector_load %arg12[%get3A_224] {strides = array<i32>} : memref<10112xf32, #tpu.memory_space<vmem>>, vector<16xf32>,
        tpu.vector_store_idx %arg13[%add3A_223], %get3A_225 {add = true} : memref<40960xf32, #tpu.memory_space<vmem>>[vector<16xi32>], vector<16xf32>,
        %scan3A_226 = arith.constant 4 : i32
        %scan3A_227 = arith.addi %scan3A_180, %scan3A_226 : i32
        %mul3A_228 = arith.constant 16 : i32
        %mul3A_229 = arith.muli %scan3A_227, %mul3A_228 : i32
        %multiple_of3A_230 = tpu.assume_multiple %mul3A_229, 16 : i32
        %get3A_231 = arith.index_cast %multiple_of3A_230 : i32 to index
        %get3A_232 = tpu.vector_load %arg8[%get3A_231] {strides = array<i32>} : memref<10112xi32, #tpu.memory_space<vmem>>, vector<16xi32>,
        %add3A_233 = arith.constant 30720 : i32
        %add3A_234 = vector.broadcast %add3A_233 : i32 to vector<16xi32>
        %add3A_235 = arith.addi %get3A_232, %add3A_234 : vector<16xi32>
        %get3A_236 = arith.index_cast %multiple_of3A_230 : i32 to index
        %get3A_237 = tpu.vector_load %arg12[%get3A_236] {strides = array<i32>} : memref<10112xf32, #tpu.memory_space<vmem>>, vector<16xf32>,
        tpu.vector_store_idx %arg13[%add3A_235], %get3A_237 {add = true} : memref<40960xf32, #tpu.memory_space<vmem>>[vector<16xi32>], vector<16xf32>,
        %scan3A_238 = arith.constant 5 : i32
        %scan3A_239 = arith.addi %scan3A_180, %scan3A_238 : i32
        %mul3A_240 = arith.constant 16 : i32
        %mul3A_241 = arith.muli %scan3A_239, %mul3A_240 : i32
        %multiple_of3A_242 = tpu.assume_multiple %mul3A_241, 16 : i32
        %get3A_243 = arith.index_cast %multiple_of3A_242 : i32 to index
        %get3A_244 = tpu.vector_load %arg8[%get3A_243] {strides = array<i32>} : memref<10112xi32, #tpu.memory_space<vmem>>, vector<16xi32>,
        %add3A_245 = arith.constant 30720 : i32
        %add3A_246 = vector.broadcast %add3A_245 : i32 to vector<16xi32>
        %add3A_247 = arith.addi %get3A_244, %add3A_246 : vector<16xi32>
        %get3A_248 = arith.index_cast %multiple_of3A_242 : i32 to index
        %get3A_249 = tpu.vector_load %arg12[%get3A_248] {strides = array<i32>} : memref<10112xf32, #tpu.memory_space<vmem>>, vector<16xf32>,
        tpu.vector_store_idx %arg13[%add3A_247], %get3A_249 {add = true} : memref<40960xf32, #tpu.memory_space<vmem>>[vector<16xi32>], vector<16xf32>,
        %scan3A_250 = arith.constant 6 : i32
        %scan3A_251 = arith.addi %scan3A_180, %scan3A_250 : i32
        %mul3A_252 = arith.constant 16 : i32
        %mul3A_253 = arith.muli %scan3A_251, %mul3A_252 : i32
        %multiple_of3A_254 = tpu.assume_multiple %mul3A_253, 16 : i32
        %get3A_255 = arith.index_cast %multiple_of3A_254 : i32 to index
        %get3A_256 = tpu.vector_load %arg8[%get3A_255] {strides = array<i32>} : memref<10112xi32, #tpu.memory_space<vmem>>, vector<16xi32>,
        %add3A_257 = arith.constant 30720 : i32
        %add3A_258 = vector.broadcast %add3A_257 : i32 to vector<16xi32>
        %add3A_259 = arith.addi %get3A_256, %add3A_258 : vector<16xi32>
        %get3A_260 = arith.index_cast %multiple_of3A_254 : i32 to index
        %get3A_261 = tpu.vector_load %arg12[%get3A_260] {strides = array<i32>} : memref<10112xf32, #tpu.memory_space<vmem>>, vector<16xf32>,
        tpu.vector_store_idx %arg13[%add3A_259], %get3A_261 {add = true} : memref<40960xf32, #tpu.memory_space<vmem>>[vector<16xi32>], vector<16xf32>,
        %scan3A_262 = arith.constant 7 : i32
        %scan3A_263 = arith.addi %scan3A_180, %scan3A_262 : i32
        %mul3A_264 = arith.constant 16 : i32
        %mul3A_265 = arith.muli %scan3A_263, %mul3A_264 : i32
        %multiple_of3A_266 = tpu.assume_multiple %mul3A_265, 16 : i32
        %get3A_267 = arith.index_cast %multiple_of3A_266 : i32 to index
        %get3A_268 = tpu.vector_load %arg8[%get3A_267] {strides = array<i32>} : memref<10112xi32, #tpu.memory_space<vmem>>, vector<16xi32>,
        %add3A_269 = arith.constant 30720 : i32
        %add3A_270 = vector.broadcast %add3A_269 : i32 to vector<16xi32>
        %add3A_271 = arith.addi %get3A_268, %add3A_270 : vector<16xi32>
        %get3A_272 = arith.index_cast %multiple_of3A_266 : i32 to index
        %get3A_273 = tpu.vector_load %arg12[%get3A_272] {strides = array<i32>} : memref<10112xf32, #tpu.memory_space<vmem>>, vector<16xf32>,
        tpu.vector_store_idx %arg13[%add3A_271], %get3A_273 {add = true} : memref<40960xf32, #tpu.memory_space<vmem>>[vector<16xi32>], vector<16xf32>,
      }
      %scan3A_179 = arith.constant 632 : i32
    }
    %scan3A_45 = arith.constant 8 : i32
    %mul3A_46 = arith.constant 16 : i32
    %mul3A_47 = arith.muli %arg0, %mul3A_46 : i32
    %add3A_48 = arith.addi %mul3A_47, %arg1 : i32
    %mul3A_49 = arith.constant 40960 : i32
    %mul3A_50 = arith.muli %add3A_48, %mul3A_49 : i32
    %multiple_of3A = tpu.assume_multiple %mul3A_50, 128 : i32
    "tpu.region"() ({
      %run_scoped3A = tpu.sem_alloc : memref<!tpu.dma_semaphore, #tpu.memory_space<semaphore_mem>>
      %dma_start3A = tpu.memref_slice %arg6[%multiple_of3A] : memref<1310720xf32, #tpu.memory_space<hbm>> -> memref<40960xf32, #tpu.memory_space<hbm>>
      %dma_start3A_103 = tpu.memref_slice %arg6[%multiple_of3A] : memref<1310720xf32, #tpu.memory_space<hbm>> -> memref<40960xf32, #tpu.memory_space<hbm>>
      tpu.enqueue_dma source(%arg13 : memref<40960xf32, #tpu.memory_space<vmem>>) target(%dma_start3A_103 : memref<40960xf32, #tpu.memory_space<hbm>>) target_semaphore(%run_scoped3A : memref<!tpu.dma_semaphore, #tpu.memory_space<semaphore_mem>>)
      %dma_wait3A = tpu.memref_slice %arg6[%multiple_of3A] : memref<1310720xf32, #tpu.memory_space<hbm>> -> memref<40960xf32, #tpu.memory_space<hbm>>
      %dma_wait3A_104 = tpu.memref_slice %arg6[%multiple_of3A] : memref<1310720xf32, #tpu.memory_space<hbm>> -> memref<40960xf32, #tpu.memory_space<hbm>>
      tpu.wait_dma2 semaphore(%run_scoped3A : memref<!tpu.dma_semaphore, #tpu.memory_space<semaphore_mem>>) src(%arg13 : memref<40960xf32, #tpu.memory_space<vmem>>) dst(%dma_wait3A_104 : memref<40960xf32, #tpu.memory_space<hbm>>)
      tpu.yield
    }) : () -> ()
    %barrier3A_51 = arith.constant 0 : index
    tpu.barrier barrier_id(%barrier3A_51)
    %jit3A_52 = arith.constant 8 : i32
    %div3A_53 = arith.divsi %arg1, %jit3A_52 : i32
    %sign3A_54 = arith.constant 0 : i32
    %sign3A_55 = arith.cmpi sgt, %arg1, %sign3A_54 : i32
    %sign3A_56 = arith.extui %sign3A_55 : i1 to i32
    %sign3A_57 = arith.constant 0 : i32
    %sign3A_58 = arith.cmpi slt, %arg1, %sign3A_57 : i32
    %sign3A_59 = arith.extui %sign3A_58 : i1 to i32
    %sign3A_60 = arith.subi %sign3A_56, %sign3A_59 : i32
    %sign3A_61 = arith.constant 0 : i32
    %sign3A_62 = arith.cmpi sgt, %jit3A_52, %sign3A_61 : i32
    %sign3A_63 = arith.extui %sign3A_62 : i1 to i32
    %sign3A_64 = arith.constant 0 : i32
    %sign3A_65 = arith.cmpi slt, %jit3A_52, %sign3A_64 : i32
    %sign3A_66 = arith.extui %sign3A_65 : i1 to i32
    %sign3A_67 = arith.subi %sign3A_63, %sign3A_66 : i32
    %ne3A_68 = arith.cmpi ne, %sign3A_60, %sign3A_67 : i32
    %rem3A_69 = arith.remsi %arg1, %jit3A_52 : i32
    %ne3A_70 = arith.constant 0 : i32
    %ne3A_71 = arith.cmpi ne, %rem3A_69, %ne3A_70 : i32
    %and3A_72 = arith.andi %ne3A_68, %ne3A_71 : i1
    %sub3A_73 = arith.constant 1 : i32
    %sub3A_74 = arith.subi %div3A_53, %sub3A_73 : i32
    %select_n3A_75 = arith.select %and3A_72, %sub3A_74, %div3A_53 : i32
    %mul3A_76 = arith.constant 40960 : i32
    %mul3A_77 = arith.muli %select_n3A_7, %mul3A_76 : i32
    %mul3A_78 = arith.constant 20480 : i32
    %mul3A_79 = arith.muli %select_n3A_75, %mul3A_78 : i32
    %add3A_80 = arith.addi %mul3A_77, %mul3A_79 : i32
    %mul3A_81 = arith.constant 16 : i32
    %mul3A_82 = arith.muli %arg0, %mul3A_81 : i32
    %mul3A_83 = arith.constant 40960 : i32
    %mul3A_84 = arith.muli %mul3A_82, %mul3A_83 : i32
    %add3A_85 = arith.addi %mul3A_84, %add3A_80 : i32
    %multiple_of3A_86 = tpu.assume_multiple %add3A_85, 128 : i32
    "tpu.region"() ({
      %run_scoped3A = tpu.sem_alloc : memref<!tpu.dma_semaphore, #tpu.memory_space<semaphore_mem>>
      %dma_start3A = arith.constant 0 : i32
      %dma_start3A_103 = tpu.memref_slice %arg13[%dma_start3A] : memref<40960xf32, #tpu.memory_space<vmem>> -> memref<20480xf32, #tpu.memory_space<vmem>>
      %dma_start3A_104 = tpu.memref_slice %arg6[%multiple_of3A_86] : memref<1310720xf32, #tpu.memory_space<hbm>> -> memref<20480xf32, #tpu.memory_space<hbm>>
      %dma_start3A_105 = arith.constant 0 : i32
      %dma_start3A_106 = tpu.memref_slice %arg13[%dma_start3A_105] : memref<40960xf32, #tpu.memory_space<vmem>> -> memref<20480xf32, #tpu.memory_space<vmem>>
      %dma_start3A_107 = tpu.memref_slice %arg6[%multiple_of3A_86] : memref<1310720xf32, #tpu.memory_space<hbm>> -> memref<20480xf32, #tpu.memory_space<hbm>>
      tpu.enqueue_dma source(%dma_start3A_107 : memref<20480xf32, #tpu.memory_space<hbm>>) target(%dma_start3A_106 : memref<20480xf32, #tpu.memory_space<vmem>>) target_semaphore(%run_scoped3A : memref<!tpu.dma_semaphore, #tpu.memory_space<semaphore_mem>>)
      %dma_wait3A = arith.constant 0 : i32
      %dma_wait3A_108 = tpu.memref_slice %arg13[%dma_wait3A] : memref<40960xf32, #tpu.memory_space<vmem>> -> memref<20480xf32, #tpu.memory_space<vmem>>
      %dma_wait3A_109 = tpu.memref_slice %arg6[%multiple_of3A_86] : memref<1310720xf32, #tpu.memory_space<hbm>> -> memref<20480xf32, #tpu.memory_space<hbm>>
      %dma_wait3A_110 = arith.constant 0 : i32
      %dma_wait3A_111 = tpu.memref_slice %arg13[%dma_wait3A_110] : memref<40960xf32, #tpu.memory_space<vmem>> -> memref<20480xf32, #tpu.memory_space<vmem>>
      %dma_wait3A_112 = tpu.memref_slice %arg6[%multiple_of3A_86] : memref<1310720xf32, #tpu.memory_space<hbm>> -> memref<20480xf32, #tpu.memory_space<hbm>>
      tpu.wait_dma2 semaphore(%run_scoped3A : memref<!tpu.dma_semaphore, #tpu.memory_space<semaphore_mem>>) src(%dma_wait3A_112 : memref<20480xf32, #tpu.memory_space<hbm>>) dst(%dma_wait3A_111 : memref<20480xf32, #tpu.memory_space<vmem>>)
      tpu.yield
    }) : () -> ()
    %add3A_87 = arith.constant 327680 : i32
    %add3A_88 = arith.addi %mul3A_84, %add3A_87 : i32
    %add3A_89 = arith.addi %add3A_88, %add3A_80 : i32
    %multiple_of3A_90 = tpu.assume_multiple %add3A_89, 128 : i32
    "tpu.region"() ({
      %run_scoped3A = tpu.sem_alloc : memref<!tpu.dma_semaphore, #tpu.memory_space<semaphore_mem>>
      %dma_start3A = arith.constant 20480 : i32
      %dma_start3A_103 = tpu.memref_slice %arg13[%dma_start3A] : memref<40960xf32, #tpu.memory_space<vmem>> -> memref<20480xf32, #tpu.memory_space<vmem>>
      %dma_start3A_104 = tpu.memref_slice %arg6[%multiple_of3A_90] : memref<1310720xf32, #tpu.memory_space<hbm>> -> memref<20480xf32, #tpu.memory_space<hbm>>
      %dma_start3A_105 = arith.constant 20480 : i32
      %dma_start3A_106 = tpu.memref_slice %arg13[%dma_start3A_105] : memref<40960xf32, #tpu.memory_space<vmem>> -> memref<20480xf32, #tpu.memory_space<vmem>>
      %dma_start3A_107 = tpu.memref_slice %arg6[%multiple_of3A_90] : memref<1310720xf32, #tpu.memory_space<hbm>> -> memref<20480xf32, #tpu.memory_space<hbm>>
      tpu.enqueue_dma source(%dma_start3A_107 : memref<20480xf32, #tpu.memory_space<hbm>>) target(%dma_start3A_106 : memref<20480xf32, #tpu.memory_space<vmem>>) target_semaphore(%run_scoped3A : memref<!tpu.dma_semaphore, #tpu.memory_space<semaphore_mem>>)
      %dma_wait3A = arith.constant 20480 : i32
      %dma_wait3A_108 = tpu.memref_slice %arg13[%dma_wait3A] : memref<40960xf32, #tpu.memory_space<vmem>> -> memref<20480xf32, #tpu.memory_space<vmem>>
      %dma_wait3A_109 = tpu.memref_slice %arg6[%multiple_of3A_90] : memref<1310720xf32, #tpu.memory_space<hbm>> -> memref<20480xf32, #tpu.memory_space<hbm>>
      %dma_wait3A_110 = arith.constant 20480 : i32
      %dma_wait3A_111 = tpu.memref_slice %arg13[%dma_wait3A_110] : memref<40960xf32, #tpu.memory_space<vmem>> -> memref<20480xf32, #tpu.memory_space<vmem>>
      %dma_wait3A_112 = tpu.memref_slice %arg6[%multiple_of3A_90] : memref<1310720xf32, #tpu.memory_space<hbm>> -> memref<20480xf32, #tpu.memory_space<hbm>>
      tpu.wait_dma2 semaphore(%run_scoped3A : memref<!tpu.dma_semaphore, #tpu.memory_space<semaphore_mem>>) src(%dma_wait3A_112 : memref<20480xf32, #tpu.memory_space<hbm>>) dst(%dma_wait3A_111 : memref<20480xf32, #tpu.memory_space<vmem>>)
      tpu.yield
    }) : () -> ()
    %scan3A_91 = arith.constant 0 : i32
    %scan3A_92 = arith.constant 0 : i32
    %scan3A_93 = arith.constant 1280 : i32
    %scan3A_94 = arith.addi %scan3A_92, %scan3A_93 : i32
    %scan3A_95 = arith.constant 8 : i32
    scf.for %scan3A_103 = %scan3A_92 to %scan3A_94 step %scan3A_95  : i32 {
      %mul3A_104 = arith.constant 16 : i32
      %mul3A_105 = arith.muli %scan3A_103, %mul3A_104 : i32
      %multiple_of3A_106 = tpu.assume_multiple %mul3A_105, 16 : i32
      %mul3A_107 = arith.constant 16 : i32
      %mul3A_108 = arith.muli %scan3A_103, %mul3A_107 : i32
      %add3A_109 = arith.constant 20480 : i32
      %add3A_110 = arith.addi %add3A_109, %mul3A_108 : i32
      %multiple_of3A_111 = tpu.assume_multiple %add3A_110, 16 : i32
      %get3A = arith.index_cast %multiple_of3A_106 : i32 to index
      %get3A_112 = tpu.vector_load %arg13[%get3A] {strides = array<i32>} : memref<40960xf32, #tpu.memory_space<vmem>>, vector<16xf32>,
      %get3A_113 = arith.index_cast %multiple_of3A_111 : i32 to index
      %get3A_114 = tpu.vector_load %arg13[%get3A_113] {strides = array<i32>} : memref<40960xf32, #tpu.memory_space<vmem>>, vector<16xf32>,
      %add3A_115 = arith.addf %get3A_112, %get3A_114 : vector<16xf32>
      %swap3A = arith.index_cast %multiple_of3A_106 : i32 to index
      %swap3A_116 = tpu.vector_load %arg13[%swap3A] {strides = array<i32>} : memref<40960xf32, #tpu.memory_space<vmem>>, vector<16xf32>,
      tpu.vector_store %arg13[%swap3A], %add3A_115 {strides = array<i32>} : memref<40960xf32, #tpu.memory_space<vmem>>, vector<16xf32>,
      %scan3A_117 = arith.constant 1 : i32
      %scan3A_118 = arith.addi %scan3A_103, %scan3A_117 : i32
      %mul3A_119 = arith.constant 16 : i32
      %mul3A_120 = arith.muli %scan3A_118, %mul3A_119 : i32
      %multiple_of3A_121 = tpu.assume_multiple %mul3A_120, 16 : i32
      %mul3A_122 = arith.constant 16 : i32
      %mul3A_123 = arith.muli %scan3A_118, %mul3A_122 : i32
      %add3A_124 = arith.constant 20480 : i32
      %add3A_125 = arith.addi %add3A_124, %mul3A_123 : i32
      %multiple_of3A_126 = tpu.assume_multiple %add3A_125, 16 : i32
      %get3A_127 = arith.index_cast %multiple_of3A_121 : i32 to index
      %get3A_128 = tpu.vector_load %arg13[%get3A_127] {strides = array<i32>} : memref<40960xf32, #tpu.memory_space<vmem>>, vector<16xf32>,
      %get3A_129 = arith.index_cast %multiple_of3A_126 : i32 to index
      %get3A_130 = tpu.vector_load %arg13[%get3A_129] {strides = array<i32>} : memref<40960xf32, #tpu.memory_space<vmem>>, vector<16xf32>,
      %add3A_131 = arith.addf %get3A_128, %get3A_130 : vector<16xf32>
      %swap3A_132 = arith.index_cast %multiple_of3A_121 : i32 to index
      %swap3A_133 = tpu.vector_load %arg13[%swap3A_132] {strides = array<i32>} : memref<40960xf32, #tpu.memory_space<vmem>>, vector<16xf32>,
      tpu.vector_store %arg13[%swap3A_132], %add3A_131 {strides = array<i32>} : memref<40960xf32, #tpu.memory_space<vmem>>, vector<16xf32>,
      %scan3A_134 = arith.constant 2 : i32
      %scan3A_135 = arith.addi %scan3A_103, %scan3A_134 : i32
      %mul3A_136 = arith.constant 16 : i32
      %mul3A_137 = arith.muli %scan3A_135, %mul3A_136 : i32
      %multiple_of3A_138 = tpu.assume_multiple %mul3A_137, 16 : i32
      %mul3A_139 = arith.constant 16 : i32
      %mul3A_140 = arith.muli %scan3A_135, %mul3A_139 : i32
      %add3A_141 = arith.constant 20480 : i32
      %add3A_142 = arith.addi %add3A_141, %mul3A_140 : i32
      %multiple_of3A_143 = tpu.assume_multiple %add3A_142, 16 : i32
      %get3A_144 = arith.index_cast %multiple_of3A_138 : i32 to index
      %get3A_145 = tpu.vector_load %arg13[%get3A_144] {strides = array<i32>} : memref<40960xf32, #tpu.memory_space<vmem>>, vector<16xf32>,
      %get3A_146 = arith.index_cast %multiple_of3A_143 : i32 to index
      %get3A_147 = tpu.vector_load %arg13[%get3A_146] {strides = array<i32>} : memref<40960xf32, #tpu.memory_space<vmem>>, vector<16xf32>,
      %add3A_148 = arith.addf %get3A_145, %get3A_147 : vector<16xf32>
      %swap3A_149 = arith.index_cast %multiple_of3A_138 : i32 to index
      %swap3A_150 = tpu.vector_load %arg13[%swap3A_149] {strides = array<i32>} : memref<40960xf32, #tpu.memory_space<vmem>>, vector<16xf32>,
      tpu.vector_store %arg13[%swap3A_149], %add3A_148 {strides = array<i32>} : memref<40960xf32, #tpu.memory_space<vmem>>, vector<16xf32>,
      %scan3A_151 = arith.constant 3 : i32
      %scan3A_152 = arith.addi %scan3A_103, %scan3A_151 : i32
      %mul3A_153 = arith.constant 16 : i32
      %mul3A_154 = arith.muli %scan3A_152, %mul3A_153 : i32
      %multiple_of3A_155 = tpu.assume_multiple %mul3A_154, 16 : i32
      %mul3A_156 = arith.constant 16 : i32
      %mul3A_157 = arith.muli %scan3A_152, %mul3A_156 : i32
      %add3A_158 = arith.constant 20480 : i32
      %add3A_159 = arith.addi %add3A_158, %mul3A_157 : i32
      %multiple_of3A_160 = tpu.assume_multiple %add3A_159, 16 : i32
      %get3A_161 = arith.index_cast %multiple_of3A_155 : i32 to index
      %get3A_162 = tpu.vector_load %arg13[%get3A_161] {strides = array<i32>} : memref<40960xf32, #tpu.memory_space<vmem>>, vector<16xf32>,
      %get3A_163 = arith.index_cast %multiple_of3A_160 : i32 to index
      %get3A_164 = tpu.vector_load %arg13[%get3A_163] {strides = array<i32>} : memref<40960xf32, #tpu.memory_space<vmem>>, vector<16xf32>,
      %add3A_165 = arith.addf %get3A_162, %get3A_164 : vector<16xf32>
      %swap3A_166 = arith.index_cast %multiple_of3A_155 : i32 to index
      %swap3A_167 = tpu.vector_load %arg13[%swap3A_166] {strides = array<i32>} : memref<40960xf32, #tpu.memory_space<vmem>>, vector<16xf32>,
      tpu.vector_store %arg13[%swap3A_166], %add3A_165 {strides = array<i32>} : memref<40960xf32, #tpu.memory_space<vmem>>, vector<16xf32>,
      %scan3A_168 = arith.constant 4 : i32
      %scan3A_169 = arith.addi %scan3A_103, %scan3A_168 : i32
      %mul3A_170 = arith.constant 16 : i32
      %mul3A_171 = arith.muli %scan3A_169, %mul3A_170 : i32
      %multiple_of3A_172 = tpu.assume_multiple %mul3A_171, 16 : i32
      %mul3A_173 = arith.constant 16 : i32
      %mul3A_174 = arith.muli %scan3A_169, %mul3A_173 : i32
      %add3A_175 = arith.constant 20480 : i32
      %add3A_176 = arith.addi %add3A_175, %mul3A_174 : i32
      %multiple_of3A_177 = tpu.assume_multiple %add3A_176, 16 : i32
      %get3A_178 = arith.index_cast %multiple_of3A_172 : i32 to index
      %get3A_179 = tpu.vector_load %arg13[%get3A_178] {strides = array<i32>} : memref<40960xf32, #tpu.memory_space<vmem>>, vector<16xf32>,
      %get3A_180 = arith.index_cast %multiple_of3A_177 : i32 to index
      %get3A_181 = tpu.vector_load %arg13[%get3A_180] {strides = array<i32>} : memref<40960xf32, #tpu.memory_space<vmem>>, vector<16xf32>,
      %add3A_182 = arith.addf %get3A_179, %get3A_181 : vector<16xf32>
      %swap3A_183 = arith.index_cast %multiple_of3A_172 : i32 to index
      %swap3A_184 = tpu.vector_load %arg13[%swap3A_183] {strides = array<i32>} : memref<40960xf32, #tpu.memory_space<vmem>>, vector<16xf32>,
      tpu.vector_store %arg13[%swap3A_183], %add3A_182 {strides = array<i32>} : memref<40960xf32, #tpu.memory_space<vmem>>, vector<16xf32>,
      %scan3A_185 = arith.constant 5 : i32
      %scan3A_186 = arith.addi %scan3A_103, %scan3A_185 : i32
      %mul3A_187 = arith.constant 16 : i32
      %mul3A_188 = arith.muli %scan3A_186, %mul3A_187 : i32
      %multiple_of3A_189 = tpu.assume_multiple %mul3A_188, 16 : i32
      %mul3A_190 = arith.constant 16 : i32
      %mul3A_191 = arith.muli %scan3A_186, %mul3A_190 : i32
      %add3A_192 = arith.constant 20480 : i32
      %add3A_193 = arith.addi %add3A_192, %mul3A_191 : i32
      %multiple_of3A_194 = tpu.assume_multiple %add3A_193, 16 : i32
      %get3A_195 = arith.index_cast %multiple_of3A_189 : i32 to index
      %get3A_196 = tpu.vector_load %arg13[%get3A_195] {strides = array<i32>} : memref<40960xf32, #tpu.memory_space<vmem>>, vector<16xf32>,
      %get3A_197 = arith.index_cast %multiple_of3A_194 : i32 to index
      %get3A_198 = tpu.vector_load %arg13[%get3A_197] {strides = array<i32>} : memref<40960xf32, #tpu.memory_space<vmem>>, vector<16xf32>,
      %add3A_199 = arith.addf %get3A_196, %get3A_198 : vector<16xf32>
      %swap3A_200 = arith.index_cast %multiple_of3A_189 : i32 to index
      %swap3A_201 = tpu.vector_load %arg13[%swap3A_200] {strides = array<i32>} : memref<40960xf32, #tpu.memory_space<vmem>>, vector<16xf32>,
      tpu.vector_store %arg13[%swap3A_200], %add3A_199 {strides = array<i32>} : memref<40960xf32, #tpu.memory_space<vmem>>, vector<16xf32>,
      %scan3A_202 = arith.constant 6 : i32
      %scan3A_203 = arith.addi %scan3A_103, %scan3A_202 : i32
      %mul3A_204 = arith.constant 16 : i32
      %mul3A_205 = arith.muli %scan3A_203, %mul3A_204 : i32
      %multiple_of3A_206 = tpu.assume_multiple %mul3A_205, 16 : i32
      %mul3A_207 = arith.constant 16 : i32
      %mul3A_208 = arith.muli %scan3A_203, %mul3A_207 : i32
      %add3A_209 = arith.constant 20480 : i32
      %add3A_210 = arith.addi %add3A_209, %mul3A_208 : i32
      %multiple_of3A_211 = tpu.assume_multiple %add3A_210, 16 : i32
      %get3A_212 = arith.index_cast %multiple_of3A_206 : i32 to index
      %get3A_213 = tpu.vector_load %arg13[%get3A_212] {strides = array<i32>} : memref<40960xf32, #tpu.memory_space<vmem>>, vector<16xf32>,
      %get3A_214 = arith.index_cast %multiple_of3A_211 : i32 to index
      %get3A_215 = tpu.vector_load %arg13[%get3A_214] {strides = array<i32>} : memref<40960xf32, #tpu.memory_space<vmem>>, vector<16xf32>,
      %add3A_216 = arith.addf %get3A_213, %get3A_215 : vector<16xf32>
      %swap3A_217 = arith.index_cast %multiple_of3A_206 : i32 to index
      %swap3A_218 = tpu.vector_load %arg13[%swap3A_217] {strides = array<i32>} : memref<40960xf32, #tpu.memory_space<vmem>>, vector<16xf32>,
      tpu.vector_store %arg13[%swap3A_217], %add3A_216 {strides = array<i32>} : memref<40960xf32, #tpu.memory_space<vmem>>, vector<16xf32>,
      %scan3A_219 = arith.constant 7 : i32
      %scan3A_220 = arith.addi %scan3A_103, %scan3A_219 : i32
      %mul3A_221 = arith.constant 16 : i32
      %mul3A_222 = arith.muli %scan3A_220, %mul3A_221 : i32
      %multiple_of3A_223 = tpu.assume_multiple %mul3A_222, 16 : i32
      %mul3A_224 = arith.constant 16 : i32
      %mul3A_225 = arith.muli %scan3A_220, %mul3A_224 : i32
      %add3A_226 = arith.constant 20480 : i32
      %add3A_227 = arith.addi %add3A_226, %mul3A_225 : i32
      %multiple_of3A_228 = tpu.assume_multiple %add3A_227, 16 : i32
      %get3A_229 = arith.index_cast %multiple_of3A_223 : i32 to index
      %get3A_230 = tpu.vector_load %arg13[%get3A_229] {strides = array<i32>} : memref<40960xf32, #tpu.memory_space<vmem>>, vector<16xf32>,
      %get3A_231 = arith.index_cast %multiple_of3A_228 : i32 to index
      %get3A_232 = tpu.vector_load %arg13[%get3A_231] {strides = array<i32>} : memref<40960xf32, #tpu.memory_space<vmem>>, vector<16xf32>,
      %add3A_233 = arith.addf %get3A_230, %get3A_232 : vector<16xf32>
      %swap3A_234 = arith.index_cast %multiple_of3A_223 : i32 to index
      %swap3A_235 = tpu.vector_load %arg13[%swap3A_234] {strides = array<i32>} : memref<40960xf32, #tpu.memory_space<vmem>>, vector<16xf32>,
      tpu.vector_store %arg13[%swap3A_234], %add3A_233 {strides = array<i32>} : memref<40960xf32, #tpu.memory_space<vmem>>, vector<16xf32>,
    }
    %scan3A_96 = arith.constant 1280 : i32
    %mul3A_97 = arith.constant 32 : i32
    %mul3A_98 = arith.muli %arg0, %mul3A_97 : i32
    %mul3A_99 = arith.constant 10240 : i32
    %mul3A_100 = arith.muli %mul3A_98, %mul3A_99 : i32
    %add3A_101 = arith.addi %mul3A_100, %add3A_80 : i32
    %multiple_of3A_102 = tpu.assume_multiple %add3A_101, 128 : i32
    "tpu.region"() ({
      %run_scoped3A = tpu.sem_alloc : memref<!tpu.dma_semaphore, #tpu.memory_space<semaphore_mem>>
      %dma_start3A = arith.constant 0 : i32
      %dma_start3A_103 = tpu.memref_slice %arg13[%dma_start3A] : memref<40960xf32, #tpu.memory_space<vmem>> -> memref<20480xf32, #tpu.memory_space<vmem>>
      %dma_start3A_104 = tpu.memref_slice %arg5[%multiple_of3A_102] : memref<655360xf32, #tpu.memory_space<hbm>> -> memref<20480xf32, #tpu.memory_space<hbm>>
      %dma_start3A_105 = tpu.memref_slice %arg5[%multiple_of3A_102] : memref<655360xf32, #tpu.memory_space<hbm>> -> memref<20480xf32, #tpu.memory_space<hbm>>
      %dma_start3A_106 = arith.constant 0 : i32
      %dma_start3A_107 = tpu.memref_slice %arg13[%dma_start3A_106] : memref<40960xf32, #tpu.memory_space<vmem>> -> memref<20480xf32, #tpu.memory_space<vmem>>
      tpu.enqueue_dma source(%dma_start3A_107 : memref<20480xf32, #tpu.memory_space<vmem>>) target(%dma_start3A_105 : memref<20480xf32, #tpu.memory_space<hbm>>) target_semaphore(%run_scoped3A : memref<!tpu.dma_semaphore, #tpu.memory_space<semaphore_mem>>)
      %dma_wait3A = arith.constant 0 : i32
      %dma_wait3A_108 = tpu.memref_slice %arg13[%dma_wait3A] : memref<40960xf32, #tpu.memory_space<vmem>> -> memref<20480xf32, #tpu.memory_space<vmem>>
      %dma_wait3A_109 = tpu.memref_slice %arg5[%multiple_of3A_102] : memref<655360xf32, #tpu.memory_space<hbm>> -> memref<20480xf32, #tpu.memory_space<hbm>>
      %dma_wait3A_110 = tpu.memref_slice %arg5[%multiple_of3A_102] : memref<655360xf32, #tpu.memory_space<hbm>> -> memref<20480xf32, #tpu.memory_space<hbm>>
      %dma_wait3A_111 = arith.constant 0 : i32
      %dma_wait3A_112 = tpu.memref_slice %arg13[%dma_wait3A_111] : memref<40960xf32, #tpu.memory_space<vmem>> -> memref<20480xf32, #tpu.memory_space<vmem>>
      tpu.wait_dma2 semaphore(%run_scoped3A : memref<!tpu.dma_semaphore, #tpu.memory_space<semaphore_mem>>) src(%dma_wait3A_112 : memref<20480xf32, #tpu.memory_space<vmem>>) dst(%dma_wait3A_110 : memref<20480xf32, #tpu.memory_space<hbm>>)
      tpu.yield
    }) : () -> ()
    return
  }
}

module attributes {stable_mosaic.version = 14 : i64} {
  func.func @body(%arg0: memref<2x10240xf32, #tpu.memory_space<vmem>>, %arg1: memref<10240x128xf32, #tpu.memory_space<vmem>>, %arg2: memref<128x32xf32, #tpu.memory_space<vmem>>, %arg3: memref<32x10240xf32, #tpu.memory_space<vmem>>, %arg4: memref<1x10240xf32, #tpu.memory_space<vmem>>) attributes {dimension_semantics = [], scalar_prefetch = 0 : i64, scratch_operands = 0 : i64, tpu.core_type = #tpu.core_type<tc>} {
    %get3A = arith.constant 0 : index
    %get3A_0 = arith.constant 0 : index
    %get3A_1 = vector.load %arg0[%get3A, %get3A_0] : memref<2x10240xf32, #tpu.memory_space<vmem>>, vector<1x10240xf32>
    %get3A_2 = arith.constant 1 : index
    %get3A_3 = arith.constant 0 : index
    %get3A_4 = vector.load %arg0[%get3A_2, %get3A_3] : memref<2x10240xf32, #tpu.memory_space<vmem>>, vector<1x10240xf32>
    %add3A = arith.addf %get3A_1, %get3A_4 : vector<1x10240xf32>
    %add3A_5 = arith.constant 1.000000e+00 : f32
    %add3A_6 = vector.broadcast %add3A_5 : f32 to vector<1x10240xf32>
    %add3A_7 = arith.addf %add3A, %add3A_6 : vector<1x10240xf32>
    %rsqrt3A = math.rsqrt %add3A_7 : vector<1x10240xf32>
    %get3A_8 = arith.constant 0 : index
    %get3A_9 = arith.constant 0 : index
    %get3A_10 = vector.load %arg2[%get3A_8, %get3A_9] : memref<128x32xf32, #tpu.memory_space<vmem>>, vector<128x32xf32>
    %get3A_11 = arith.constant 0 : index
    %get3A_12 = arith.constant 0 : index
    %get3A_13 = vector.load %arg1[%get3A_11, %get3A_12] : memref<10240x128xf32, #tpu.memory_space<vmem>>, vector<10240x128xf32>
    %dot_general3A = arith.constant dense<0.000000e+00> : vector<32x10240xf32>
    %dot_general3A_14 = tpu.matmul %get3A_10, %get3A_13, %dot_general3A {dimension_numbers = #tpu.dot_dimension_numbers<[0], [1], [1], [0], [0, 1, 1, 0], [], []>, precision = #tpu.contract_precision<fp32>, transpose_lhs_hint = false} : vector<128x32xf32>, vector<10240x128xf32>, vector<32x10240xf32> -> vector<32x10240xf32>
    %mul3A = vector.broadcast %rsqrt3A : vector<1x10240xf32> to vector<32x10240xf32>
    %mul3A_15 = arith.mulf %mul3A, %dot_general3A_14 : vector<32x10240xf32>
    %swap3A = arith.constant 0 : index
    %swap3A_16 = arith.constant 0 : index
    %swap3A_17 = vector.load %arg3[%swap3A, %swap3A_16] : memref<32x10240xf32, #tpu.memory_space<vmem>>, vector<32x10240xf32>
    tpu.vector_store %arg3[%swap3A, %swap3A_16], %mul3A_15 {strides = array<i32>} : memref<32x10240xf32, #tpu.memory_space<vmem>>, vector<32x10240xf32>,
    %swap3A_18 = arith.constant 0 : index
    %swap3A_19 = arith.constant 0 : index
    %swap3A_20 = vector.load %arg4[%swap3A_18, %swap3A_19] : memref<1x10240xf32, #tpu.memory_space<vmem>>, vector<1x10240xf32>
    tpu.vector_store %arg4[%swap3A_18, %swap3A_19], %rsqrt3A {strides = array<i32>} : memref<1x10240xf32, #tpu.memory_space<vmem>>, vector<1x10240xf32>,
    return
  }
}

module attributes {stable_mosaic.version = 14 : i64} {
  func.func @body(%arg0: memref<2x32x10240xf32, #tpu.memory_space<vmem>>, %arg1: memref<32x10240xf32, #tpu.memory_space<vmem>>, %arg2: memref<1x10240xf32, #tpu.memory_space<vmem>>, %arg3: memref<32x1xf32, #tpu.memory_space<vmem>>, %arg4: memref<32x10240xf32, #tpu.memory_space<vmem>>) attributes {dimension_semantics = [], scalar_prefetch = 0 : i64, scratch_operands = 0 : i64, tpu.core_type = #tpu.core_type<tc>} {
    %get3A = arith.constant 0 : index
    %get3A_0 = arith.constant 0 : index
    %get3A_1 = arith.constant 0 : index
    %get3A_2 = vector.load %arg0[%get3A, %get3A_0, %get3A_1] : memref<2x32x10240xf32, #tpu.memory_space<vmem>>, vector<1x32x10240xf32>
    %get3A_3 = vector.shape_cast %get3A_2 : vector<1x32x10240xf32> to vector<32x10240xf32>
    %get3A_4 = arith.constant 1 : index
    %get3A_5 = arith.constant 0 : index
    %get3A_6 = arith.constant 0 : index
    %get3A_7 = vector.load %arg0[%get3A_4, %get3A_5, %get3A_6] : memref<2x32x10240xf32, #tpu.memory_space<vmem>>, vector<1x32x10240xf32>
    %get3A_8 = vector.shape_cast %get3A_7 : vector<1x32x10240xf32> to vector<32x10240xf32>
    %add3A = arith.addf %get3A_3, %get3A_8 : vector<32x10240xf32>
    %get3A_9 = arith.constant 0 : index
    %get3A_10 = arith.constant 0 : index
    %get3A_11 = vector.load %arg1[%get3A_9, %get3A_10] : memref<32x10240xf32, #tpu.memory_space<vmem>>, vector<32x10240xf32>
    %sub3A = arith.subf %add3A, %get3A_11 : vector<32x10240xf32>
    %get3A_12 = arith.constant 0 : index
    %get3A_13 = arith.constant 0 : index
    %get3A_14 = vector.load %arg2[%get3A_12, %get3A_13] : memref<1x10240xf32, #tpu.memory_space<vmem>>, vector<1x10240xf32>
    %mul3A = vector.broadcast %get3A_14 : vector<1x10240xf32> to vector<32x10240xf32>
    %mul3A_15 = arith.mulf %mul3A, %sub3A : vector<32x10240xf32>
    %get3A_16 = arith.constant 0 : index
    %get3A_17 = arith.constant 0 : index
    %get3A_18 = vector.load %arg3[%get3A_16, %get3A_17] : memref<32x1xf32, #tpu.memory_space<vmem>>, vector<32x1xf32>
    %add3A_19 = vector.broadcast %get3A_18 : vector<32x1xf32> to vector<32x10240xf32>
    %add3A_20 = arith.addf %mul3A_15, %add3A_19 : vector<32x10240xf32>
    %max3A = arith.constant 0.000000e+00 : f32
    %max3A_21 = vector.broadcast %max3A : f32 to vector<32x10240xf32>
    %max3A_22 = arith.maximumf %add3A_20, %max3A_21 : vector<32x10240xf32>
    %get3A_23 = arith.constant 0 : index
    %get3A_24 = arith.constant 0 : index
    %get3A_25 = vector.load %arg2[%get3A_23, %get3A_24] : memref<1x10240xf32, #tpu.memory_space<vmem>>, vector<1x10240xf32>
    %mul3A_26 = vector.broadcast %get3A_25 : vector<1x10240xf32> to vector<32x10240xf32>
    %mul3A_27 = arith.mulf %mul3A_26, %max3A_22 : vector<32x10240xf32>
    %swap3A = arith.constant 0 : index
    %swap3A_28 = arith.constant 0 : index
    %swap3A_29 = vector.load %arg4[%swap3A, %swap3A_28] : memref<32x10240xf32, #tpu.memory_space<vmem>>, vector<32x10240xf32>
    tpu.vector_store %arg4[%swap3A, %swap3A_28], %mul3A_27 {strides = array<i32>} : memref<32x10240xf32, #tpu.memory_space<vmem>>, vector<32x10240xf32>,
    return
  }
}

module attributes {stable_mosaic.version = 14 : i64} {
  func.func @body(%arg0: memref<2x32x10240xf32, #tpu.memory_space<vmem>>, %arg1: memref<32x10240xf32, #tpu.memory_space<vmem>>, %arg2: memref<1x10240xf32, #tpu.memory_space<vmem>>, %arg3: memref<64x1xf32, #tpu.memory_space<vmem>>, %arg4: memref<32x64xf32, #tpu.memory_space<vmem>>, %arg5: memref<64x16xf32, #tpu.memory_space<vmem>>, %arg6: memref<16x10240xf32, #tpu.memory_space<vmem>>) attributes {dimension_semantics = [], scalar_prefetch = 0 : i64, scratch_operands = 0 : i64, tpu.core_type = #tpu.core_type<tc>} {
    %get3A = arith.constant 0 : index
    %get3A_0 = arith.constant 0 : index
    %get3A_1 = vector.load %arg2[%get3A, %get3A_0] : memref<1x10240xf32, #tpu.memory_space<vmem>>, vector<1x10240xf32>
    %get3A_2 = arith.constant 0 : index
    %get3A_3 = arith.constant 0 : index
    %get3A_4 = arith.constant 0 : index
    %get3A_5 = vector.load %arg0[%get3A_2, %get3A_3, %get3A_4] : memref<2x32x10240xf32, #tpu.memory_space<vmem>>, vector<1x32x10240xf32>
    %get3A_6 = vector.shape_cast %get3A_5 : vector<1x32x10240xf32> to vector<32x10240xf32>
    %get3A_7 = arith.constant 1 : index
    %get3A_8 = arith.constant 0 : index
    %get3A_9 = arith.constant 0 : index
    %get3A_10 = vector.load %arg0[%get3A_7, %get3A_8, %get3A_9] : memref<2x32x10240xf32, #tpu.memory_space<vmem>>, vector<1x32x10240xf32>
    %get3A_11 = vector.shape_cast %get3A_10 : vector<1x32x10240xf32> to vector<32x10240xf32>
    %add3A = arith.addf %get3A_6, %get3A_11 : vector<32x10240xf32>
    %get3A_12 = arith.constant 0 : index
    %get3A_13 = arith.constant 0 : index
    %get3A_14 = vector.load %arg1[%get3A_12, %get3A_13] : memref<32x10240xf32, #tpu.memory_space<vmem>>, vector<32x10240xf32>
    %sub3A = arith.subf %add3A, %get3A_14 : vector<32x10240xf32>
    %mul3A = vector.broadcast %get3A_1 : vector<1x10240xf32> to vector<32x10240xf32>
    %mul3A_15 = arith.mulf %mul3A, %sub3A : vector<32x10240xf32>
    %get3A_16 = arith.constant 0 : index
    %get3A_17 = arith.constant 0 : index
    %get3A_18 = vector.load %arg4[%get3A_16, %get3A_17] : memref<32x64xf32, #tpu.memory_space<vmem>>, vector<32x64xf32>
    %dot_general3A = arith.constant dense<0.000000e+00> : vector<64x10240xf32>
    %dot_general3A_19 = tpu.matmul %get3A_18, %mul3A_15, %dot_general3A {dimension_numbers = #tpu.dot_dimension_numbers<[0], [0], [1], [1], [0, 1, 1, 1], [], []>, precision = #tpu.contract_precision<fp32>, transpose_lhs_hint = false} : vector<32x64xf32>, vector<32x10240xf32>, vector<64x10240xf32> -> vector<64x10240xf32>
    %get3A_20 = arith.constant 0 : index
    %get3A_21 = arith.constant 0 : index
    %get3A_22 = vector.load %arg3[%get3A_20, %get3A_21] : memref<64x1xf32, #tpu.memory_space<vmem>>, vector<64x1xf32>
    %add3A_23 = vector.broadcast %get3A_22 : vector<64x1xf32> to vector<64x10240xf32>
    %add3A_24 = arith.addf %dot_general3A_19, %add3A_23 : vector<64x10240xf32>
    %max3A = arith.constant 0.000000e+00 : f32
    %max3A_25 = vector.broadcast %max3A : f32 to vector<64x10240xf32>
    %max3A_26 = arith.maximumf %add3A_24, %max3A_25 : vector<64x10240xf32>
    %get3A_27 = arith.constant 0 : index
    %get3A_28 = arith.constant 0 : index
    %get3A_29 = vector.load %arg2[%get3A_27, %get3A_28] : memref<1x10240xf32, #tpu.memory_space<vmem>>, vector<1x10240xf32>
    %get3A_30 = arith.constant 0 : index
    %get3A_31 = arith.constant 0 : index
    %get3A_32 = vector.load %arg5[%get3A_30, %get3A_31] : memref<64x16xf32, #tpu.memory_space<vmem>>, vector<64x16xf32>
    %dot_general3A_33 = arith.constant dense<0.000000e+00> : vector<16x10240xf32>
    %dot_general3A_34 = tpu.matmul %get3A_32, %max3A_26, %dot_general3A_33 {dimension_numbers = #tpu.dot_dimension_numbers<[0], [0], [1], [1], [0, 1, 1, 1], [], []>, precision = #tpu.contract_precision<fp32>, transpose_lhs_hint = false} : vector<64x16xf32>, vector<64x10240xf32>, vector<16x10240xf32> -> vector<16x10240xf32>
    %mul3A_35 = vector.broadcast %get3A_29 : vector<1x10240xf32> to vector<16x10240xf32>
    %mul3A_36 = arith.mulf %mul3A_35, %dot_general3A_34 : vector<16x10240xf32>
    %swap3A = arith.constant 0 : index
    %swap3A_37 = arith.constant 0 : index
    %swap3A_38 = vector.load %arg6[%swap3A, %swap3A_37] : memref<16x10240xf32, #tpu.memory_space<vmem>>, vector<16x10240xf32>
    tpu.vector_store %arg6[%swap3A, %swap3A_37], %mul3A_36 {strides = array<i32>} : memref<16x10240xf32, #tpu.memory_space<vmem>>, vector<16x10240xf32>,
    return
  }
}

module attributes {stable_mosaic.version = 14 : i64} {
  func.func @body(%arg0: memref<2x16x10240xf32, #tpu.memory_space<vmem>>, %arg1: memref<16x10240xf32, #tpu.memory_space<vmem>>, %arg2: memref<1x10240xf32, #tpu.memory_space<vmem>>, %arg3: memref<16x1xf32, #tpu.memory_space<vmem>>, %arg4: memref<1x10240xi32, #tpu.memory_space<vmem>>, %arg5: memref<64x16xf32, #tpu.memory_space<vmem>>) attributes {dimension_semantics = [], scalar_prefetch = 0 : i64, scratch_operands = 0 : i64, tpu.core_type = #tpu.core_type<tc>} {
    %get3A = arith.constant 0 : index
    %get3A_0 = arith.constant 0 : index
    %get3A_1 = arith.constant 0 : index
    %get3A_2 = vector.load %arg0[%get3A, %get3A_0, %get3A_1] : memref<2x16x10240xf32, #tpu.memory_space<vmem>>, vector<1x16x10240xf32>
    %get3A_3 = vector.shape_cast %get3A_2 : vector<1x16x10240xf32> to vector<16x10240xf32>
    %get3A_4 = arith.constant 1 : index
    %get3A_5 = arith.constant 0 : index
    %get3A_6 = arith.constant 0 : index
    %get3A_7 = vector.load %arg0[%get3A_4, %get3A_5, %get3A_6] : memref<2x16x10240xf32, #tpu.memory_space<vmem>>, vector<1x16x10240xf32>
    %get3A_8 = vector.shape_cast %get3A_7 : vector<1x16x10240xf32> to vector<16x10240xf32>
    %add3A = arith.addf %get3A_3, %get3A_8 : vector<16x10240xf32>
    %get3A_9 = arith.constant 0 : index
    %get3A_10 = arith.constant 0 : index
    %get3A_11 = vector.load %arg1[%get3A_9, %get3A_10] : memref<16x10240xf32, #tpu.memory_space<vmem>>, vector<16x10240xf32>
    %sub3A = arith.subf %add3A, %get3A_11 : vector<16x10240xf32>
    %get3A_12 = arith.constant 0 : index
    %get3A_13 = arith.constant 0 : index
    %get3A_14 = vector.load %arg2[%get3A_12, %get3A_13] : memref<1x10240xf32, #tpu.memory_space<vmem>>, vector<1x10240xf32>
    %mul3A = vector.broadcast %get3A_14 : vector<1x10240xf32> to vector<16x10240xf32>
    %mul3A_15 = arith.mulf %mul3A, %sub3A : vector<16x10240xf32>
    %get3A_16 = arith.constant 0 : index
    %get3A_17 = arith.constant 0 : index
    %get3A_18 = vector.load %arg3[%get3A_16, %get3A_17] : memref<16x1xf32, #tpu.memory_space<vmem>>, vector<16x1xf32>
    %add3A_19 = vector.broadcast %get3A_18 : vector<16x1xf32> to vector<16x10240xf32>
    %add3A_20 = arith.addf %mul3A_15, %add3A_19 : vector<16x10240xf32>
    %iota3A = tpu.iota {dimensions = array<i32: 0>} : vector<64x1xi32>
    %get3A_21 = arith.constant 0 : index
    %get3A_22 = arith.constant 0 : index
    %get3A_23 = vector.load %arg4[%get3A_21, %get3A_22] : memref<1x10240xi32, #tpu.memory_space<vmem>>, vector<1x10240xi32>
    %eq3A = vector.broadcast %get3A_23 : vector<1x10240xi32> to vector<64x10240xi32>
    %eq3A_24 = vector.broadcast %iota3A : vector<64x1xi32> to vector<64x10240xi32>
    %eq3A_25 = arith.cmpi eq, %eq3A, %eq3A_24 : vector<64x10240xi32>
    %convert_element_type3A = arith.extui %eq3A_25 : vector<64x10240xi1> to vector<64x10240xi32>
    %convert_element_type3A_26 = arith.sitofp %convert_element_type3A : vector<64x10240xi32> to vector<64x10240xf32>
    %dot_general3A = arith.constant dense<0.000000e+00> : vector<64x16xf32>
    %dot_general3A_27 = tpu.matmul %convert_element_type3A_26, %add3A_20, %dot_general3A {dimension_numbers = #tpu.dot_dimension_numbers<[1], [1], [0], [0], [0, 0, 1, 0], [], []>, precision = #tpu.contract_precision<fp32>, transpose_lhs_hint = false} : vector<64x10240xf32>, vector<16x10240xf32>, vector<64x16xf32> -> vector<64x16xf32>
    %reduce_sum3A = arith.constant dense<0.000000e+00> : vector<64xf32>
    %reduce_sum3A_28 = vector.multi_reduction <add>, %convert_element_type3A_26, %reduce_sum3A [1] : vector<64x10240xf32> to vector<64xf32>
    %broadcast_in_dim3A = vector.shape_cast %reduce_sum3A_28 : vector<64xf32> to vector<64x1xf32>
    %max3A = arith.constant 1.000000e+00 : f32
    %max3A_29 = vector.broadcast %max3A : f32 to vector<64x1xf32>
    %max3A_30 = arith.maximumf %broadcast_in_dim3A, %max3A_29 : vector<64x1xf32>
    %div3A = vector.broadcast %max3A_30 : vector<64x1xf32> to vector<64x16xf32>
    %div3A_31 = arith.divf %dot_general3A_27, %div3A : vector<64x16xf32>
    %reduce_max3A = arith.constant dense<0xFF800000> : vector<64xf32>
    %reduce_max3A_32 = vector.multi_reduction <maximumf>, %div3A_31, %reduce_max3A [1] : vector<64x16xf32> to vector<64xf32>
    %broadcast_in_dim3A_33 = vector.shape_cast %reduce_max3A_32 : vector<64xf32> to vector<64x1xf32>
    %sub3A_34 = vector.broadcast %broadcast_in_dim3A_33 : vector<64x1xf32> to vector<64x16xf32>
    %sub3A_35 = arith.subf %div3A_31, %sub3A_34 : vector<64x16xf32>
    %exp3A = math.exp %sub3A_35 : vector<64x16xf32>
    %reduce_sum3A_36 = arith.constant dense<0.000000e+00> : vector<64xf32>
    %reduce_sum3A_37 = vector.multi_reduction <add>, %exp3A, %reduce_sum3A_36 [1] : vector<64x16xf32> to vector<64xf32>
    %broadcast_in_dim3A_38 = vector.shape_cast %reduce_sum3A_37 : vector<64xf32> to vector<64x1xf32>
    %log3A = math.log %broadcast_in_dim3A_38 : vector<64x1xf32>
    %sub3A_39 = vector.broadcast %broadcast_in_dim3A_33 : vector<64x1xf32> to vector<64x16xf32>
    %sub3A_40 = arith.subf %div3A_31, %sub3A_39 : vector<64x16xf32>
    %sub3A_41 = vector.broadcast %log3A : vector<64x1xf32> to vector<64x16xf32>
    %sub3A_42 = arith.subf %sub3A_40, %sub3A_41 : vector<64x16xf32>
    %swap3A = arith.constant 0 : index
    %swap3A_43 = arith.constant 0 : index
    %swap3A_44 = vector.load %arg5[%swap3A, %swap3A_43] : memref<64x16xf32, #tpu.memory_space<vmem>>, vector<64x16xf32>
    tpu.vector_store %arg5[%swap3A, %swap3A_43], %sub3A_42 {strides = array<i32>} : memref<64x16xf32, #tpu.memory_space<vmem>>, vector<64x16xf32>,
    return
  }
}

</mosaic_0001>

<sc_bundles>
// kernel: kernel.10.cloned.1.call-start
scs
__scs_entry_jumppad:
0x0: {  	(pc) =	sbr.rel $0x88, $3  }
0x1: {  	(tag) =	ssettag $0x0;
	lr =	simm.s32 $0x1  }
0x2: {  	[smem:$0x3F98] =	sst lr;
	_ =	strace $0xD0000000  }
0x3: {  	_ = 	snop  }
0x4: {  	_ = 	snop  }
0x5: {  	_ = 	snop  }
0x6: {  	_ = 	snop  }
0x7: {  	_ = 	snop  }
__scs_overlays_trampoline_lowered:
0x8: {  	[smem:$0x3FA7] =	sst s0  }
0x9: {  	[smem:$0x3FA8] =	sst s1  }
0xa: {  	[smem:$0x3FA9] =	sst s2  }
0xb: {  	[smem:$0x3FAA] =	sst s3  }
0xc: {  	[smem:$0x3FAB] =	sst s4  }
0xd: {  	[smem:$0x3FAC] =	sst s5  }
0xe: {  	[smem:$0x3FAD] =	sst s6  }
0xf: {  	[smem:$0x3FAE] =	sst s7  }
0x10: {  	[smem:$0x3FAF] =	sst s8  }
0x11: {  	[smem:$0x3FB0] =	sst s9;
	s0 =	simm.s32 @!p0 $0x0  }
0x12: {  	s1 =	sld [smem:$0x3F96];
	s0 =	simm.s32 @p0 $0x1  }
0x13: {  	[smem:$0x3FB1] =	sst s0;
	s0 =	simm.s32 @!p1 $0x0  }
0x14: {  	s2 =	sld [smem:$0x3F95];
	s0 =	simm.s32 @p1 $0x1  }
0x15: {  	[smem:$0x3FB2] =	sst s0;
	s0 =	simm.s32 @!p2 $0x0  }
0x16: {  	s3 =	sld [smem:$0x3FDB];
	s0 =	simm.s32 @p2 $0x1  }
0x17: {  	s4 =	simm.s32 $0x1BF5;
	[smem:$0x3FB4] =	sst s0  }
0x18: {  	s0 =	sld [smem:$0x3F97];
	_ =	swait.ge [sflag:s4], $0x0  }
0x19: {  	s7 =	sld [smem:$0x3F98]  }
0x1a: {  	s8 =	sadd.s32 $0xFFFFE003, lr  }
0x1b: {  	s9 =	sadd.s32 $0xFFFFFEF7, lr;
	s5 =	simm.s32 $0xFFFFFFFF;
	p2 =	slt.u32 s8, $0xFFFFF086  }
0x1c: {  	p1 =	slt.u32 s9, $0xF7A;
	s5 =	simm.s32 @!p2 $0x0  }
0x1d: {  	s5 =	simm.s32 @p1 $0x1;
	p0 =	seq.s32 s7, s2  }
0x1e: {  	s7 =	smul.u32 @!p0 $0xF7A, s2;
	p2 =	seq.s32 @!p0 s5, $0x0  }
0x1f: {  	s9 =	smul.u32 $0xF7A, s1;
	s8 =	simm.s32 @!p0 $0x1BF5;
	p2 =	por !p2, p0  }
0x20: {  	[sflag:s8] =	ssyncset.s32 @!p0 $0xFFFFF086;
	s6 =	sadd.s32 @!p0 s3, s7;
	s7 =	simm.s32 @!p0 $0x108  }
0x21: {  	s3 =	sadd.s32 s3, s9;
	s6 =	sadd.s32 @!p0 $0x88, s6;
	s7 =	simm.s32 @p2 $0x1082  }
0x22: {  	[simem:s7], [sflag:s8] =	dma.local @!p0 [hbm:s6], $0xF7A  }
0x23: {  	s9 =	sor.u32 $0xD0000000, s2;
	s6 =	simm.s32 $0x108;
	_ =	swait.ge @!p0 [sflag:s8], $0x0  }
0x24: {  	s3 =	sadd.s32 $0x88, s3;
	s6 =	simm.s32 @!p1 $0x1082;
	[sflag:s4] =	ssyncset.s32 $0xFFFFF086  }
0x25: {  	[simem:s6], [sflag:s4] =	dma.local [hbm:s3], $0xF7A  }
0x26: {  	[smem:$0x3F98] =	sst s1;
	(tag) =	ssettag s2;
	_ =	strace s9  }
0x27: {  	s1 =	sld [smem:$0x3FA8]  }
0x28: {  	s2 =	sld [smem:$0x3FA9]  }
0x29: {  	s4 =	sld [smem:$0x3FAB]  }
0x2a: {  	p0 =	seq.s32 s5, $0x0;
	s5 =	sld [smem:$0x3FAC]  }
0x2b: {  	s6 =	sld [smem:$0x3FAD]  }
0x2c: {  	s7 =	sld [smem:$0x3FAE]  }
0x2d: {  	s3 =	simm.s32 $0x108;
	s8 =	sld [smem:$0x3FAF]  }
0x2e: {  	s3 =	simm.s32 @!p0 $0x1082;
	s9 =	sld [smem:$0x3FB0]  }
0x2f: {  	lr =	sadd.s32 s0, s3;
	s0 =	sld [smem:$0x3FA7]  }
0x30: {  	s3 =	sld [smem:$0x3FAA]  }
0x31: {  	[smem:$0x3FB3] =	sst s10  }
0x32: {  	s10 =	sld [smem:$0x3FB1];
	_ =	sdelay $0x3  }
0x33: {  	p0 =	seq.s32 s10, $0x1;
	s10 =	sld [smem:$0x3FB3];
	_ =	sdelay $0x3  }
0x34: {  	[smem:$0x3FB3] =	sst s10  }
0x35: {  	s10 =	sld [smem:$0x3FB2];
	_ =	sdelay $0x3  }
0x36: {  	p1 =	seq.s32 s10, $0x1;
	s10 =	sld [smem:$0x3FB3];
	_ =	sdelay $0x3  }
0x37: {  	[smem:$0x3FB3] =	sst s10  }
0x38: {  	s10 =	sld [smem:$0x3FB4]  }
0x39: {  	_ = 	snop;
	(pc) =	sbr.ind lr, $3  }
0x3a: {  	_ = 	snop  }
0x3b: {  	_ = 	snop  }
0x3c: {  	p2 =	seq.s32 s10, $0x1;
	s10 =	sld [smem:$0x3FB3]  }
0x3d: {  	_ =	shalt  }
0x3e: {  	_ =	shalt  }
0x3f: {  	_ =	shalt  }
0x40: {  	_ =	shalt  }
0x41: {  	_ =	shalt  }
0x42: {  	_ =	shalt  }
0x43: {  	_ =	shalt  }
0x44: {  	_ =	shalt  }
0x45: {  	_ =	shalt  }
0x46: {  	_ =	shalt  }
0x47: {  	_ =	shalt  }
0x48: {  	_ =	shalt  }
0x49: {  	_ =	shalt  }
0x4a: {  	_ =	shalt  }
0x4b: {  	_ =	shalt  }
0x4c: {  	_ =	shalt  }
0x4d: {  	_ =	shalt  }
0x4e: {  	_ =	shalt  }
0x4f: {  	_ =	shalt  }
0x50: {  	_ =	shalt  }
0x51: {  	_ =	shalt  }
0x52: {  	_ =	shalt  }
0x53: {  	_ =	shalt  }
0x54: {  	_ =	shalt  }
0x55: {  	_ =	shalt  }
0x56: {  	_ =	shalt  }
0x57: {  	_ =	shalt  }
0x58: {  	_ =	shalt  }
0x59: {  	_ =	shalt  }
0x5a: {  	_ =	shalt  }
0x5b: {  	_ =	shalt  }
0x5c: {  	_ =	shalt  }
0x5d: {  	_ =	shalt  }
0x5e: {  	_ =	shalt  }
0x5f: {  	_ =	shalt  }
0x60: {  	_ =	shalt  }
0x61: {  	_ =	shalt  }
0x62: {  	_ =	shalt  }
0x63: {  	_ =	shalt  }
0x64: {  	_ =	shalt  }
0x65: {  	_ =	shalt  }
0x66: {  	_ =	shalt  }
0x67: {  	_ =	shalt  }
0x68: {  	_ =	shalt  }
0x69: {  	_ =	shalt  }
0x6a: {  	_ =	shalt  }
0x6b: {  	_ =	shalt  }
0x6c: {  	_ =	shalt  }
0x6d: {  	_ =	shalt  }
0x6e: {  	_ =	shalt  }
0x6f: {  	_ =	shalt  }
0x70: {  	_ =	shalt  }
0x71: {  	_ =	shalt  }
0x72: {  	_ =	shalt  }
0x73: {  	_ =	shalt  }
0x74: {  	_ =	shalt  }
0x75: {  	_ =	shalt  }
0x76: {  	_ =	shalt  }
0x77: {  	_ =	shalt  }
0x78: {  	_ =	shalt  }
0x79: {  	_ =	shalt  }
0x7a: {  	_ =	shalt  }
0x7b: {  	_ =	shalt  }
0x7c: {  	_ =	shalt  }
0x7d: {  	_ =	shalt  }
0x7e: {  	_ =	shalt  }
0x7f: {  	_ =	shalt  }
0x80: {  	_ =	shalt  }
0x81: {  	_ =	shalt  }
0x82: {  	_ =	shalt  }
0x83: {  	_ =	shalt  }
0x84: {  	_ =	shalt  }
0x85: {  	_ =	shalt  }
0x86: {  	_ =	shalt  }
0x87: {  	_ =	shalt  }
.Lfunc_end0:
.L_simem_size_0:
called_computation_lowered:
.L_overlay_start_0:
0x88: {  	s2 =	sld [smem:$0x3FD9]  }
0x89: {  	s3 =	sld [smem:$0x3FFE];
	_ =	sdelay $0x1  }
0x8a: {  	s1 =	srdreg.scid  }
0x8b: {  	s0 =	sand.u32 $0x1, s1  }
0x8c: {  	s16 =	sshll.u32 s0, $0xA;
	s2 =	sadd.s32 s3, s2  }
0x8d: {  	s2 =	sadd.s32 s2, s16  }
0x8e: {  	[smem:$0x3FBF] =	sst s2  }
0x8f: {  	_ = 	snop  }
0x90: {  	(tm) =	ssettm $0x1  }
0x91: {  	s17 =	sld [smem:$0x3FFB];
	_ =	sdelay $0x3  }
0x92: {  	_ =	strace s17  }
0x93: {  	s2 =	sld [smem:$0x3FFC];
	_ =	sdelay $0x3  }
0x94: {  	_ =	strace s2  }
0x95: {  	s2 =	sld [smem:$0x3FFD];
	_ =	sdelay $0x3  }
0x96: {  	_ =	strace s2  }
0x97: {  	_ =	strace $0x8FFFFFFF  }
0x98: {  	s18 =	sld [smem:$0x3FDB];
	_ =	sdelay $0x1  }
0x99: {  	s19 =	simm.s32 $_scs_section_size  }
0x9a: {  	s4 =	simm.s32 $_size__tile_overlayer_lowered;
	s5 =	simm.s32 $_tile_overlayer_lowered  }
0x9b: {  	s22 =	simm.s32 $0x1BFF;
	s21 =	sshll.u32 s5, $0x1;
	s2 =	sadd.s32 s19, s18  }
0x9c: {  	s6 =	simm.s32 $0x0;
	s20 =	sshll.u32 s4, $0x1;
	s4 =	sadd.s32 s21, s2  }
0x9d: {  	[timem:s6], [sflag:s22] =	dma.local [hbm:s4], s20  }
0x9e: {  	_ =	swait.ge [sflag:s22], s20  }
0x9f: {  	s3 =	ssub.s32 $0x0, s20;
	[sflag:s22] =	ssyncset.done $0x0  }
0xa0: {  	[sflag:s22] =	ssyncadd.s32 s3;
	_ =	sdelay $0x1  }
0xa1: {  	s23 =	simm.s32 $0x1B8B  }
0xa2: {  	_ =	swait.ge [sflag:s23], $0x1  }
0xa3: {  	[sflag:s23] =	ssyncset.done $0x0  }
0xa4: {  	s25 =	simm.s32 $0x1B8E;
	s24 =	sld [smem:$0x3FFE];
	[sflag:s23] =	ssyncadd.s32 $0xFFFFFFFF  }
0xa5: {  	s26 =	simm.s32 $execute0_lowered;
	[smem:$0x3FD2] =	sst s25  }
0xa6: {  	s4 =	sshll.u32 s26, $0x1;
	_ =	strace $0x80000046;
	[dreg:$0x1] =	wrdreg $0xFFFFFFFF  }
0xa7: {  	s28 =	simm.s32 $_size_execute0_lowered;
	s2 =	sadd.s32 s2, s4;
	[dreg:$0x0] =	wrdreg $0x0  }
0xa8: {  	s4 =	sshll.u32 s28, $0x1;
	[dreg:$0x2] =	wrdreg s2  }
0xa9: {  	[dreg:$0x3] =	wrdreg s4  }
0xaa: {  	[dreg:$0x4] =	wrdreg $0xC0  }
0xab: {  	_ =	task [dreg:s6], $0x5FFFF  }
0xac: {  	[dreg:$0x1] =	wrdreg $0xFFFFFFFF  }
0xad: {  	[dreg:$0x0] =	wrdreg $0x60  }
0xae: {  	[dreg:$0x2] =	wrdreg s24  }
0xaf: {  	[dreg:$0x3] =	wrdreg $0x51800  }
0xb0: {  	[dreg:$0x4] =	wrdreg $0x9  }
0xb1: {  	_ =	task.clear_ibuf [dreg:s6], $0x5FFFF;
	_ =	strace $0x90000046  }
0xb2: {  	s29 =	simm.s32 $0x9;
	_ =	strace $0x80000048  }
0xb3: {  	_ =	swait.ge [sflag:s29], $0x1  }
0xb4: {  	[sflag:s29] =	ssyncadd.s32 $0xFFFFFFFF  }
0xb5: {  	_ =	strace $0x90000048  }
0xb6: {  	_ =	sfence  }
0xb7: {  	s30 =	sld [smem:$0x0];
	_ =	sdelay $0x2  }
0xb8: {  	s31 =	sshll.u32 s1, $0xD;
	s1 =	sshrl.u32 s1, $0x2  }
0xb9: {  	s3 =	sand.u32 $0x4000, s31;
	s1 =	sadd.s32 s1, s30  }
0xba: {  	s0 =	sor.u32 s3, s0;
	s1 =	sshll.u32 s1, $0x11  }
0xbb: {  	s0 =	sor.u32 s1, s0  }
0xbc: {  	s0 =	sadd.s32 $0x8F2B, s0  }
0xbd: {  	[sflag:s0] =	ssyncadd.remote.s32 $0x1  }
0xbe: {  	_ =	sfence.sel $0xFFFF  }
0xbf: {  	[dreg:$0x0] =	wrdreg $0xFFFFFFFF;
	(pc) =	sbr.abs _section_cstart, $3  }
0xc0: {  	[dreg:$0x1] =	wrdreg $0xFFFFFFFF  }
0xc1: {  	_ =	task.clear_ibuf [dreg:s6], $0x2FFFF;
	_ =	strace $0x9FFFFFFF  }
0xc2: {  	(tm) =	ssettm $0x7FFFFFFF  }
0xc3: {  	_ =	shalt  }
tec
execute0_lowered:
.L_overlay_start_1:
0x0: {  	(tag) =	ssettag $0x1  }
0x1: {  	s0 =	stileid.u32  }
0x2: {  	s1 =	sshrl.u32 s0, $0x2  }
0x3: {  	s2 =	srdreg.scid;
	s3 =	sshll.u32 s0, $0x8;
	s1 =	smul.u32 $0x13C00, s1  }
0x4: {  	s6 =	sand.u32 $0x1, s2;
	s28 =	sand.u32 $0x300, s3  }
0x5: {  	s10 =	rddreg [dreg:$0x0];
	s11 =	sshll.u32 s6, $0x7;
	s1 =	sor.u32 s1, s28  }
0x6: {  	s2 =	rddreg [dreg:$0x1];
	s3 =	simm.s32 $0x0;
	s4 =	sor.u32 s11, s1  }
0x7: {  	s8 =	simm.s32 $0x80;
	[smem:$0x7FF] =	sst s3;
	s4 =	sshrl.u32 s4, $0x3  }
0x8: {  	s9 =	simm.s32 $0x400;
	s1 =	rddreg [dreg:$0x2];
	s4 =	sadd.s32 s4, s10  }
0x9: {  	_ =	strace $0x80000047;
	s7 =	sadd.s32 $0x16C00, s4;
	s4 =	simm.s32 $0x1  }
0xa: {  	[tilespmem:s3], [sflag:$0x1] =	stream.strided.gather [hbm4b:s7+s8], $0x2780, s9, s8, $0x38;
	[tilespmem:$0x5400] =	vst v63  }
0xb: {  	_ =	swait.ge [sflag:s4], $0x2780  }
0xc: {  	[sflag:s4] =	ssyncset.done $0x0  }
0xd: {  	s5 =	simm.s32 $0x2780;
	s13 =	sadd.s32 $0x20A00, s10;
	[sflag:s4] =	ssyncadd.s32 $0xFFFFD880  }
0xe: {  	[tilespmem:s5], [sflag:$0x1] =	stream.linear.gather [hbm4b:s13+s3], $0x2780, $0x38;
	[tilespmem:$0x5400] =	vst v63  }
0xf: {  	_ =	swait.ge [sflag:s4], $0x2780  }
0x10: {  	[sflag:s4] =	ssyncset.done $0x0  }
0x11: {  	v0 =	vimm.f32 $0.0e+00;
	[sflag:s4] =	ssyncadd.s32 $0xFFFFD880  }
0x12: {  	[tilespmem:$0x5170] =	vst v0  }
0x13: {  	[tilespmem:$0x5160] =	vst v0  }
0x14: {  	s12 =	smul.u32 $0x500, s0;
	[tilespmem:$0x5150] =	vst v0  }
0x15: {  	[tilespmem:$0x5140] =	vst v0  }
0x16: {  	s6 =	ssub.s32 $0x2, s6;
	s11 =	sor.u32 s11, s12;
	[tilespmem:$0x5130] =	vst v0  }
0x17: {  	s30 =	sshrl.u32 s6, $0x1;
	s11 =	sshrl.u32 s11, $0x3;
	[tilespmem:$0x5120] =	vst v0  }
0x18: {  	s10 =	sadd.s32 s11, s10;
	s11 =	ssub.s32 s6, s30;
	[tilespmem:$0x5110] =	vst v0  }
0x19: {  	s17 =	smax.u32 s11, $0x1;
	[tilespmem:$0x5100] =	vst v0  }
0x1a: {  	s29 =	smul.u32 $0xA00, s0;
	p0 =	sne.s32 s17, $0x1;
	[tilespmem:$0x50F0] =	vst v0  }
.Ltmp0:
0x1b: {  	[tilespmem:$0x50E0] =	vst v0;
	(pc) =	sbr.rel @!p0 .LBB2_2-.Ltmp0, $4  }
0x1c: {  	s16 =	simm.s32 $0x4F00;
	[tilespmem:$0x50D0] =	vst v0  }
0x1d: {  	s14 =	simm.s32 $0x20;
	s15 =	simm.s32 $0x10;
	s12 =	sshrl.u32 s29, $0x2;
	[tilespmem:$0x50C0] =	vst v0  }
0x1e: {  	s31 =	sshll.u32 s0, $0x6;
	s12 =	sadd.s32 s12, s2;
	s6 =	sadd.s32 $0x21000, s10;
	[tilespmem:$0x50B0] =	vst v0  }
0x1f: {  	s10 =	sor.u32 $0x1C01, s31;
	s11 =	sshrl.u32 s12, $0x3;
	s17 =	sadd.s32 $0xFFFFFFFF, s17;
	[tilespmem:$0x50A0] =	vst v0  }
.LBB2_1:
0x20: {  	p0 =	sne.s32 s17, $0x1;
	s17 =	sadd.s32 $0xFFFFFFFF, s17;
	[tilespmem:$0x5090] =	vst v0  }
0x21: {  	[tilespmem:$0x5080] =	vst v0  }
0x22: {  	[tilespmem:$0x5070] =	vst v0  }
0x23: {  	[tilespmem:$0x5060] =	vst v0  }
0x24: {  	[tilespmem:$0x5050] =	vst v0  }
0x25: {  	[tilespmem:$0x5040] =	vst v0  }
0x26: {  	[tilespmem:$0x5030] =	vst v0  }
0x27: {  	[tilespmem:$0x5020] =	vst v0  }
0x28: {  	[tilespmem:$0x5010] =	vst v0  }
0x29: {  	[tilespmem:$0x5000] =	vst v0  }
0x2a: {  	[tilespmem:$0x4FF0] =	vst v0  }
0x2b: {  	[tilespmem:$0x4FE0] =	vst v0  }
0x2c: {  	[tilespmem:$0x4FD0] =	vst v0  }
0x2d: {  	[tilespmem:$0x4FC0] =	vst v0  }
0x2e: {  	[tilespmem:$0x4FB0] =	vst v0  }
0x2f: {  	[tilespmem:$0x4FA0] =	vst v0  }
0x30: {  	[tilespmem:$0x4F90] =	vst v0  }
0x31: {  	[tilespmem:$0x4F80] =	vst v0  }
0x32: {  	[tilespmem:$0x4F70] =	vst v0  }
0x33: {  	[tilespmem:$0x4F60] =	vst v0  }
0x34: {  	[tilespmem:$0x4F50] =	vst v0  }
0x35: {  	[tilespmem:$0x4F40] =	vst v0  }
0x36: {  	[tilespmem:$0x4F30] =	vst v0  }
0x37: {  	[tilespmem:$0x4F20] =	vst v0  }
0x38: {  	[tilespmem:$0x4F00] =	vst v0  }
0x39: {  	[tilespmem:$0x4F10] =	vst v0  }
0x3a: {  	[spmem:s12] =	stream.linear.scatter [tilespmem:s16], [sflag:$0x1], $0x280, $0x38;
	[tilespmem:$0x5400] =	vst v63  }
0x3b: {  	_ =	swait.ge [sflag:s4], $0x280  }
0x3c: {  	[sflag:s4] =	ssyncset.done $0x0  }
0x3d: {  	[sflag:s4] =	ssyncadd.s32 $0xFFFFFD80  }
0x3e: {  	[bflag:$0x0] =	sbarrier.arrive $0xFFFF  }
0x3f: {  	[spmem:s2] =	stream.indirect.scatter.add.f32 [tilespmem:s5], [sflag:$0x1], $0x1, s3, s5, $0xb8;
	[tilespmem:$0x5400] =	vst v63  }
0x40: {  	_ =	swait.ge [sflag:s4], $0x2780  }
0x41: {  	[sflag:s4] =	ssyncset.done $0x0  }
0x42: {  	[sflag:s4] =	ssyncadd.s32 $0xFFFFD880  }
0x43: {  	[bflag:$0x0] =	sbarrier.arrive $0xFFFF  }
0x44: {  	[hbm:s6@s14], [sflag:s10] =	dma.strided [spmem:s11@s15], $0x50, s4, $0x10   }
0x45: {  	_ =	swait.ge [sflag:s4], $0x50  }
0x46: {  	[sflag:s4] =	ssyncset.done $0x0  }
0x47: {  	[sflag:s4] =	ssyncadd.s32 $0xFFFFFFB0  }
0x48: {  	[tilespmem:s3], [sflag:$0x1] =	stream.strided.gather [hbm4b:s7+s8], $0x2780, s9, s8, $0x38;
	[tilespmem:$0x5400] =	vst v63  }
0x49: {  	_ =	swait.ge [sflag:s4], $0x2780  }
0x4a: {  	[sflag:s4] =	ssyncset.done $0x0  }
0x4b: {  	[sflag:s4] =	ssyncadd.s32 $0xFFFFD880  }
0x4c: {  	[tilespmem:s5], [sflag:$0x1] =	stream.linear.gather [hbm4b:s13+s3], $0x2780, $0x38;
	[tilespmem:$0x5400] =	vst v63  }
0x4d: {  	_ =	swait.ge [sflag:s4], $0x2780  }
0x4e: {  	[sflag:s4] =	ssyncset.done $0x0  }
0x4f: {  	[sflag:s4] =	ssyncadd.s32 $0xFFFFD880  }
0x50: {  	[tilespmem:$0x5170] =	vst v0  }
0x51: {  	[tilespmem:$0x5160] =	vst v0  }
0x52: {  	[tilespmem:$0x5150] =	vst v0  }
0x53: {  	[tilespmem:$0x5140] =	vst v0  }
0x54: {  	[tilespmem:$0x5130] =	vst v0  }
0x55: {  	[tilespmem:$0x5120] =	vst v0  }
0x56: {  	[tilespmem:$0x5110] =	vst v0  }
0x57: {  	[tilespmem:$0x5100] =	vst v0  }
0x58: {  	[tilespmem:$0x50F0] =	vst v0  }
.Ltmp1:
0x59: {  	[tilespmem:$0x50E0] =	vst v0;
	(pc) =	sbr.rel @p0 .LBB2_1-.Ltmp1, $4  }
0x5a: {  	[tilespmem:$0x50D0] =	vst v0  }
0x5b: {  	[tilespmem:$0x50C0] =	vst v0  }
0x5c: {  	[tilespmem:$0x50B0] =	vst v0  }
0x5d: {  	[tilespmem:$0x50A0] =	vst v0  }
.LBB2_2:
0x5e: {  	[tilespmem:$0x5090] =	vst v0  }
0x5f: {  	[tilespmem:$0x5080] =	vst v0  }
0x60: {  	[tilespmem:$0x5070] =	vst v0  }
0x61: {  	[tilespmem:$0x5060] =	vst v0  }
0x62: {  	[tilespmem:$0x5050] =	vst v0  }
0x63: {  	[tilespmem:$0x5040] =	vst v0  }
0x64: {  	[tilespmem:$0x5030] =	vst v0  }
0x65: {  	[tilespmem:$0x5020] =	vst v0  }
0x66: {  	[tilespmem:$0x5010] =	vst v0  }
0x67: {  	[tilespmem:$0x5000] =	vst v0  }
0x68: {  	[tilespmem:$0x4FF0] =	vst v0  }
0x69: {  	[tilespmem:$0x4FE0] =	vst v0  }
0x6a: {  	[tilespmem:$0x4FD0] =	vst v0  }
0x6b: {  	[tilespmem:$0x4FC0] =	vst v0  }
0x6c: {  	[tilespmem:$0x4FB0] =	vst v0  }
0x6d: {  	[tilespmem:$0x4FA0] =	vst v0  }
0x6e: {  	[tilespmem:$0x4F90] =	vst v0  }
0x6f: {  	[tilespmem:$0x4F80] =	vst v0  }
0x70: {  	[tilespmem:$0x4F70] =	vst v0  }
0x71: {  	[tilespmem:$0x4F60] =	vst v0  }
0x72: {  	[tilespmem:$0x4F50] =	vst v0  }
0x73: {  	[tilespmem:$0x4F40] =	vst v0  }
0x74: {  	[tilespmem:$0x4F30] =	vst v0  }
0x75: {  	[tilespmem:$0x4F20] =	vst v0  }
0x76: {  	[tilespmem:$0x4F00] =	vst v0  }
0x77: {  	[tilespmem:$0x4F10] =	vst v0  }
0x78: {  	[spmem:s12] =	stream.linear.scatter [tilespmem:s16], [sflag:$0x1], $0x280, $0x38;
	[tilespmem:$0x5400] =	vst v63  }
0x79: {  	_ =	swait.ge [sflag:s4], $0x280  }
0x7a: {  	[sflag:s4] =	ssyncset.done $0x0  }
0x7b: {  	[sflag:s4] =	ssyncadd.s32 $0xFFFFFD80  }
0x7c: {  	[bflag:$0x0] =	sbarrier.arrive $0xFFFF  }
0x7d: {  	[spmem:s2] =	stream.indirect.scatter.add.f32 [tilespmem:s5], [sflag:$0x1], $0x1, s3, s5, $0xb8;
	[tilespmem:$0x5400] =	vst v63  }
0x7e: {  	_ =	swait.ge [sflag:s4], $0x2780  }
0x7f: {  	[sflag:s4] =	ssyncset.done $0x0  }
0x80: {  	[sflag:s4] =	ssyncadd.s32 $0xFFFFD880  }
0x81: {  	[bflag:$0x0] =	sbarrier.arrive $0xFFFF  }
0x82: {  	[hbm:s6@s14], [sflag:s10] =	dma.strided [spmem:s11@s15], $0x50, s4, $0x10   }
0x83: {  	_ =	swait.ge [sflag:s4], $0x50  }
0x84: {  	[sflag:s4] =	ssyncset.done $0x0  }
0x85: {  	[sflag:s4] =	ssyncadd.s32 $0xFFFFFFB0  }
0x86: {  	_ =	sfence.sel $0x180000  }
0x87: {  	[bflag:$0x0] =	sbarrier.arrive $0xFFFF  }
0x88: {  	p0 =	sne.s32 s0, $0x0;
	_ =	strace $0x90000047  }
0x89: {  	s0 =	sadd.s32 @!p0 $0x100000, s1;
	[bflag:$0x2] =	sbarrier.arrive $0xFFFF  }
0x8a: {  	[sflag:s0] =	ssyncadd.tile.s32 @!p0 $0x1;
	_ =	shalt  }
.Lfunc_end2:
_tile_overlayer_lowered:
.L_overlay_start_2:
0x8b: {  	(tag) =	ssettag $0x2  }
0x8c: {  	s0 =	rddreg [dreg:$0x0];
	s2 =	stileid.u32  }
0x8d: {  	s1 =	rddreg [dreg:$0x1];
	p0 =	sne.s32 s2, $0x0  }
0x8e: {  	s3 =	rddreg [dreg:$0x2];
	[bflag:$0x3] =	sbarrier.arrive $0xFFFF;
	s2 =	simm.s32 @!p0 $0x1C01  }
0x8f: {  	[timem:s3], [sflag:s2] =	dma.local @!p0 [hbm:s0], s1  }
0x90: {  	s0 =	simm.s32 @!p0 $0x1  }
0x91: {  	_ =	swait.ge @!p0 [sflag:s0], s1  }
0x92: {  	s1 =	ssub.s32 @!p0 $0x0, s1;
	[sflag:s0] =	ssyncset.done @!p0 $0x0  }
0x93: {  	[sflag:s0] =	ssyncadd.s32 @!p0 s1  }
0x94: {  	[bflag:$0x3] =	sbarrier.arrive $0xFFFF  }
0x95: {  	_ =	shalt  }

// kernel: kernel.13.cloned.1.call-start
scs
__scs_entry_jumppad:
0x0: {  	(pc) =	sbr.rel $0x88, $3  }
0x1: {  	(tag) =	ssettag $0x0;
	lr =	simm.s32 $0x1  }
0x2: {  	[smem:$0x3F98] =	sst lr;
	_ =	strace $0xD0000000  }
0x3: {  	_ = 	snop  }
0x4: {  	_ = 	snop  }
0x5: {  	_ = 	snop  }
0x6: {  	_ = 	snop  }
0x7: {  	_ = 	snop  }
__scs_overlays_trampoline_lowered:
0x8: {  	[smem:$0x3FA7] =	sst s0  }
0x9: {  	[smem:$0x3FA8] =	sst s1  }
0xa: {  	[smem:$0x3FA9] =	sst s2  }
0xb: {  	[smem:$0x3FAA] =	sst s3  }
0xc: {  	[smem:$0x3FAB] =	sst s4  }
0xd: {  	[smem:$0x3FAC] =	sst s5  }
0xe: {  	[smem:$0x3FAD] =	sst s6  }
0xf: {  	[smem:$0x3FAE] =	sst s7  }
0x10: {  	[smem:$0x3FAF] =	sst s8  }
0x11: {  	[smem:$0x3FB0] =	sst s9;
	s0 =	simm.s32 @!p0 $0x0  }
0x12: {  	s1 =	sld [smem:$0x3F96];
	s0 =	simm.s32 @p0 $0x1  }
0x13: {  	[smem:$0x3FB1] =	sst s0;
	s0 =	simm.s32 @!p1 $0x0  }
0x14: {  	s2 =	sld [smem:$0x3F95];
	s0 =	simm.s32 @p1 $0x1  }
0x15: {  	[smem:$0x3FB2] =	sst s0;
	s0 =	simm.s32 @!p2 $0x0  }
0x16: {  	s3 =	sld [smem:$0x3FDB];
	s0 =	simm.s32 @p2 $0x1  }
0x17: {  	s4 =	simm.s32 $0x1BF5;
	[smem:$0x3FB4] =	sst s0  }
0x18: {  	s0 =	sld [smem:$0x3F97];
	_ =	swait.ge [sflag:s4], $0x0  }
0x19: {  	s7 =	sld [smem:$0x3F98]  }
0x1a: {  	s8 =	sadd.s32 $0xFFFFE003, lr  }
0x1b: {  	s9 =	sadd.s32 $0xFFFFFEF7, lr;
	s5 =	simm.s32 $0xFFFFFFFF;
	p2 =	slt.u32 s8, $0xFFFFF086  }
0x1c: {  	p1 =	slt.u32 s9, $0xF7A;
	s5 =	simm.s32 @!p2 $0x0  }
0x1d: {  	s5 =	simm.s32 @p1 $0x1;
	p0 =	seq.s32 s7, s2  }
0x1e: {  	s7 =	smul.u32 @!p0 $0xF7A, s2;
	p2 =	seq.s32 @!p0 s5, $0x0  }
0x1f: {  	s9 =	smul.u32 $0xF7A, s1;
	s8 =	simm.s32 @!p0 $0x1BF5;
	p2 =	por !p2, p0  }
0x20: {  	[sflag:s8] =	ssyncset.s32 @!p0 $0xFFFFF086;
	s6 =	sadd.s32 @!p0 s3, s7;
	s7 =	simm.s32 @!p0 $0x108  }
0x21: {  	s3 =	sadd.s32 s3, s9;
	s6 =	sadd.s32 @!p0 $0x88, s6;
	s7 =	simm.s32 @p2 $0x1082  }
0x22: {  	[simem:s7], [sflag:s8] =	dma.local @!p0 [hbm:s6], $0xF7A  }
0x23: {  	s9 =	sor.u32 $0xD0000000, s2;
	s6 =	simm.s32 $0x108;
	_ =	swait.ge @!p0 [sflag:s8], $0x0  }
0x24: {  	s3 =	sadd.s32 $0x88, s3;
	s6 =	simm.s32 @!p1 $0x1082;
	[sflag:s4] =	ssyncset.s32 $0xFFFFF086  }
0x25: {  	[simem:s6], [sflag:s4] =	dma.local [hbm:s3], $0xF7A  }
0x26: {  	[smem:$0x3F98] =	sst s1;
	(tag) =	ssettag s2;
	_ =	strace s9  }
0x27: {  	s1 =	sld [smem:$0x3FA8]  }
0x28: {  	s2 =	sld [smem:$0x3FA9]  }
0x29: {  	s4 =	sld [smem:$0x3FAB]  }
0x2a: {  	p0 =	seq.s32 s5, $0x0;
	s5 =	sld [smem:$0x3FAC]  }
0x2b: {  	s6 =	sld [smem:$0x3FAD]  }
0x2c: {  	s7 =	sld [smem:$0x3FAE]  }
0x2d: {  	s3 =	simm.s32 $0x108;
	s8 =	sld [smem:$0x3FAF]  }
0x2e: {  	s3 =	simm.s32 @!p0 $0x1082;
	s9 =	sld [smem:$0x3FB0]  }
0x2f: {  	lr =	sadd.s32 s0, s3;
	s0 =	sld [smem:$0x3FA7]  }
0x30: {  	s3 =	sld [smem:$0x3FAA]  }
0x31: {  	[smem:$0x3FB3] =	sst s10  }
0x32: {  	s10 =	sld [smem:$0x3FB1];
	_ =	sdelay $0x3  }
0x33: {  	p0 =	seq.s32 s10, $0x1;
	s10 =	sld [smem:$0x3FB3];
	_ =	sdelay $0x3  }
0x34: {  	[smem:$0x3FB3] =	sst s10  }
0x35: {  	s10 =	sld [smem:$0x3FB2];
	_ =	sdelay $0x3  }
0x36: {  	p1 =	seq.s32 s10, $0x1;
	s10 =	sld [smem:$0x3FB3];
	_ =	sdelay $0x3  }
0x37: {  	[smem:$0x3FB3] =	sst s10  }
0x38: {  	s10 =	sld [smem:$0x3FB4]  }
0x39: {  	_ = 	snop;
	(pc) =	sbr.ind lr, $3  }
0x3a: {  	_ = 	snop  }
0x3b: {  	_ = 	snop  }
0x3c: {  	p2 =	seq.s32 s10, $0x1;
	s10 =	sld [smem:$0x3FB3]  }
0x3d: {  	_ =	shalt  }
0x3e: {  	_ =	shalt  }
0x3f: {  	_ =	shalt  }
0x40: {  	_ =	shalt  }
0x41: {  	_ =	shalt  }
0x42: {  	_ =	shalt  }
0x43: {  	_ =	shalt  }
0x44: {  	_ =	shalt  }
0x45: {  	_ =	shalt  }
0x46: {  	_ =	shalt  }
0x47: {  	_ =	shalt  }
0x48: {  	_ =	shalt  }
0x49: {  	_ =	shalt  }
0x4a: {  	_ =	shalt  }
0x4b: {  	_ =	shalt  }
0x4c: {  	_ =	shalt  }
0x4d: {  	_ =	shalt  }
0x4e: {  	_ =	shalt  }
0x4f: {  	_ =	shalt  }
0x50: {  	_ =	shalt  }
0x51: {  	_ =	shalt  }
0x52: {  	_ =	shalt  }
0x53: {  	_ =	shalt  }
0x54: {  	_ =	shalt  }
0x55: {  	_ =	shalt  }
0x56: {  	_ =	shalt  }
0x57: {  	_ =	shalt  }
0x58: {  	_ =	shalt  }
0x59: {  	_ =	shalt  }
0x5a: {  	_ =	shalt  }
0x5b: {  	_ =	shalt  }
0x5c: {  	_ =	shalt  }
0x5d: {  	_ =	shalt  }
0x5e: {  	_ =	shalt  }
0x5f: {  	_ =	shalt  }
0x60: {  	_ =	shalt  }
0x61: {  	_ =	shalt  }
0x62: {  	_ =	shalt  }
0x63: {  	_ =	shalt  }
0x64: {  	_ =	shalt  }
0x65: {  	_ =	shalt  }
0x66: {  	_ =	shalt  }
0x67: {  	_ =	shalt  }
0x68: {  	_ =	shalt  }
0x69: {  	_ =	shalt  }
0x6a: {  	_ =	shalt  }
0x6b: {  	_ =	shalt  }
0x6c: {  	_ =	shalt  }
0x6d: {  	_ =	shalt  }
0x6e: {  	_ =	shalt  }
0x6f: {  	_ =	shalt  }
0x70: {  	_ =	shalt  }
0x71: {  	_ =	shalt  }
0x72: {  	_ =	shalt  }
0x73: {  	_ =	shalt  }
0x74: {  	_ =	shalt  }
0x75: {  	_ =	shalt  }
0x76: {  	_ =	shalt  }
0x77: {  	_ =	shalt  }
0x78: {  	_ =	shalt  }
0x79: {  	_ =	shalt  }
0x7a: {  	_ =	shalt  }
0x7b: {  	_ =	shalt  }
0x7c: {  	_ =	shalt  }
0x7d: {  	_ =	shalt  }
0x7e: {  	_ =	shalt  }
0x7f: {  	_ =	shalt  }
0x80: {  	_ =	shalt  }
0x81: {  	_ =	shalt  }
0x82: {  	_ =	shalt  }
0x83: {  	_ =	shalt  }
0x84: {  	_ =	shalt  }
0x85: {  	_ =	shalt  }
0x86: {  	_ =	shalt  }
0x87: {  	_ =	shalt  }
.Lfunc_end0:
.L_simem_size_0:
called_computation.1_lowered:
.L_overlay_start_0:
0x88: {  	s2 =	sld [smem:$0x3FD9]  }
0x89: {  	s3 =	sld [smem:$0x3FFE];
	_ =	sdelay $0x1  }
0x8a: {  	s1 =	srdreg.scid  }
0x8b: {  	s0 =	sand.u32 $0x1, s1  }
0x8c: {  	s16 =	sshll.u32 s0, $0xA;
	s2 =	sadd.s32 s3, s2  }
0x8d: {  	s2 =	sadd.s32 s2, s16  }
0x8e: {  	[smem:$0x3FBF] =	sst s2  }
0x8f: {  	_ = 	snop  }
0x90: {  	(tm) =	ssettm $0x1  }
0x91: {  	s17 =	sld [smem:$0x3FFB];
	_ =	sdelay $0x3  }
0x92: {  	_ =	strace s17  }
0x93: {  	s2 =	sld [smem:$0x3FFC];
	_ =	sdelay $0x3  }
0x94: {  	_ =	strace s2  }
0x95: {  	s2 =	sld [smem:$0x3FFD];
	_ =	sdelay $0x3  }
0x96: {  	_ =	strace s2  }
0x97: {  	_ =	strace $0x8FFFFFFF  }
0x98: {  	s18 =	sld [smem:$0x3FDB];
	_ =	sdelay $0x1  }
0x99: {  	s19 =	simm.s32 $_scs_section_size  }
0x9a: {  	s4 =	simm.s32 $_size__tile_overlayer_lowered;
	s5 =	simm.s32 $_tile_overlayer_lowered  }
0x9b: {  	s22 =	simm.s32 $0x1BFF;
	s21 =	sshll.u32 s5, $0x1;
	s2 =	sadd.s32 s19, s18  }
0x9c: {  	s6 =	simm.s32 $0x0;
	s20 =	sshll.u32 s4, $0x1;
	s4 =	sadd.s32 s21, s2  }
0x9d: {  	[timem:s6], [sflag:s22] =	dma.local [hbm:s4], s20  }
0x9e: {  	_ =	swait.ge [sflag:s22], s20  }
0x9f: {  	s3 =	ssub.s32 $0x0, s20;
	[sflag:s22] =	ssyncset.done $0x0  }
0xa0: {  	[sflag:s22] =	ssyncadd.s32 s3;
	_ =	sdelay $0x1  }
0xa1: {  	s23 =	simm.s32 $0x1B8B  }
0xa2: {  	_ =	swait.ge [sflag:s23], $0x1  }
0xa3: {  	[sflag:s23] =	ssyncset.done $0x0  }
0xa4: {  	s25 =	simm.s32 $0x1B8E;
	s24 =	sld [smem:$0x3FFE];
	[sflag:s23] =	ssyncadd.s32 $0xFFFFFFFF  }
0xa5: {  	s26 =	simm.s32 $execute0_lowered;
	[smem:$0x3FD2] =	sst s25  }
0xa6: {  	s4 =	sshll.u32 s26, $0x1;
	_ =	strace $0x80000049;
	[dreg:$0x1] =	wrdreg $0xFFFFFFFF  }
0xa7: {  	s28 =	simm.s32 $_size_execute0_lowered;
	s2 =	sadd.s32 s2, s4;
	[dreg:$0x0] =	wrdreg $0x0  }
0xa8: {  	s4 =	sshll.u32 s28, $0x1;
	[dreg:$0x2] =	wrdreg s2  }
0xa9: {  	[dreg:$0x3] =	wrdreg s4  }
0xaa: {  	[dreg:$0x4] =	wrdreg $0xC0  }
0xab: {  	_ =	task [dreg:s6], $0x5FFFF  }
0xac: {  	[dreg:$0x1] =	wrdreg $0xFFFFFFFF  }
0xad: {  	[dreg:$0x0] =	wrdreg $0x60  }
0xae: {  	[dreg:$0x2] =	wrdreg s24  }
0xaf: {  	[dreg:$0x3] =	wrdreg $0x18D000  }
0xb0: {  	[dreg:$0x4] =	wrdreg $0x9  }
0xb1: {  	_ =	task.clear_ibuf [dreg:s6], $0x5FFFF;
	_ =	strace $0x90000049  }
0xb2: {  	s29 =	simm.s32 $0x9;
	_ =	strace $0x8000004B  }
0xb3: {  	_ =	swait.ge [sflag:s29], $0x1  }
0xb4: {  	[sflag:s29] =	ssyncadd.s32 $0xFFFFFFFF  }
0xb5: {  	_ =	strace $0x9000004B  }
0xb6: {  	_ =	sfence  }
0xb7: {  	s30 =	sld [smem:$0x0];
	_ =	sdelay $0x2  }
0xb8: {  	s31 =	sshll.u32 s1, $0xD;
	s1 =	sshrl.u32 s1, $0x2  }
0xb9: {  	s3 =	sand.u32 $0x4000, s31;
	s1 =	sadd.s32 s1, s30  }
0xba: {  	s0 =	sor.u32 s3, s0;
	s1 =	sshll.u32 s1, $0x11  }
0xbb: {  	s0 =	sor.u32 s1, s0  }
0xbc: {  	s0 =	sadd.s32 $0x8F2B, s0  }
0xbd: {  	[sflag:s0] =	ssyncadd.remote.s32 $0x1  }
0xbe: {  	_ =	sfence.sel $0xFFFF  }
0xbf: {  	[dreg:$0x0] =	wrdreg $0xFFFFFFFF;
	(pc) =	sbr.abs _section_cstart, $3  }
0xc0: {  	[dreg:$0x1] =	wrdreg $0xFFFFFFFF  }
0xc1: {  	_ =	task.clear_ibuf [dreg:s6], $0x2FFFF;
	_ =	strace $0x9FFFFFFF  }
0xc2: {  	(tm) =	ssettm $0x7FFFFFFF  }
0xc3: {  	_ =	shalt  }
tec
execute0_lowered:
.L_overlay_start_1:
0x0: {  	(tag) =	ssettag $0x1  }
0x1: {  	s13 =	stileid.u32;
	s0 =	rddreg [dreg:$0x0]  }
0x2: {  	s2 =	srdreg.scid;
	s8 =	rddreg [dreg:$0x1];
	s28 =	simm.s32 $0x3  }
0x3: {  	s29 =	simm.s32 $0x4;
	s1 =	smul.u32 $0x5000, s13;
	s5 =	sand.u32 $0x7, s13  }
0x4: {  	s31 =	simm.s32 $0x0;
	s17 =	sshrl.u32 s13, $0x3;
	s3 =	smul.u32 $0xA000, s5  }
0x5: {  	s7 =	sand.u32 $0x1, s2;
	s2 =	simm.s32 $0x0;
	s4 =	smul.u32 $0x5000, s17  }
0x6: {  	s21 =	sshll.u32 s13, $0x6;
	s6 =	smul.u32 $0x50000, s7;
	[smem:$0x7FF] =	sst s2  }
0x7: {  	s19 =	ssub.s32 $0x2, s7;
	s12 =	sshll.u32 s7, $0x1;
	s5 =	smul.u32 $0x28000, s5  }
0x8: {  	s22 =	sshll.u32 s7, $0x4;
	s23 =	smul.u32 $0xA0000, s7;
	p0 =	sne.s32 s17, $0x0  }
0x9: {  	_ =	strace $0x8000004A;
	s16 =	sshrl.u32 s1, $0x3;
	s11 =	sshrl.u32 s19, $0x1  }
0xa: {  	s20 =	sor.u32 s17, s12;
	s1 =	sadd.s32 s1, s8;
	s24 =	sor.u32 s13, s22  }
0xb: {  	s22 =	simm.s32 $0x7680;
	s9 =	sadd.s32 s4, s3;
	s18 =	sadd.s32 s16, s0  }
0xc: {  	s3 =	sadd.s32 $0x3000, s0;
	s16 =	ssub.s32 s19, s11;
	s7 =	smul.u32 $0x13C00, s20  }
0xd: {  	s5 =	sshrl.u32 s5, $0x2;
	s25 =	smul.u32 $0x1400, s24;
	s17 =	sshrl.u32 s1, $0x3  }
0xe: {  	s19 =	simm.s32 $0xED00;
	s20 =	simm.s32 $0x2780;
	s24 =	simm.s32 $0xC580  }
0xf: {  	s4 =	sadd.s32 s6, s9;
	s6 =	sadd.s32 $0x20A00, s18;
	s8 =	sadd.s32 s5, s8  }
0x10: {  	s26 =	sadd.s32 s23, s9;
	s16 =	smax.u32 s16, $0x1;
	s18 =	simm.s32 $0x5  }
0x11: {  	s23 =	simm.s32 $0x9E00;
	s10 =	sshrl.u32 s4, $0x3;
	s4 =	sadd.s32 $0xCE00, s0  }
0x12: {  	[dreg:$0x3] =	wrdreg s6;
	s6 =	sor.u32 $0x1C05, s21;
	s9 =	sadd.s32 $0x2800, s8  }
0x13: {  	s30 =	sshrl.u32 s26, $0x3;
	s11 =	sadd.s32 $0x7800, s8;
	s21 =	simm.s32 $0x4F00  }
0x14: {  	s26 =	simm.s32 $0x2;
	s15 =	sadd.s32 s10, s0;
	s0 =	sadd.s32 $0x2AA00, s0  }
0x15: {  	s10 =	sadd.s32 $0x5000, s8;
	s12 =	sadd.s32 s0, s25;
	s13 =	sadd.s32 s0, s30  }
0x16: {  	v0 =	vimm.f32 $0.0e+00;
	s15 =	sadd.s32 $0x52A00, s15;
	s25 =	simm.s32 $0x1;
	s14 =	sadd.s32 $0xA000, s13  }
.LBB2_1:
.Ltmp0:
0x17: {  	s0 =	rddreg [dreg:$0x3];
	(pc) =	sbr.rel @!p0 .LBB2_2-.Ltmp0, $4  }
0x18: {  	[spmem:s17], [sflag:s6] =	dma.local [hbm:s0], $0xA00  }
0x19: {  	_ =	swait.ge [sflag:s18], $0xA00  }
0x1a: {  	[sflag:s18] =	ssyncset.done $0x0  }
0x1b: {  	[sflag:s18] =	ssyncadd.s32 $0xFFFFF600  }
0x1c: {  	s0 =	simm.s32 $0x40;
	s1 =	simm.s32 $0x0  }
.LBB2_4:
0x1d: {  	p1 =	sne.s32 s0, $0x27FC0;
	[tilespmem:s1+$0xED00] =	vst v0;
	s1 =	smov.u32 s0;
	s0 =	sadd.s32 $0x40, s0  }
.Ltmp1:
0x1e: {  	(pc) =	sbr.rel @p1 .LBB2_4-.Ltmp1, $2  }
0x1f: {  	_ =	sdelay $0x2  }
0x20: {  	s1 =	sshra.s32 s1, $0x2  }
.Ltmp2:
0x21: {  	(pc) =	sbr.rel .LBB2_6-.Ltmp2, $3  }
0x22: {  	_ = 	snop  }
0x23: {  	[tilespmem:s1+$0xED00] =	vst v0  }
0x24: {  	[bflag:$0x0] =	sbarrier.arrive $0xFFFF;
	_ =	sdelay $0x1  }
.LBB2_2:
0x25: {  	[bflag:$0x0] =	sbarrier.arrive $0xFFFF  }
0x26: {  	[tilespmem:s19], [sflag:$0x5] =	stream.linear.gather [spmem:s8], $0xA000, $0x38;
	[tilespmem:$0x1DD00] =	vst v63  }
0x27: {  	_ =	swait.ge [sflag:s18], $0xA000  }
0x28: {  	[sflag:s18] =	ssyncset.done $0x0  }
0x29: {  	[sflag:s18] =	ssyncadd.s32 $0xFFFF6000  }
.LBB2_6:
0x2a: {  	s1 =	simm.s32 $0x0  }
.LBB2_7:
0x2b: {  	s0 =	smul.u32 $0x2780, s1;
	_ =	sdelay $0x1  }
0x2c: {  	s0 =	sadd.s32 s7, s0  }
0x2d: {  	s0 =	sshrl.u32 s0, $0x3  }
0x2e: {  	s5 =	sadd.s32 s3, s0  }
0x2f: {  	[tilespmem:s2], [sflag:$0x5] =	stream.linear.gather [hbm4b:s5+s2], $0x2780, $0x38;
	[tilespmem:$0x1DD00] =	vst v63  }
0x30: {  	_ =	swait.ge [sflag:s18], $0x2780  }
0x31: {  	[sflag:s18] =	ssyncset.done $0x0  }
0x32: {  	s0 =	sadd.s32 s4, s0;
	[sflag:s18] =	ssyncadd.s32 $0xFFFFD880  }
0x33: {  	[tilespmem:s20], [sflag:$0x5] =	stream.linear.gather [hbm4b:s0+s2], $0x2780, $0x38;
	[tilespmem:$0x1DD00] =	vst v63  }
0x34: {  	_ =	swait.ge [sflag:s18], $0x2780  }
0x35: {  	[sflag:s18] =	ssyncset.done $0x0  }
0x36: {  	[sflag:s18] =	ssyncadd.s32 $0xFFFFD880  }
0x37: {  	[tilespmem:s21], [sflag:$0x1] =	stream.indirect.gather [spmem:s8], $0x1, s2, s20, $0xb8;
	[tilespmem:$0x1DD00] =	vst v63  }
0x38: {  	_ = 	snop  }
0x39: {  	[tilespmem:s22], [sflag:$0x2] =	stream.indirect.gather [spmem:s9], $0x1, s2, s20, $0xb8;
	[tilespmem:$0x1DD00] =	vst v63  }
0x3a: {  	_ = 	snop  }
0x3b: {  	[tilespmem:s23], [sflag:$0x3] =	stream.indirect.gather [spmem:s10], $0x1, s2, s20, $0xb8;
	[tilespmem:$0x1DD00] =	vst v63  }
0x3c: {  	_ = 	snop  }
0x3d: {  	[tilespmem:s24], [sflag:$0x4] =	stream.indirect.gather [spmem:s11], $0x1, s2, s20, $0xb8;
	[tilespmem:$0x1DD00] =	vst v63  }
0x3e: {  	_ =	swait.ge [sflag:s25], $0x2780  }
0x3f: {  	s30 =	simm.s32 $0x4F40;
	[sflag:s25] =	ssyncset.done $0x0  }
0x40: {  	s5 =	simm.s32 $0x27C0;
	s0 =	simm.s32 $0xFFFFFFF8;
	[sflag:s25] =	ssyncadd.s32 $0xFFFFD880  }
.LBB2_8:
0x41: {  	v1 =	vld [tilespmem:s5+$0xFFFFFFC0];
	_ =	sdelay $0x2  }
0x42: {  	v2 =	vld [tilespmem:s30+$0xFFFFFFC0];
	_ =	sdelay $0x4  }
0x43: {  	[tilespmem:v1+s19+$0x0] =	vst.idx.add.f32.msk $0xffff, v2  }
0x44: {  	v1 =	vld [tilespmem:s5+$0xFFFFFFD0];
	_ =	sdelay $0x2  }
0x45: {  	v2 =	vld [tilespmem:s30+$0xFFFFFFD0];
	_ =	sdelay $0x4  }
0x46: {  	[tilespmem:v1+s19+$0x0] =	vst.idx.add.f32.msk $0xffff, v2  }
0x47: {  	v1 =	vld [tilespmem:s5+$0xFFFFFFE0];
	_ =	sdelay $0x2  }
0x48: {  	v2 =	vld [tilespmem:s30+$0xFFFFFFE0];
	_ =	sdelay $0x4  }
0x49: {  	[tilespmem:v1+s19+$0x0] =	vst.idx.add.f32.msk $0xffff, v2  }
0x4a: {  	v1 =	vld [tilespmem:s5+$0xFFFFFFF0];
	_ =	sdelay $0x2  }
0x4b: {  	v2 =	vld [tilespmem:s30+$0xFFFFFFF0];
	_ =	sdelay $0x4  }
0x4c: {  	[tilespmem:v1+s19+$0x0] =	vst.idx.add.f32.msk $0xffff, v2  }
0x4d: {  	v1 =	vld [tilespmem:s5+$0x0];
	_ =	sdelay $0x2  }
0x4e: {  	v2 =	vld [tilespmem:s30+$0x0];
	_ =	sdelay $0x4  }
0x4f: {  	[tilespmem:v1+s19+$0x0] =	vst.idx.add.f32.msk $0xffff, v2  }
0x50: {  	v1 =	vld [tilespmem:s5+$0x10];
	_ =	sdelay $0x2  }
0x51: {  	v2 =	vld [tilespmem:s30+$0x10];
	_ =	sdelay $0x4  }
0x52: {  	[tilespmem:v1+s19+$0x0] =	vst.idx.add.f32.msk $0xffff, v2  }
0x53: {  	v1 =	vld [tilespmem:s5+$0x20];
	_ =	sdelay $0x2  }
0x54: {  	v2 =	vld [tilespmem:s30+$0x20];
	_ =	sdelay $0x4  }
0x55: {  	[tilespmem:v1+s19+$0x0] =	vst.idx.add.f32.msk $0xffff, v2  }
0x56: {  	v1 =	vld [tilespmem:s5+$0x30];
	_ =	sdelay $0x1  }
0x57: {  	s0 =	sadd.s32 $0x8, s0  }
0x58: {  	p1 =	slt.u32 s0, $0x270;
	v2 =	vld [tilespmem:s30+$0x30]  }
.Ltmp3:
0x59: {  	_ = 	snop;
	(pc) =	sbr.rel @p1 .LBB2_8-.Ltmp3, $2  }
0x5a: {  	_ =	sdelay $0x2  }
0x5b: {  	s5 =	sadd.s32 $0x80, s5;
	s30 =	sadd.s32 $0x80, s30;
	[tilespmem:v1+s19+$0x0] =	vst.idx.add.f32.msk $0xffff, v2  }
0x5c: {  	_ =	swait.ge [sflag:s26], $0x2780  }
0x5d: {  	s0 =	simm.s32 $0xFFFFFFF8;
	[sflag:s26] =	ssyncset.done $0x0  }
0x5e: {  	s30 =	simm.s32 $0x27C0;
	s5 =	simm.s32 $0x76C0;
	[sflag:s26] =	ssyncadd.s32 $0xFFFFD880  }
.LBB2_10:
0x5f: {  	v1 =	vld [tilespmem:s30+$0xFFFFFFC0];
	_ =	sdelay $0x4  }
0x60: {  	v2 =	vld [tilespmem:s5+$0xFFFFFFC0];
	v1 =	vadd.s32 $0x2800, v1;
	_ =	sdelay $0x4  }
0x61: {  	[tilespmem:v1+s19+$0x0] =	vst.idx.add.f32.msk $0xffff, v2  }
0x62: {  	v1 =	vld [tilespmem:s30+$0xFFFFFFD0];
	_ =	sdelay $0x4  }
0x63: {  	v2 =	vld [tilespmem:s5+$0xFFFFFFD0];
	v1 =	vadd.s32 $0x2800, v1;
	_ =	sdelay $0x4  }
0x64: {  	[tilespmem:v1+s19+$0x0] =	vst.idx.add.f32.msk $0xffff, v2  }
0x65: {  	v1 =	vld [tilespmem:s30+$0xFFFFFFE0];
	_ =	sdelay $0x4  }
0x66: {  	v2 =	vld [tilespmem:s5+$0xFFFFFFE0];
	v1 =	vadd.s32 $0x2800, v1;
	_ =	sdelay $0x4  }
0x67: {  	[tilespmem:v1+s19+$0x0] =	vst.idx.add.f32.msk $0xffff, v2  }
0x68: {  	v1 =	vld [tilespmem:s30+$0xFFFFFFF0];
	_ =	sdelay $0x4  }
0x69: {  	v2 =	vld [tilespmem:s5+$0xFFFFFFF0];
	v1 =	vadd.s32 $0x2800, v1;
	_ =	sdelay $0x4  }
0x6a: {  	[tilespmem:v1+s19+$0x0] =	vst.idx.add.f32.msk $0xffff, v2  }
0x6b: {  	v1 =	vld [tilespmem:s30+$0x0];
	_ =	sdelay $0x4  }
0x6c: {  	v2 =	vld [tilespmem:s5+$0x0];
	v1 =	vadd.s32 $0x2800, v1;
	_ =	sdelay $0x4  }
0x6d: {  	[tilespmem:v1+s19+$0x0] =	vst.idx.add.f32.msk $0xffff, v2  }
0x6e: {  	v1 =	vld [tilespmem:s30+$0x10];
	_ =	sdelay $0x4  }
0x6f: {  	v2 =	vld [tilespmem:s5+$0x10];
	v1 =	vadd.s32 $0x2800, v1;
	_ =	sdelay $0x4  }
0x70: {  	[tilespmem:v1+s19+$0x0] =	vst.idx.add.f32.msk $0xffff, v2  }
0x71: {  	v1 =	vld [tilespmem:s30+$0x20];
	_ =	sdelay $0x4  }
0x72: {  	v2 =	vld [tilespmem:s5+$0x20];
	v1 =	vadd.s32 $0x2800, v1;
	_ =	sdelay $0x4  }
0x73: {  	[tilespmem:v1+s19+$0x0] =	vst.idx.add.f32.msk $0xffff, v2  }
0x74: {  	v1 =	vld [tilespmem:s30+$0x30];
	_ =	sdelay $0x3  }
0x75: {  	s0 =	sadd.s32 $0x8, s0  }
0x76: {  	p1 =	slt.u32 s0, $0x270;
	v2 =	vld [tilespmem:s5+$0x30];
	v1 =	vadd.s32 $0x2800, v1  }
.Ltmp4:
0x77: {  	_ = 	snop;
	(pc) =	sbr.rel @p1 .LBB2_10-.Ltmp4, $2  }
0x78: {  	_ =	sdelay $0x2  }
0x79: {  	s30 =	sadd.s32 $0x80, s30;
	s5 =	sadd.s32 $0x80, s5;
	[tilespmem:v1+s19+$0x0] =	vst.idx.add.f32.msk $0xffff, v2  }
0x7a: {  	_ =	swait.ge [sflag:s28], $0x2780  }
0x7b: {  	s0 =	simm.s32 $0xFFFFFFF8;
	[sflag:s28] =	ssyncset.done $0x0  }
0x7c: {  	s30 =	simm.s32 $0x27C0;
	s5 =	simm.s32 $0x9E40;
	[sflag:s28] =	ssyncadd.s32 $0xFFFFD880  }
.LBB2_12:
0x7d: {  	v1 =	vld [tilespmem:s30+$0xFFFFFFC0];
	_ =	sdelay $0x4  }
0x7e: {  	v2 =	vld [tilespmem:s5+$0xFFFFFFC0];
	v1 =	vadd.s32 $0x5000, v1;
	_ =	sdelay $0x4  }
0x7f: {  	[tilespmem:v1+s19+$0x0] =	vst.idx.add.f32.msk $0xffff, v2  }
0x80: {  	v1 =	vld [tilespmem:s30+$0xFFFFFFD0];
	_ =	sdelay $0x4  }
0x81: {  	v2 =	vld [tilespmem:s5+$0xFFFFFFD0];
	v1 =	vadd.s32 $0x5000, v1;
	_ =	sdelay $0x4  }
0x82: {  	[tilespmem:v1+s19+$0x0] =	vst.idx.add.f32.msk $0xffff, v2  }
0x83: {  	v1 =	vld [tilespmem:s30+$0xFFFFFFE0];
	_ =	sdelay $0x4  }
0x84: {  	v2 =	vld [tilespmem:s5+$0xFFFFFFE0];
	v1 =	vadd.s32 $0x5000, v1;
	_ =	sdelay $0x4  }
0x85: {  	[tilespmem:v1+s19+$0x0] =	vst.idx.add.f32.msk $0xffff, v2  }
0x86: {  	v1 =	vld [tilespmem:s30+$0xFFFFFFF0];
	_ =	sdelay $0x4  }
0x87: {  	v2 =	vld [tilespmem:s5+$0xFFFFFFF0];
	v1 =	vadd.s32 $0x5000, v1;
	_ =	sdelay $0x4  }
0x88: {  	[tilespmem:v1+s19+$0x0] =	vst.idx.add.f32.msk $0xffff, v2  }
0x89: {  	v1 =	vld [tilespmem:s30+$0x0];
	_ =	sdelay $0x4  }
0x8a: {  	v2 =	vld [tilespmem:s5+$0x0];
	v1 =	vadd.s32 $0x5000, v1;
	_ =	sdelay $0x4  }
0x8b: {  	[tilespmem:v1+s19+$0x0] =	vst.idx.add.f32.msk $0xffff, v2  }
0x8c: {  	v1 =	vld [tilespmem:s30+$0x10];
	_ =	sdelay $0x4  }
0x8d: {  	v2 =	vld [tilespmem:s5+$0x10];
	v1 =	vadd.s32 $0x5000, v1;
	_ =	sdelay $0x4  }
0x8e: {  	[tilespmem:v1+s19+$0x0] =	vst.idx.add.f32.msk $0xffff, v2  }
0x8f: {  	v1 =	vld [tilespmem:s30+$0x20];
	_ =	sdelay $0x4  }
0x90: {  	v2 =	vld [tilespmem:s5+$0x20];
	v1 =	vadd.s32 $0x5000, v1;
	_ =	sdelay $0x4  }
0x91: {  	[tilespmem:v1+s19+$0x0] =	vst.idx.add.f32.msk $0xffff, v2  }
0x92: {  	v1 =	vld [tilespmem:s30+$0x30];
	_ =	sdelay $0x3  }
0x93: {  	s0 =	sadd.s32 $0x8, s0  }
0x94: {  	p1 =	slt.u32 s0, $0x270;
	v2 =	vld [tilespmem:s5+$0x30];
	v1 =	vadd.s32 $0x5000, v1  }
.Ltmp5:
0x95: {  	_ = 	snop;
	(pc) =	sbr.rel @p1 .LBB2_12-.Ltmp5, $2  }
0x96: {  	_ =	sdelay $0x2  }
0x97: {  	s30 =	sadd.s32 $0x80, s30;
	s5 =	sadd.s32 $0x80, s5;
	[tilespmem:v1+s19+$0x0] =	vst.idx.add.f32.msk $0xffff, v2  }
0x98: {  	_ =	swait.ge [sflag:s29], $0x2780  }
0x99: {  	s0 =	simm.s32 $0xFFFFFFF8;
	[sflag:s29] =	ssyncset.done $0x0  }
0x9a: {  	s30 =	simm.s32 $0x27C0;
	s5 =	simm.s32 $0xC5C0;
	[sflag:s29] =	ssyncadd.s32 $0xFFFFD880  }
.LBB2_14:
0x9b: {  	v1 =	vld [tilespmem:s30+$0xFFFFFFC0];
	_ =	sdelay $0x4  }
0x9c: {  	v2 =	vld [tilespmem:s5+$0xFFFFFFC0];
	v1 =	vadd.s32 $0x7800, v1;
	_ =	sdelay $0x4  }
0x9d: {  	[tilespmem:v1+s19+$0x0] =	vst.idx.add.f32.msk $0xffff, v2  }
0x9e: {  	v1 =	vld [tilespmem:s30+$0xFFFFFFD0];
	_ =	sdelay $0x4  }
0x9f: {  	v2 =	vld [tilespmem:s5+$0xFFFFFFD0];
	v1 =	vadd.s32 $0x7800, v1;
	_ =	sdelay $0x4  }
0xa0: {  	[tilespmem:v1+s19+$0x0] =	vst.idx.add.f32.msk $0xffff, v2  }
0xa1: {  	v1 =	vld [tilespmem:s30+$0xFFFFFFE0];
	_ =	sdelay $0x4  }
0xa2: {  	v2 =	vld [tilespmem:s5+$0xFFFFFFE0];
	v1 =	vadd.s32 $0x7800, v1;
	_ =	sdelay $0x4  }
0xa3: {  	[tilespmem:v1+s19+$0x0] =	vst.idx.add.f32.msk $0xffff, v2  }
0xa4: {  	v1 =	vld [tilespmem:s30+$0xFFFFFFF0];
	_ =	sdelay $0x4  }
0xa5: {  	v2 =	vld [tilespmem:s5+$0xFFFFFFF0];
	v1 =	vadd.s32 $0x7800, v1;
	_ =	sdelay $0x4  }
0xa6: {  	[tilespmem:v1+s19+$0x0] =	vst.idx.add.f32.msk $0xffff, v2  }
0xa7: {  	v1 =	vld [tilespmem:s30+$0x0];
	_ =	sdelay $0x4  }
0xa8: {  	v2 =	vld [tilespmem:s5+$0x0];
	v1 =	vadd.s32 $0x7800, v1;
	_ =	sdelay $0x4  }
0xa9: {  	[tilespmem:v1+s19+$0x0] =	vst.idx.add.f32.msk $0xffff, v2  }
0xaa: {  	v1 =	vld [tilespmem:s30+$0x10];
	_ =	sdelay $0x4  }
0xab: {  	v2 =	vld [tilespmem:s5+$0x10];
	v1 =	vadd.s32 $0x7800, v1;
	_ =	sdelay $0x4  }
0xac: {  	[tilespmem:v1+s19+$0x0] =	vst.idx.add.f32.msk $0xffff, v2  }
0xad: {  	v1 =	vld [tilespmem:s30+$0x20];
	_ =	sdelay $0x4  }
0xae: {  	v2 =	vld [tilespmem:s5+$0x20];
	v1 =	vadd.s32 $0x7800, v1;
	_ =	sdelay $0x4  }
0xaf: {  	[tilespmem:v1+s19+$0x0] =	vst.idx.add.f32.msk $0xffff, v2  }
0xb0: {  	v1 =	vld [tilespmem:s30+$0x30];
	_ =	sdelay $0x3  }
0xb1: {  	s0 =	sadd.s32 $0x8, s0  }
0xb2: {  	p1 =	slt.u32 s0, $0x270;
	v2 =	vld [tilespmem:s5+$0x30];
	v1 =	vadd.s32 $0x7800, v1  }
.Ltmp6:
0xb3: {  	_ = 	snop;
	(pc) =	sbr.rel @p1 .LBB2_14-.Ltmp6, $2  }
0xb4: {  	_ =	sdelay $0x2  }
0xb5: {  	s30 =	sadd.s32 $0x80, s30;
	s5 =	sadd.s32 $0x80, s5;
	[tilespmem:v1+s19+$0x0] =	vst.idx.add.f32.msk $0xffff, v2  }
0xb6: {  	s1 =	sadd.s32 $0x1, s1  }
0xb7: {  	p1 =	sne.s32 s1, $0x8  }
.Ltmp7:
0xb8: {  	_ = 	snop;
	(pc) =	sbr.rel @p1 .LBB2_7-.Ltmp7, $1  }
0xb9: {  	_ =	sdelay $0x3  }
0xba: {  	s1 =	simm.s32 $0xED00  }
0xbb: {  	[hbm4b:s12+s2] =	stream.linear.scatter [tilespmem:s1], [sflag:$0x5], $0xA000, $0x38;
	[tilespmem:$0x1DD00] =	vst v63  }
0xbc: {  	_ =	swait.ge [sflag:s18], $0xA000  }
0xbd: {  	[sflag:s18] =	ssyncset.done $0x0  }
0xbe: {  	[sflag:s18] =	ssyncadd.s32 $0xFFFF6000  }
0xbf: {  	[bflag:$0x0] =	sbarrier.arrive $0xFFFF  }
0xc0: {  	[tilespmem:s1], [sflag:$0x5] =	stream.linear.gather [hbm4b:s13+s2], $0x5000, $0x38;
	[tilespmem:$0x1DD00] =	vst v63  }
0xc1: {  	_ =	swait.ge [sflag:s18], $0x5000  }
0xc2: {  	[sflag:s18] =	ssyncset.done $0x0  }
0xc3: {  	s0 =	simm.s32 $0x13D00;
	[sflag:s18] =	ssyncadd.s32 $0xFFFFB000  }
0xc4: {  	[tilespmem:s0], [sflag:$0x5] =	stream.linear.gather [hbm4b:s14+s2], $0x5000, $0x38;
	[tilespmem:$0x1DD00] =	vst v63  }
0xc5: {  	_ =	swait.ge [sflag:s18], $0x5000  }
0xc6: {  	[sflag:s18] =	ssyncset.done $0x0  }
0xc7: {  	[sflag:s18] =	ssyncadd.s32 $0xFFFFB000  }
0xc8: {  	v1 =	vld [tilespmem:s1+$0x5000]  }
0xc9: {  	v15 =	vld [tilespmem:s1+$0x5030]  }
0xca: {  	v2 =	vld [tilespmem:s1+$0x5040]  }
0xcb: {  	v16 =	vld [tilespmem:s1+$0x30]  }
0xcc: {  	v5 =	vld [tilespmem:s1+$0x5020]  }
0xcd: {  	v3 =	vld [tilespmem:s1+$0x5050]  }
0xce: {  	v6 =	vld [tilespmem:s1+$0x10]  }
0xcf: {  	v4 =	vld [tilespmem:s1+$0x5070]  }
0xd0: {  	v11 =	vld [tilespmem:s1+$0x5060]  }
0xd1: {  	v7 =	vld [tilespmem:s1+$0x70]  }
0xd2: {  	v8 =	vld [tilespmem:s1+$0x50]  }
0xd3: {  	v12 =	vld [tilespmem:s1+$0x60]  }
0xd4: {  	v14 =	vld [tilespmem:s1+$0x20]  }
0xd5: {  	v13 =	vld [tilespmem:s1+$0x5010]  }
0xd6: {  	v9 =	vld [tilespmem:s1+$0x40]  }
0xd7: {  	s30 =	simm.s32 $0xED80;
	s0 =	simm.s32 $0x0;
	v10 =	vld [tilespmem:s1+$0x0];
	v15 =	vadd.f32 v15, v16  }
.LBB2_17:
0xd8: {  	v16 =	vld [tilespmem:s30+$0x5000];
	s0 =	sadd.s32 $0x8, s0  }
0xd9: {  	v17 =	vld [tilespmem:s30+$0x5030];
	p1 =	slt.u32 s0, $0x4F8;
	v14 =	vadd.f32 v5, v14;
	[tilespmem:s1+$0x30] =	vst v15;
	v5 =	vadd.f32 v11, v12  }
0xda: {  	v11 =	vld [tilespmem:s30+$0x5040];
	v6 =	vadd.f32 v13, v6  }
0xdb: {  	v8 =	vadd.f32 v3, v8;
	v7 =	vadd.f32 v4, v7;
	v15 =	vld [tilespmem:s30+$0x30];
	[tilespmem:s1+$0x60] =	vst v5  }
0xdc: {  	v9 =	vadd.f32 v2, v9;
	v5 =	vld [tilespmem:s30+$0x5020];
	[tilespmem:s1+$0x20] =	vst v14  }
0xdd: {  	v3 =	vld [tilespmem:s30+$0x5050];
	[tilespmem:s1+$0x10] =	vst v6  }
0xde: {  	v10 =	vadd.f32 v1, v10;
	v1 =	vmov v16;
	v6 =	vld [tilespmem:s30+$0x10];
	[tilespmem:s1+$0x50] =	vst v8  }
0xdf: {  	v4 =	vld [tilespmem:s30+$0x5070];
	[tilespmem:s1+$0x70] =	vst v7;
	v2 =	vmov v11  }
0xe0: {  	v11 =	vld [tilespmem:s30+$0x5060];
	[tilespmem:s1+$0x0] =	vst v10  }
0xe1: {  	v7 =	vld [tilespmem:s30+$0x70];
	[tilespmem:s1+$0x40] =	vst v9;
	s1 =	smov.u32 s30  }
0xe2: {  	v8 =	vld [tilespmem:s30+$0x50]  }
.Ltmp8:
0xe3: {  	v12 =	vld [tilespmem:s30+$0x60];
	(pc) =	sbr.rel @p1 .LBB2_17-.Ltmp8, $4  }
0xe4: {  	v14 =	vld [tilespmem:s30+$0x20]  }
0xe5: {  	v13 =	vld [tilespmem:s30+$0x5010]  }
0xe6: {  	v9 =	vld [tilespmem:s30+$0x40]  }
0xe7: {  	v15 =	vadd.f32 v17, v15;
	s30 =	sadd.s32 $0x80, s30;
	v10 =	vld [tilespmem:s1+$0x0]  }
0xe8: {  	v11 =	vadd.f32 v11, v12  }
0xe9: {  	v3 =	vadd.f32 v3, v8;
	[tilespmem:s1+$0x30] =	vst v15  }
0xea: {  	v4 =	vadd.f32 v4, v7;
	[tilespmem:s1+$0x60] =	vst v11  }
0xeb: {  	v5 =	vadd.f32 v5, v14;
	[tilespmem:s1+$0x50] =	vst v3  }
0xec: {  	v6 =	vadd.f32 v13, v6;
	[tilespmem:s1+$0x70] =	vst v4  }
0xed: {  	[tilespmem:s1+$0x20] =	vst v5;
	v2 =	vadd.f32 v2, v9  }
0xee: {  	s31 =	sadd.s32 $0x1, s31;
	[tilespmem:s1+$0x10] =	vst v6;
	v1 =	vadd.f32 v1, v10  }
0xef: {  	p1 =	sne.s32 s31, s16;
	[tilespmem:s1+$0x40] =	vst v2  }
.Ltmp9:
0xf0: {  	[tilespmem:s1+$0x0] =	vst v1;
	(pc) =	sbr.rel @p1 .LBB2_1-.Ltmp9, $4  }
0xf1: {  	[hbm4b:s15+s2] =	stream.linear.scatter [tilespmem:s19], [sflag:$0x5], $0x5000, $0x38;
	[tilespmem:$0x1DD00] =	vst v63  }
0xf2: {  	_ =	swait.ge [sflag:s18], $0x5000  }
0xf3: {  	[sflag:s18] =	ssyncset.done $0x0  }
0xf4: {  	[sflag:s18] =	ssyncadd.s32 $0xFFFFB000  }
0xf5: {  	_ =	sfence.sel $0x180000  }
0xf6: {  	[bflag:$0x0] =	sbarrier.arrive $0xFFFF  }
0xf7: {  	_ =	strace $0x9000004A  }
0xf8: {  	s0 =	stileid.u32;
	[bflag:$0x2] =	sbarrier.arrive $0xFFFF  }
0xf9: {  	p0 =	sne.s32 s0, $0x0;
	s0 =	rddreg [dreg:$0x2]  }
0xfa: {  	s0 =	sadd.s32 @!p0 $0x100000, s0  }
0xfb: {  	[sflag:s0] =	ssyncadd.tile.s32 @!p0 $0x1;
	_ =	shalt  }
.Lfunc_end2:
_tile_overlayer_lowered:
.L_overlay_start_2:
0xfc: {  	(tag) =	ssettag $0x2  }
0xfd: {  	s0 =	rddreg [dreg:$0x0];
	s2 =	stileid.u32  }
0xfe: {  	s1 =	rddreg [dreg:$0x1];
	p0 =	sne.s32 s2, $0x0  }
0xff: {  	s3 =	rddreg [dreg:$0x2];
	[bflag:$0x3] =	sbarrier.arrive $0xFFFF;
	s2 =	simm.s32 @!p0 $0x1C05  }
0x100: {  	[timem:s3], [sflag:s2] =	dma.local @!p0 [hbm:s0], s1  }
0x101: {  	s0 =	simm.s32 @!p0 $0x5  }
0x102: {  	_ =	swait.ge @!p0 [sflag:s0], s1  }
0x103: {  	s1 =	ssub.s32 @!p0 $0x0, s1;
	[sflag:s0] =	ssyncset.done @!p0 $0x0  }
0x104: {  	[sflag:s0] =	ssyncadd.s32 @!p0 s1  }
0x105: {  	[bflag:$0x3] =	sbarrier.arrive $0xFFFF  }
0x106: {  	_ =	shalt  }

// kernel: kernel.16.cloned.1.call-start
scs
__scs_entry_jumppad:
0x0: {  	(pc) =	sbr.rel $0x88, $3  }
0x1: {  	(tag) =	ssettag $0x0;
	lr =	simm.s32 $0x1  }
0x2: {  	[smem:$0x3F98] =	sst lr;
	_ =	strace $0xD0000000  }
0x3: {  	_ = 	snop  }
0x4: {  	_ = 	snop  }
0x5: {  	_ = 	snop  }
0x6: {  	_ = 	snop  }
0x7: {  	_ = 	snop  }
__scs_overlays_trampoline_lowered:
0x8: {  	[smem:$0x3FA7] =	sst s0  }
0x9: {  	[smem:$0x3FA8] =	sst s1  }
0xa: {  	[smem:$0x3FA9] =	sst s2  }
0xb: {  	[smem:$0x3FAA] =	sst s3  }
0xc: {  	[smem:$0x3FAB] =	sst s4  }
0xd: {  	[smem:$0x3FAC] =	sst s5  }
0xe: {  	[smem:$0x3FAD] =	sst s6  }
0xf: {  	[smem:$0x3FAE] =	sst s7  }
0x10: {  	[smem:$0x3FAF] =	sst s8  }
0x11: {  	[smem:$0x3FB0] =	sst s9;
	s0 =	simm.s32 @!p0 $0x0  }
0x12: {  	s1 =	sld [smem:$0x3F96];
	s0 =	simm.s32 @p0 $0x1  }
0x13: {  	[smem:$0x3FB1] =	sst s0;
	s0 =	simm.s32 @!p1 $0x0  }
0x14: {  	s2 =	sld [smem:$0x3F95];
	s0 =	simm.s32 @p1 $0x1  }
0x15: {  	[smem:$0x3FB2] =	sst s0;
	s0 =	simm.s32 @!p2 $0x0  }
0x16: {  	s3 =	sld [smem:$0x3FDB];
	s0 =	simm.s32 @p2 $0x1  }
0x17: {  	s4 =	simm.s32 $0x1BF5;
	[smem:$0x3FB4] =	sst s0  }
0x18: {  	s0 =	sld [smem:$0x3F97];
	_ =	swait.ge [sflag:s4], $0x0  }
0x19: {  	s7 =	sld [smem:$0x3F98]  }
0x1a: {  	s8 =	sadd.s32 $0xFFFFE003, lr  }
0x1b: {  	s9 =	sadd.s32 $0xFFFFFEF7, lr;
	s5 =	simm.s32 $0xFFFFFFFF;
	p2 =	slt.u32 s8, $0xFFFFF086  }
0x1c: {  	p1 =	slt.u32 s9, $0xF7A;
	s5 =	simm.s32 @!p2 $0x0  }
0x1d: {  	s5 =	simm.s32 @p1 $0x1;
	p0 =	seq.s32 s7, s2  }
0x1e: {  	s7 =	smul.u32 @!p0 $0xF7A, s2;
	p2 =	seq.s32 @!p0 s5, $0x0  }
0x1f: {  	s9 =	smul.u32 $0xF7A, s1;
	s8 =	simm.s32 @!p0 $0x1BF5;
	p2 =	por !p2, p0  }
0x20: {  	[sflag:s8] =	ssyncset.s32 @!p0 $0xFFFFF086;
	s6 =	sadd.s32 @!p0 s3, s7;
	s7 =	simm.s32 @!p0 $0x108  }
0x21: {  	s3 =	sadd.s32 s3, s9;
	s6 =	sadd.s32 @!p0 $0x88, s6;
	s7 =	simm.s32 @p2 $0x1082  }
0x22: {  	[simem:s7], [sflag:s8] =	dma.local @!p0 [hbm:s6], $0xF7A  }
0x23: {  	s9 =	sor.u32 $0xD0000000, s2;
	s6 =	simm.s32 $0x108;
	_ =	swait.ge @!p0 [sflag:s8], $0x0  }
0x24: {  	s3 =	sadd.s32 $0x88, s3;
	s6 =	simm.s32 @!p1 $0x1082;
	[sflag:s4] =	ssyncset.s32 $0xFFFFF086  }
0x25: {  	[simem:s6], [sflag:s4] =	dma.local [hbm:s3], $0xF7A  }
0x26: {  	[smem:$0x3F98] =	sst s1;
	(tag) =	ssettag s2;
	_ =	strace s9  }
0x27: {  	s1 =	sld [smem:$0x3FA8]  }
0x28: {  	s2 =	sld [smem:$0x3FA9]  }
0x29: {  	s4 =	sld [smem:$0x3FAB]  }
0x2a: {  	p0 =	seq.s32 s5, $0x0;
	s5 =	sld [smem:$0x3FAC]  }
0x2b: {  	s6 =	sld [smem:$0x3FAD]  }
0x2c: {  	s7 =	sld [smem:$0x3FAE]  }
0x2d: {  	s3 =	simm.s32 $0x108;
	s8 =	sld [smem:$0x3FAF]  }
0x2e: {  	s3 =	simm.s32 @!p0 $0x1082;
	s9 =	sld [smem:$0x3FB0]  }
0x2f: {  	lr =	sadd.s32 s0, s3;
	s0 =	sld [smem:$0x3FA7]  }
0x30: {  	s3 =	sld [smem:$0x3FAA]  }
0x31: {  	[smem:$0x3FB3] =	sst s10  }
0x32: {  	s10 =	sld [smem:$0x3FB1];
	_ =	sdelay $0x3  }
0x33: {  	p0 =	seq.s32 s10, $0x1;
	s10 =	sld [smem:$0x3FB3];
	_ =	sdelay $0x3  }
0x34: {  	[smem:$0x3FB3] =	sst s10  }
0x35: {  	s10 =	sld [smem:$0x3FB2];
	_ =	sdelay $0x3  }
0x36: {  	p1 =	seq.s32 s10, $0x1;
	s10 =	sld [smem:$0x3FB3];
	_ =	sdelay $0x3  }
0x37: {  	[smem:$0x3FB3] =	sst s10  }
0x38: {  	s10 =	sld [smem:$0x3FB4]  }
0x39: {  	_ = 	snop;
	(pc) =	sbr.ind lr, $3  }
0x3a: {  	_ = 	snop  }
0x3b: {  	_ = 	snop  }
0x3c: {  	p2 =	seq.s32 s10, $0x1;
	s10 =	sld [smem:$0x3FB3]  }
0x3d: {  	_ =	shalt  }
0x3e: {  	_ =	shalt  }
0x3f: {  	_ =	shalt  }
0x40: {  	_ =	shalt  }
0x41: {  	_ =	shalt  }
0x42: {  	_ =	shalt  }
0x43: {  	_ =	shalt  }
0x44: {  	_ =	shalt  }
0x45: {  	_ =	shalt  }
0x46: {  	_ =	shalt  }
0x47: {  	_ =	shalt  }
0x48: {  	_ =	shalt  }
0x49: {  	_ =	shalt  }
0x4a: {  	_ =	shalt  }
0x4b: {  	_ =	shalt  }
0x4c: {  	_ =	shalt  }
0x4d: {  	_ =	shalt  }
0x4e: {  	_ =	shalt  }
0x4f: {  	_ =	shalt  }
0x50: {  	_ =	shalt  }
0x51: {  	_ =	shalt  }
0x52: {  	_ =	shalt  }
0x53: {  	_ =	shalt  }
0x54: {  	_ =	shalt  }
0x55: {  	_ =	shalt  }
0x56: {  	_ =	shalt  }
0x57: {  	_ =	shalt  }
0x58: {  	_ =	shalt  }
0x59: {  	_ =	shalt  }
0x5a: {  	_ =	shalt  }
0x5b: {  	_ =	shalt  }
0x5c: {  	_ =	shalt  }
0x5d: {  	_ =	shalt  }
0x5e: {  	_ =	shalt  }
0x5f: {  	_ =	shalt  }
0x60: {  	_ =	shalt  }
0x61: {  	_ =	shalt  }
0x62: {  	_ =	shalt  }
0x63: {  	_ =	shalt  }
0x64: {  	_ =	shalt  }
0x65: {  	_ =	shalt  }
0x66: {  	_ =	shalt  }
0x67: {  	_ =	shalt  }
0x68: {  	_ =	shalt  }
0x69: {  	_ =	shalt  }
0x6a: {  	_ =	shalt  }
0x6b: {  	_ =	shalt  }
0x6c: {  	_ =	shalt  }
0x6d: {  	_ =	shalt  }
0x6e: {  	_ =	shalt  }
0x6f: {  	_ =	shalt  }
0x70: {  	_ =	shalt  }
0x71: {  	_ =	shalt  }
0x72: {  	_ =	shalt  }
0x73: {  	_ =	shalt  }
0x74: {  	_ =	shalt  }
0x75: {  	_ =	shalt  }
0x76: {  	_ =	shalt  }
0x77: {  	_ =	shalt  }
0x78: {  	_ =	shalt  }
0x79: {  	_ =	shalt  }
0x7a: {  	_ =	shalt  }
0x7b: {  	_ =	shalt  }
0x7c: {  	_ =	shalt  }
0x7d: {  	_ =	shalt  }
0x7e: {  	_ =	shalt  }
0x7f: {  	_ =	shalt  }
0x80: {  	_ =	shalt  }
0x81: {  	_ =	shalt  }
0x82: {  	_ =	shalt  }
0x83: {  	_ =	shalt  }
0x84: {  	_ =	shalt  }
0x85: {  	_ =	shalt  }
0x86: {  	_ =	shalt  }
0x87: {  	_ =	shalt  }
.Lfunc_end0:
.L_simem_size_0:
called_computation.2_lowered:
.L_overlay_start_0:
0x88: {  	s2 =	sld [smem:$0x3FD9]  }
0x89: {  	s3 =	sld [smem:$0x3FFE];
	_ =	sdelay $0x1  }
0x8a: {  	s1 =	srdreg.scid  }
0x8b: {  	s0 =	sand.u32 $0x1, s1  }
0x8c: {  	s16 =	sshll.u32 s0, $0xA;
	s2 =	sadd.s32 s3, s2  }
0x8d: {  	s2 =	sadd.s32 s2, s16  }
0x8e: {  	[smem:$0x3FBF] =	sst s2  }
0x8f: {  	_ = 	snop  }
0x90: {  	(tm) =	ssettm $0x1  }
0x91: {  	s17 =	sld [smem:$0x3FFB];
	_ =	sdelay $0x3  }
0x92: {  	_ =	strace s17  }
0x93: {  	s2 =	sld [smem:$0x3FFC];
	_ =	sdelay $0x3  }
0x94: {  	_ =	strace s2  }
0x95: {  	s2 =	sld [smem:$0x3FFD];
	_ =	sdelay $0x3  }
0x96: {  	_ =	strace s2  }
0x97: {  	_ =	strace $0x8FFFFFFF  }
0x98: {  	s18 =	sld [smem:$0x3FDB];
	_ =	sdelay $0x1  }
0x99: {  	s19 =	simm.s32 $_scs_section_size  }
0x9a: {  	s4 =	simm.s32 $_size__tile_overlayer_lowered;
	s5 =	simm.s32 $_tile_overlayer_lowered  }
0x9b: {  	s22 =	simm.s32 $0x1BFF;
	s21 =	sshll.u32 s5, $0x1;
	s2 =	sadd.s32 s19, s18  }
0x9c: {  	s6 =	simm.s32 $0x0;
	s20 =	sshll.u32 s4, $0x1;
	s4 =	sadd.s32 s21, s2  }
0x9d: {  	[timem:s6], [sflag:s22] =	dma.local [hbm:s4], s20  }
0x9e: {  	_ =	swait.ge [sflag:s22], s20  }
0x9f: {  	s3 =	ssub.s32 $0x0, s20;
	[sflag:s22] =	ssyncset.done $0x0  }
0xa0: {  	[sflag:s22] =	ssyncadd.s32 s3;
	_ =	sdelay $0x1  }
0xa1: {  	s23 =	simm.s32 $0x1B8B  }
0xa2: {  	_ =	swait.ge [sflag:s23], $0x1  }
0xa3: {  	[sflag:s23] =	ssyncset.done $0x0  }
0xa4: {  	s25 =	simm.s32 $0x1B8E;
	s24 =	sld [smem:$0x3FFE];
	[sflag:s23] =	ssyncadd.s32 $0xFFFFFFFF  }
0xa5: {  	s26 =	simm.s32 $execute0_lowered;
	[smem:$0x3FD2] =	sst s25  }
0xa6: {  	s4 =	sshll.u32 s26, $0x1;
	_ =	strace $0x8000004C;
	[dreg:$0x1] =	wrdreg $0xFFFFFFFF  }
0xa7: {  	s28 =	simm.s32 $_size_execute0_lowered;
	s2 =	sadd.s32 s2, s4;
	[dreg:$0x0] =	wrdreg $0x0  }
0xa8: {  	s4 =	sshll.u32 s28, $0x1;
	[dreg:$0x2] =	wrdreg s2  }
0xa9: {  	[dreg:$0x3] =	wrdreg s4  }
0xaa: {  	[dreg:$0x4] =	wrdreg $0xC0  }
0xab: {  	_ =	task [dreg:s6], $0x5FFFF  }
0xac: {  	[dreg:$0x1] =	wrdreg $0xFFFFFFFF  }
0xad: {  	[dreg:$0x0] =	wrdreg $0x60  }
0xae: {  	[dreg:$0x2] =	wrdreg s24  }
0xaf: {  	[dreg:$0x3] =	wrdreg $0x18D000  }
0xb0: {  	[dreg:$0x4] =	wrdreg $0x9  }
0xb1: {  	_ =	task.clear_ibuf [dreg:s6], $0x5FFFF;
	_ =	strace $0x9000004C  }
0xb2: {  	s29 =	simm.s32 $0x9;
	_ =	strace $0x8000004E  }
0xb3: {  	_ =	swait.ge [sflag:s29], $0x1  }
0xb4: {  	[sflag:s29] =	ssyncadd.s32 $0xFFFFFFFF  }
0xb5: {  	_ =	strace $0x9000004E  }
0xb6: {  	_ =	sfence  }
0xb7: {  	s30 =	sld [smem:$0x0];
	_ =	sdelay $0x2  }
0xb8: {  	s31 =	sshll.u32 s1, $0xD;
	s1 =	sshrl.u32 s1, $0x2  }
0xb9: {  	s3 =	sand.u32 $0x4000, s31;
	s1 =	sadd.s32 s1, s30  }
0xba: {  	s0 =	sor.u32 s3, s0;
	s1 =	sshll.u32 s1, $0x11  }
0xbb: {  	s0 =	sor.u32 s1, s0  }
0xbc: {  	s0 =	sadd.s32 $0x8F2B, s0  }
0xbd: {  	[sflag:s0] =	ssyncadd.remote.s32 $0x1  }
0xbe: {  	_ =	sfence.sel $0xFFFF  }
0xbf: {  	[dreg:$0x0] =	wrdreg $0xFFFFFFFF;
	(pc) =	sbr.abs _section_cstart, $3  }
0xc0: {  	[dreg:$0x1] =	wrdreg $0xFFFFFFFF  }
0xc1: {  	_ =	task.clear_ibuf [dreg:s6], $0x2FFFF;
	_ =	strace $0x9FFFFFFF  }
0xc2: {  	(tm) =	ssettm $0x7FFFFFFF  }
0xc3: {  	_ =	shalt  }
tec
execute0_lowered:
.L_overlay_start_1:
0x0: {  	(tag) =	ssettag $0x1  }
0x1: {  	s13 =	stileid.u32;
	s0 =	rddreg [dreg:$0x0]  }
0x2: {  	s2 =	srdreg.scid;
	s8 =	rddreg [dreg:$0x1];
	s28 =	simm.s32 $0x3  }
0x3: {  	s29 =	simm.s32 $0x4;
	s1 =	smul.u32 $0x5000, s13;
	s5 =	sand.u32 $0x7, s13  }
0x4: {  	s31 =	simm.s32 $0x0;
	s17 =	sshrl.u32 s13, $0x3;
	s3 =	smul.u32 $0xA000, s5  }
0x5: {  	s7 =	sand.u32 $0x1, s2;
	s2 =	simm.s32 $0x0;
	s4 =	smul.u32 $0x5000, s17  }
0x6: {  	s21 =	sshll.u32 s13, $0x6;
	s6 =	smul.u32 $0x50000, s7;
	[smem:$0x7FF] =	sst s2  }
0x7: {  	s19 =	ssub.s32 $0x2, s7;
	s12 =	sshll.u32 s7, $0x1;
	s5 =	smul.u32 $0x28000, s5  }
0x8: {  	s22 =	sshll.u32 s7, $0x4;
	s23 =	smul.u32 $0xA0000, s7;
	p0 =	sne.s32 s17, $0x0  }
0x9: {  	_ =	strace $0x8000004D;
	s16 =	sshrl.u32 s1, $0x3;
	s11 =	sshrl.u32 s19, $0x1  }
0xa: {  	s20 =	sor.u32 s17, s12;
	s1 =	sadd.s32 s1, s8;
	s24 =	sor.u32 s13, s22  }
0xb: {  	s22 =	simm.s32 $0x7680;
	s9 =	sadd.s32 s4, s3;
	s18 =	sadd.s32 s16, s0  }
0xc: {  	s3 =	sadd.s32 $0x3000, s0;
	s16 =	ssub.s32 s19, s11;
	s7 =	smul.u32 $0x13C00, s20  }
0xd: {  	s5 =	sshrl.u32 s5, $0x2;
	s25 =	smul.u32 $0x1400, s24;
	s17 =	sshrl.u32 s1, $0x3  }
0xe: {  	s19 =	simm.s32 $0xED00;
	s20 =	simm.s32 $0x2780;
	s24 =	simm.s32 $0xC580  }
0xf: {  	s4 =	sadd.s32 s6, s9;
	s6 =	sadd.s32 $0x20A00, s18;
	s8 =	sadd.s32 s5, s8  }
0x10: {  	s26 =	sadd.s32 s23, s9;
	s16 =	smax.u32 s16, $0x1;
	s18 =	simm.s32 $0x5  }
0x11: {  	s23 =	simm.s32 $0x9E00;
	s10 =	sshrl.u32 s4, $0x3;
	s4 =	sadd.s32 $0xCE00, s0  }
0x12: {  	[dreg:$0x3] =	wrdreg s6;
	s6 =	sor.u32 $0x1C05, s21;
	s9 =	sadd.s32 $0x2800, s8  }
0x13: {  	s30 =	sshrl.u32 s26, $0x3;
	s11 =	sadd.s32 $0x7800, s8;
	s21 =	simm.s32 $0x4F00  }
0x14: {  	s26 =	simm.s32 $0x2;
	s15 =	sadd.s32 s10, s0;
	s0 =	sadd.s32 $0x2AA00, s0  }
0x15: {  	s10 =	sadd.s32 $0x5000, s8;
	s12 =	sadd.s32 s0, s25;
	s13 =	sadd.s32 s0, s30  }
0x16: {  	v0 =	vimm.f32 $0.0e+00;
	s15 =	sadd.s32 $0x52A00, s15;
	s25 =	simm.s32 $0x1;
	s14 =	sadd.s32 $0xA000, s13  }
.LBB2_1:
.Ltmp0:
0x17: {  	s0 =	rddreg [dreg:$0x3];
	(pc) =	sbr.rel @!p0 .LBB2_2-.Ltmp0, $4  }
0x18: {  	[spmem:s17], [sflag:s6] =	dma.local [hbm:s0], $0xA00  }
0x19: {  	_ =	swait.ge [sflag:s18], $0xA00  }
0x1a: {  	[sflag:s18] =	ssyncset.done $0x0  }
0x1b: {  	[sflag:s18] =	ssyncadd.s32 $0xFFFFF600  }
0x1c: {  	s0 =	simm.s32 $0x40;
	s1 =	simm.s32 $0x0  }
.LBB2_4:
0x1d: {  	p1 =	sne.s32 s0, $0x27FC0;
	[tilespmem:s1+$0xED00] =	vst v0;
	s1 =	smov.u32 s0;
	s0 =	sadd.s32 $0x40, s0  }
.Ltmp1:
0x1e: {  	(pc) =	sbr.rel @p1 .LBB2_4-.Ltmp1, $2  }
0x1f: {  	_ =	sdelay $0x2  }
0x20: {  	s1 =	sshra.s32 s1, $0x2  }
.Ltmp2:
0x21: {  	(pc) =	sbr.rel .LBB2_6-.Ltmp2, $3  }
0x22: {  	_ = 	snop  }
0x23: {  	[tilespmem:s1+$0xED00] =	vst v0  }
0x24: {  	[bflag:$0x0] =	sbarrier.arrive $0xFFFF;
	_ =	sdelay $0x1  }
.LBB2_2:
0x25: {  	[bflag:$0x0] =	sbarrier.arrive $0xFFFF  }
0x26: {  	[tilespmem:s19], [sflag:$0x5] =	stream.linear.gather [spmem:s8], $0xA000, $0x38;
	[tilespmem:$0x1DD00] =	vst v63  }
0x27: {  	_ =	swait.ge [sflag:s18], $0xA000  }
0x28: {  	[sflag:s18] =	ssyncset.done $0x0  }
0x29: {  	[sflag:s18] =	ssyncadd.s32 $0xFFFF6000  }
.LBB2_6:
0x2a: {  	s1 =	simm.s32 $0x0  }
.LBB2_7:
0x2b: {  	s0 =	smul.u32 $0x2780, s1;
	_ =	sdelay $0x1  }
0x2c: {  	s0 =	sadd.s32 s7, s0  }
0x2d: {  	s0 =	sshrl.u32 s0, $0x3  }
0x2e: {  	s5 =	sadd.s32 s3, s0  }
0x2f: {  	[tilespmem:s2], [sflag:$0x5] =	stream.linear.gather [hbm4b:s5+s2], $0x2780, $0x38;
	[tilespmem:$0x1DD00] =	vst v63  }
0x30: {  	_ =	swait.ge [sflag:s18], $0x2780  }
0x31: {  	[sflag:s18] =	ssyncset.done $0x0  }
0x32: {  	s0 =	sadd.s32 s4, s0;
	[sflag:s18] =	ssyncadd.s32 $0xFFFFD880  }
0x33: {  	[tilespmem:s20], [sflag:$0x5] =	stream.linear.gather [hbm4b:s0+s2], $0x2780, $0x38;
	[tilespmem:$0x1DD00] =	vst v63  }
0x34: {  	_ =	swait.ge [sflag:s18], $0x2780  }
0x35: {  	[sflag:s18] =	ssyncset.done $0x0  }
0x36: {  	[sflag:s18] =	ssyncadd.s32 $0xFFFFD880  }
0x37: {  	[tilespmem:s21], [sflag:$0x1] =	stream.indirect.gather [spmem:s8], $0x1, s2, s20, $0xb8;
	[tilespmem:$0x1DD00] =	vst v63  }
0x38: {  	_ = 	snop  }
0x39: {  	[tilespmem:s22], [sflag:$0x2] =	stream.indirect.gather [spmem:s9], $0x1, s2, s20, $0xb8;
	[tilespmem:$0x1DD00] =	vst v63  }
0x3a: {  	_ = 	snop  }
0x3b: {  	[tilespmem:s23], [sflag:$0x3] =	stream.indirect.gather [spmem:s10], $0x1, s2, s20, $0xb8;
	[tilespmem:$0x1DD00] =	vst v63  }
0x3c: {  	_ = 	snop  }
0x3d: {  	[tilespmem:s24], [sflag:$0x4] =	stream.indirect.gather [spmem:s11], $0x1, s2, s20, $0xb8;
	[tilespmem:$0x1DD00] =	vst v63  }
0x3e: {  	_ =	swait.ge [sflag:s25], $0x2780  }
0x3f: {  	s30 =	simm.s32 $0x4F40;
	[sflag:s25] =	ssyncset.done $0x0  }
0x40: {  	s5 =	simm.s32 $0x27C0;
	s0 =	simm.s32 $0xFFFFFFF8;
	[sflag:s25] =	ssyncadd.s32 $0xFFFFD880  }
.LBB2_8:
0x41: {  	v1 =	vld [tilespmem:s5+$0xFFFFFFC0];
	_ =	sdelay $0x2  }
0x42: {  	v2 =	vld [tilespmem:s30+$0xFFFFFFC0];
	_ =	sdelay $0x4  }
0x43: {  	[tilespmem:v1+s19+$0x0] =	vst.idx.add.f32.msk $0xffff, v2  }
0x44: {  	v1 =	vld [tilespmem:s5+$0xFFFFFFD0];
	_ =	sdelay $0x2  }
0x45: {  	v2 =	vld [tilespmem:s30+$0xFFFFFFD0];
	_ =	sdelay $0x4  }
0x46: {  	[tilespmem:v1+s19+$0x0] =	vst.idx.add.f32.msk $0xffff, v2  }
0x47: {  	v1 =	vld [tilespmem:s5+$0xFFFFFFE0];
	_ =	sdelay $0x2  }
0x48: {  	v2 =	vld [tilespmem:s30+$0xFFFFFFE0];
	_ =	sdelay $0x4  }
0x49: {  	[tilespmem:v1+s19+$0x0] =	vst.idx.add.f32.msk $0xffff, v2  }
0x4a: {  	v1 =	vld [tilespmem:s5+$0xFFFFFFF0];
	_ =	sdelay $0x2  }
0x4b: {  	v2 =	vld [tilespmem:s30+$0xFFFFFFF0];
	_ =	sdelay $0x4  }
0x4c: {  	[tilespmem:v1+s19+$0x0] =	vst.idx.add.f32.msk $0xffff, v2  }
0x4d: {  	v1 =	vld [tilespmem:s5+$0x0];
	_ =	sdelay $0x2  }
0x4e: {  	v2 =	vld [tilespmem:s30+$0x0];
	_ =	sdelay $0x4  }
0x4f: {  	[tilespmem:v1+s19+$0x0] =	vst.idx.add.f32.msk $0xffff, v2  }
0x50: {  	v1 =	vld [tilespmem:s5+$0x10];
	_ =	sdelay $0x2  }
0x51: {  	v2 =	vld [tilespmem:s30+$0x10];
	_ =	sdelay $0x4  }
0x52: {  	[tilespmem:v1+s19+$0x0] =	vst.idx.add.f32.msk $0xffff, v2  }
0x53: {  	v1 =	vld [tilespmem:s5+$0x20];
	_ =	sdelay $0x2  }
0x54: {  	v2 =	vld [tilespmem:s30+$0x20];
	_ =	sdelay $0x4  }
0x55: {  	[tilespmem:v1+s19+$0x0] =	vst.idx.add.f32.msk $0xffff, v2  }
0x56: {  	v1 =	vld [tilespmem:s5+$0x30];
	_ =	sdelay $0x1  }
0x57: {  	s0 =	sadd.s32 $0x8, s0  }
0x58: {  	p1 =	slt.u32 s0, $0x270;
	v2 =	vld [tilespmem:s30+$0x30]  }
.Ltmp3:
0x59: {  	_ = 	snop;
	(pc) =	sbr.rel @p1 .LBB2_8-.Ltmp3, $2  }
0x5a: {  	_ =	sdelay $0x2  }
0x5b: {  	s5 =	sadd.s32 $0x80, s5;
	s30 =	sadd.s32 $0x80, s30;
	[tilespmem:v1+s19+$0x0] =	vst.idx.add.f32.msk $0xffff, v2  }
0x5c: {  	_ =	swait.ge [sflag:s26], $0x2780  }
0x5d: {  	s0 =	simm.s32 $0xFFFFFFF8;
	[sflag:s26] =	ssyncset.done $0x0  }
0x5e: {  	s30 =	simm.s32 $0x27C0;
	s5 =	simm.s32 $0x76C0;
	[sflag:s26] =	ssyncadd.s32 $0xFFFFD880  }
.LBB2_10:
0x5f: {  	v1 =	vld [tilespmem:s30+$0xFFFFFFC0];
	_ =	sdelay $0x4  }
0x60: {  	v2 =	vld [tilespmem:s5+$0xFFFFFFC0];
	v1 =	vadd.s32 $0x2800, v1;
	_ =	sdelay $0x4  }
0x61: {  	[tilespmem:v1+s19+$0x0] =	vst.idx.add.f32.msk $0xffff, v2  }
0x62: {  	v1 =	vld [tilespmem:s30+$0xFFFFFFD0];
	_ =	sdelay $0x4  }
0x63: {  	v2 =	vld [tilespmem:s5+$0xFFFFFFD0];
	v1 =	vadd.s32 $0x2800, v1;
	_ =	sdelay $0x4  }
0x64: {  	[tilespmem:v1+s19+$0x0] =	vst.idx.add.f32.msk $0xffff, v2  }
0x65: {  	v1 =	vld [tilespmem:s30+$0xFFFFFFE0];
	_ =	sdelay $0x4  }
0x66: {  	v2 =	vld [tilespmem:s5+$0xFFFFFFE0];
	v1 =	vadd.s32 $0x2800, v1;
	_ =	sdelay $0x4  }
0x67: {  	[tilespmem:v1+s19+$0x0] =	vst.idx.add.f32.msk $0xffff, v2  }
0x68: {  	v1 =	vld [tilespmem:s30+$0xFFFFFFF0];
	_ =	sdelay $0x4  }
0x69: {  	v2 =	vld [tilespmem:s5+$0xFFFFFFF0];
	v1 =	vadd.s32 $0x2800, v1;
	_ =	sdelay $0x4  }
0x6a: {  	[tilespmem:v1+s19+$0x0] =	vst.idx.add.f32.msk $0xffff, v2  }
0x6b: {  	v1 =	vld [tilespmem:s30+$0x0];
	_ =	sdelay $0x4  }
0x6c: {  	v2 =	vld [tilespmem:s5+$0x0];
	v1 =	vadd.s32 $0x2800, v1;
	_ =	sdelay $0x4  }
0x6d: {  	[tilespmem:v1+s19+$0x0] =	vst.idx.add.f32.msk $0xffff, v2  }
0x6e: {  	v1 =	vld [tilespmem:s30+$0x10];
	_ =	sdelay $0x4  }
0x6f: {  	v2 =	vld [tilespmem:s5+$0x10];
	v1 =	vadd.s32 $0x2800, v1;
	_ =	sdelay $0x4  }
0x70: {  	[tilespmem:v1+s19+$0x0] =	vst.idx.add.f32.msk $0xffff, v2  }
0x71: {  	v1 =	vld [tilespmem:s30+$0x20];
	_ =	sdelay $0x4  }
0x72: {  	v2 =	vld [tilespmem:s5+$0x20];
	v1 =	vadd.s32 $0x2800, v1;
	_ =	sdelay $0x4  }
0x73: {  	[tilespmem:v1+s19+$0x0] =	vst.idx.add.f32.msk $0xffff, v2  }
0x74: {  	v1 =	vld [tilespmem:s30+$0x30];
	_ =	sdelay $0x3  }
0x75: {  	s0 =	sadd.s32 $0x8, s0  }
0x76: {  	p1 =	slt.u32 s0, $0x270;
	v2 =	vld [tilespmem:s5+$0x30];
	v1 =	vadd.s32 $0x2800, v1  }
.Ltmp4:
0x77: {  	_ = 	snop;
	(pc) =	sbr.rel @p1 .LBB2_10-.Ltmp4, $2  }
0x78: {  	_ =	sdelay $0x2  }
0x79: {  	s30 =	sadd.s32 $0x80, s30;
	s5 =	sadd.s32 $0x80, s5;
	[tilespmem:v1+s19+$0x0] =	vst.idx.add.f32.msk $0xffff, v2  }
0x7a: {  	_ =	swait.ge [sflag:s28], $0x2780  }
0x7b: {  	s0 =	simm.s32 $0xFFFFFFF8;
	[sflag:s28] =	ssyncset.done $0x0  }
0x7c: {  	s30 =	simm.s32 $0x27C0;
	s5 =	simm.s32 $0x9E40;
	[sflag:s28] =	ssyncadd.s32 $0xFFFFD880  }
.LBB2_12:
0x7d: {  	v1 =	vld [tilespmem:s30+$0xFFFFFFC0];
	_ =	sdelay $0x4  }
0x7e: {  	v2 =	vld [tilespmem:s5+$0xFFFFFFC0];
	v1 =	vadd.s32 $0x5000, v1;
	_ =	sdelay $0x4  }
0x7f: {  	[tilespmem:v1+s19+$0x0] =	vst.idx.add.f32.msk $0xffff, v2  }
0x80: {  	v1 =	vld [tilespmem:s30+$0xFFFFFFD0];
	_ =	sdelay $0x4  }
0x81: {  	v2 =	vld [tilespmem:s5+$0xFFFFFFD0];
	v1 =	vadd.s32 $0x5000, v1;
	_ =	sdelay $0x4  }
0x82: {  	[tilespmem:v1+s19+$0x0] =	vst.idx.add.f32.msk $0xffff, v2  }
0x83: {  	v1 =	vld [tilespmem:s30+$0xFFFFFFE0];
	_ =	sdelay $0x4  }
0x84: {  	v2 =	vld [tilespmem:s5+$0xFFFFFFE0];
	v1 =	vadd.s32 $0x5000, v1;
	_ =	sdelay $0x4  }
0x85: {  	[tilespmem:v1+s19+$0x0] =	vst.idx.add.f32.msk $0xffff, v2  }
0x86: {  	v1 =	vld [tilespmem:s30+$0xFFFFFFF0];
	_ =	sdelay $0x4  }
0x87: {  	v2 =	vld [tilespmem:s5+$0xFFFFFFF0];
	v1 =	vadd.s32 $0x5000, v1;
	_ =	sdelay $0x4  }
0x88: {  	[tilespmem:v1+s19+$0x0] =	vst.idx.add.f32.msk $0xffff, v2  }
0x89: {  	v1 =	vld [tilespmem:s30+$0x0];
	_ =	sdelay $0x4  }
0x8a: {  	v2 =	vld [tilespmem:s5+$0x0];
	v1 =	vadd.s32 $0x5000, v1;
	_ =	sdelay $0x4  }
0x8b: {  	[tilespmem:v1+s19+$0x0] =	vst.idx.add.f32.msk $0xffff, v2  }
0x8c: {  	v1 =	vld [tilespmem:s30+$0x10];
	_ =	sdelay $0x4  }
0x8d: {  	v2 =	vld [tilespmem:s5+$0x10];
	v1 =	vadd.s32 $0x5000, v1;
	_ =	sdelay $0x4  }
0x8e: {  	[tilespmem:v1+s19+$0x0] =	vst.idx.add.f32.msk $0xffff, v2  }
0x8f: {  	v1 =	vld [tilespmem:s30+$0x20];
	_ =	sdelay $0x4  }
0x90: {  	v2 =	vld [tilespmem:s5+$0x20];
	v1 =	vadd.s32 $0x5000, v1;
	_ =	sdelay $0x4  }
0x91: {  	[tilespmem:v1+s19+$0x0] =	vst.idx.add.f32.msk $0xffff, v2  }
0x92: {  	v1 =	vld [tilespmem:s30+$0x30];
	_ =	sdelay $0x3  }
0x93: {  	s0 =	sadd.s32 $0x8, s0  }
0x94: {  	p1 =	slt.u32 s0, $0x270;
	v2 =	vld [tilespmem:s5+$0x30];
	v1 =	vadd.s32 $0x5000, v1  }
.Ltmp5:
0x95: {  	_ = 	snop;
	(pc) =	sbr.rel @p1 .LBB2_12-.Ltmp5, $2  }
0x96: {  	_ =	sdelay $0x2  }
0x97: {  	s30 =	sadd.s32 $0x80, s30;
	s5 =	sadd.s32 $0x80, s5;
	[tilespmem:v1+s19+$0x0] =	vst.idx.add.f32.msk $0xffff, v2  }
0x98: {  	_ =	swait.ge [sflag:s29], $0x2780  }
0x99: {  	s0 =	simm.s32 $0xFFFFFFF8;
	[sflag:s29] =	ssyncset.done $0x0  }
0x9a: {  	s30 =	simm.s32 $0x27C0;
	s5 =	simm.s32 $0xC5C0;
	[sflag:s29] =	ssyncadd.s32 $0xFFFFD880  }
.LBB2_14:
0x9b: {  	v1 =	vld [tilespmem:s30+$0xFFFFFFC0];
	_ =	sdelay $0x4  }
0x9c: {  	v2 =	vld [tilespmem:s5+$0xFFFFFFC0];
	v1 =	vadd.s32 $0x7800, v1;
	_ =	sdelay $0x4  }
0x9d: {  	[tilespmem:v1+s19+$0x0] =	vst.idx.add.f32.msk $0xffff, v2  }
0x9e: {  	v1 =	vld [tilespmem:s30+$0xFFFFFFD0];
	_ =	sdelay $0x4  }
0x9f: {  	v2 =	vld [tilespmem:s5+$0xFFFFFFD0];
	v1 =	vadd.s32 $0x7800, v1;
	_ =	sdelay $0x4  }
0xa0: {  	[tilespmem:v1+s19+$0x0] =	vst.idx.add.f32.msk $0xffff, v2  }
0xa1: {  	v1 =	vld [tilespmem:s30+$0xFFFFFFE0];
	_ =	sdelay $0x4  }
0xa2: {  	v2 =	vld [tilespmem:s5+$0xFFFFFFE0];
	v1 =	vadd.s32 $0x7800, v1;
	_ =	sdelay $0x4  }
0xa3: {  	[tilespmem:v1+s19+$0x0] =	vst.idx.add.f32.msk $0xffff, v2  }
0xa4: {  	v1 =	vld [tilespmem:s30+$0xFFFFFFF0];
	_ =	sdelay $0x4  }
0xa5: {  	v2 =	vld [tilespmem:s5+$0xFFFFFFF0];
	v1 =	vadd.s32 $0x7800, v1;
	_ =	sdelay $0x4  }
0xa6: {  	[tilespmem:v1+s19+$0x0] =	vst.idx.add.f32.msk $0xffff, v2  }
0xa7: {  	v1 =	vld [tilespmem:s30+$0x0];
	_ =	sdelay $0x4  }
0xa8: {  	v2 =	vld [tilespmem:s5+$0x0];
	v1 =	vadd.s32 $0x7800, v1;
	_ =	sdelay $0x4  }
0xa9: {  	[tilespmem:v1+s19+$0x0] =	vst.idx.add.f32.msk $0xffff, v2  }
0xaa: {  	v1 =	vld [tilespmem:s30+$0x10];
	_ =	sdelay $0x4  }
0xab: {  	v2 =	vld [tilespmem:s5+$0x10];
	v1 =	vadd.s32 $0x7800, v1;
	_ =	sdelay $0x4  }
0xac: {  	[tilespmem:v1+s19+$0x0] =	vst.idx.add.f32.msk $0xffff, v2  }
0xad: {  	v1 =	vld [tilespmem:s30+$0x20];
	_ =	sdelay $0x4  }
0xae: {  	v2 =	vld [tilespmem:s5+$0x20];
	v1 =	vadd.s32 $0x7800, v1;
	_ =	sdelay $0x4  }
0xaf: {  	[tilespmem:v1+s19+$0x0] =	vst.idx.add.f32.msk $0xffff, v2  }
0xb0: {  	v1 =	vld [tilespmem:s30+$0x30];
	_ =	sdelay $0x3  }
0xb1: {  	s0 =	sadd.s32 $0x8, s0  }
0xb2: {  	p1 =	slt.u32 s0, $0x270;
	v2 =	vld [tilespmem:s5+$0x30];
	v1 =	vadd.s32 $0x7800, v1  }
.Ltmp6:
0xb3: {  	_ = 	snop;
	(pc) =	sbr.rel @p1 .LBB2_14-.Ltmp6, $2  }
0xb4: {  	_ =	sdelay $0x2  }
0xb5: {  	s30 =	sadd.s32 $0x80, s30;
	s5 =	sadd.s32 $0x80, s5;
	[tilespmem:v1+s19+$0x0] =	vst.idx.add.f32.msk $0xffff, v2  }
0xb6: {  	s1 =	sadd.s32 $0x1, s1  }
0xb7: {  	p1 =	sne.s32 s1, $0x8  }
.Ltmp7:
0xb8: {  	_ = 	snop;
	(pc) =	sbr.rel @p1 .LBB2_7-.Ltmp7, $1  }
0xb9: {  	_ =	sdelay $0x3  }
0xba: {  	s1 =	simm.s32 $0xED00  }
0xbb: {  	[hbm4b:s12+s2] =	stream.linear.scatter [tilespmem:s1], [sflag:$0x5], $0xA000, $0x38;
	[tilespmem:$0x1DD00] =	vst v63  }
0xbc: {  	_ =	swait.ge [sflag:s18], $0xA000  }
0xbd: {  	[sflag:s18] =	ssyncset.done $0x0  }
0xbe: {  	[sflag:s18] =	ssyncadd.s32 $0xFFFF6000  }
0xbf: {  	[bflag:$0x0] =	sbarrier.arrive $0xFFFF  }
0xc0: {  	[tilespmem:s1], [sflag:$0x5] =	stream.linear.gather [hbm4b:s13+s2], $0x5000, $0x38;
	[tilespmem:$0x1DD00] =	vst v63  }
0xc1: {  	_ =	swait.ge [sflag:s18], $0x5000  }
0xc2: {  	[sflag:s18] =	ssyncset.done $0x0  }
0xc3: {  	s0 =	simm.s32 $0x13D00;
	[sflag:s18] =	ssyncadd.s32 $0xFFFFB000  }
0xc4: {  	[tilespmem:s0], [sflag:$0x5] =	stream.linear.gather [hbm4b:s14+s2], $0x5000, $0x38;
	[tilespmem:$0x1DD00] =	vst v63  }
0xc5: {  	_ =	swait.ge [sflag:s18], $0x5000  }
0xc6: {  	[sflag:s18] =	ssyncset.done $0x0  }
0xc7: {  	[sflag:s18] =	ssyncadd.s32 $0xFFFFB000  }
0xc8: {  	v1 =	vld [tilespmem:s1+$0x5000]  }
0xc9: {  	v15 =	vld [tilespmem:s1+$0x5030]  }
0xca: {  	v2 =	vld [tilespmem:s1+$0x5040]  }
0xcb: {  	v16 =	vld [tilespmem:s1+$0x30]  }
0xcc: {  	v5 =	vld [tilespmem:s1+$0x5020]  }
0xcd: {  	v3 =	vld [tilespmem:s1+$0x5050]  }
0xce: {  	v6 =	vld [tilespmem:s1+$0x10]  }
0xcf: {  	v4 =	vld [tilespmem:s1+$0x5070]  }
0xd0: {  	v11 =	vld [tilespmem:s1+$0x5060]  }
0xd1: {  	v7 =	vld [tilespmem:s1+$0x70]  }
0xd2: {  	v8 =	vld [tilespmem:s1+$0x50]  }
0xd3: {  	v12 =	vld [tilespmem:s1+$0x60]  }
0xd4: {  	v14 =	vld [tilespmem:s1+$0x20]  }
0xd5: {  	v13 =	vld [tilespmem:s1+$0x5010]  }
0xd6: {  	v9 =	vld [tilespmem:s1+$0x40]  }
0xd7: {  	s30 =	simm.s32 $0xED80;
	s0 =	simm.s32 $0x0;
	v10 =	vld [tilespmem:s1+$0x0];
	v15 =	vadd.f32 v15, v16  }
.LBB2_17:
0xd8: {  	v16 =	vld [tilespmem:s30+$0x5000];
	s0 =	sadd.s32 $0x8, s0  }
0xd9: {  	v17 =	vld [tilespmem:s30+$0x5030];
	p1 =	slt.u32 s0, $0x4F8;
	v14 =	vadd.f32 v5, v14;
	[tilespmem:s1+$0x30] =	vst v15;
	v5 =	vadd.f32 v11, v12  }
0xda: {  	v11 =	vld [tilespmem:s30+$0x5040];
	v6 =	vadd.f32 v13, v6  }
0xdb: {  	v8 =	vadd.f32 v3, v8;
	v7 =	vadd.f32 v4, v7;
	v15 =	vld [tilespmem:s30+$0x30];
	[tilespmem:s1+$0x60] =	vst v5  }
0xdc: {  	v9 =	vadd.f32 v2, v9;
	v5 =	vld [tilespmem:s30+$0x5020];
	[tilespmem:s1+$0x20] =	vst v14  }
0xdd: {  	v3 =	vld [tilespmem:s30+$0x5050];
	[tilespmem:s1+$0x10] =	vst v6  }
0xde: {  	v10 =	vadd.f32 v1, v10;
	v1 =	vmov v16;
	v6 =	vld [tilespmem:s30+$0x10];
	[tilespmem:s1+$0x50] =	vst v8  }
0xdf: {  	v4 =	vld [tilespmem:s30+$0x5070];
	[tilespmem:s1+$0x70] =	vst v7;
	v2 =	vmov v11  }
0xe0: {  	v11 =	vld [tilespmem:s30+$0x5060];
	[tilespmem:s1+$0x0] =	vst v10  }
0xe1: {  	v7 =	vld [tilespmem:s30+$0x70];
	[tilespmem:s1+$0x40] =	vst v9;
	s1 =	smov.u32 s30  }
0xe2: {  	v8 =	vld [tilespmem:s30+$0x50]  }
.Ltmp8:
0xe3: {  	v12 =	vld [tilespmem:s30+$0x60];
	(pc) =	sbr.rel @p1 .LBB2_17-.Ltmp8, $4  }
0xe4: {  	v14 =	vld [tilespmem:s30+$0x20]  }
0xe5: {  	v13 =	vld [tilespmem:s30+$0x5010]  }
0xe6: {  	v9 =	vld [tilespmem:s30+$0x40]  }
0xe7: {  	v15 =	vadd.f32 v17, v15;
	s30 =	sadd.s32 $0x80, s30;
	v10 =	vld [tilespmem:s1+$0x0]  }
0xe8: {  	v11 =	vadd.f32 v11, v12  }
0xe9: {  	v3 =	vadd.f32 v3, v8;
	[tilespmem:s1+$0x30] =	vst v15  }
0xea: {  	v4 =	vadd.f32 v4, v7;
	[tilespmem:s1+$0x60] =	vst v11  }
0xeb: {  	v5 =	vadd.f32 v5, v14;
	[tilespmem:s1+$0x50] =	vst v3  }
0xec: {  	v6 =	vadd.f32 v13, v6;
	[tilespmem:s1+$0x70] =	vst v4  }
0xed: {  	[tilespmem:s1+$0x20] =	vst v5;
	v2 =	vadd.f32 v2, v9  }
0xee: {  	s31 =	sadd.s32 $0x1, s31;
	[tilespmem:s1+$0x10] =	vst v6;
	v1 =	vadd.f32 v1, v10  }
0xef: {  	p1 =	sne.s32 s31, s16;
	[tilespmem:s1+$0x40] =	vst v2  }
.Ltmp9:
0xf0: {  	[tilespmem:s1+$0x0] =	vst v1;
	(pc) =	sbr.rel @p1 .LBB2_1-.Ltmp9, $4  }
0xf1: {  	[hbm4b:s15+s2] =	stream.linear.scatter [tilespmem:s19], [sflag:$0x5], $0x5000, $0x38;
	[tilespmem:$0x1DD00] =	vst v63  }
0xf2: {  	_ =	swait.ge [sflag:s18], $0x5000  }
0xf3: {  	[sflag:s18] =	ssyncset.done $0x0  }
0xf4: {  	[sflag:s18] =	ssyncadd.s32 $0xFFFFB000  }
0xf5: {  	_ =	sfence.sel $0x180000  }
0xf6: {  	[bflag:$0x0] =	sbarrier.arrive $0xFFFF  }
0xf7: {  	_ =	strace $0x9000004D  }
0xf8: {  	s0 =	stileid.u32;
	[bflag:$0x2] =	sbarrier.arrive $0xFFFF  }
0xf9: {  	p0 =	sne.s32 s0, $0x0;
	s0 =	rddreg [dreg:$0x2]  }
0xfa: {  	s0 =	sadd.s32 @!p0 $0x100000, s0  }
0xfb: {  	[sflag:s0] =	ssyncadd.tile.s32 @!p0 $0x1;
	_ =	shalt  }
.Lfunc_end2:
_tile_overlayer_lowered:
.L_overlay_start_2:
0xfc: {  	(tag) =	ssettag $0x2  }
0xfd: {  	s0 =	rddreg [dreg:$0x0];
	s2 =	stileid.u32  }
0xfe: {  	s1 =	rddreg [dreg:$0x1];
	p0 =	sne.s32 s2, $0x0  }
0xff: {  	s3 =	rddreg [dreg:$0x2];
	[bflag:$0x3] =	sbarrier.arrive $0xFFFF;
	s2 =	simm.s32 @!p0 $0x1C05  }
0x100: {  	[timem:s3], [sflag:s2] =	dma.local @!p0 [hbm:s0], s1  }
0x101: {  	s0 =	simm.s32 @!p0 $0x5  }
0x102: {  	_ =	swait.ge @!p0 [sflag:s0], s1  }
0x103: {  	s1 =	ssub.s32 @!p0 $0x0, s1;
	[sflag:s0] =	ssyncset.done @!p0 $0x0  }
0x104: {  	[sflag:s0] =	ssyncadd.s32 @!p0 s1  }
0x105: {  	[bflag:$0x3] =	sbarrier.arrive $0xFFFF  }
0x106: {  	_ =	shalt  }

// kernel: kernel.19.cloned.1.call-start
scs
__scs_entry_jumppad:
0x0: {  	(pc) =	sbr.rel $0x88, $3  }
0x1: {  	(tag) =	ssettag $0x0;
	lr =	simm.s32 $0x1  }
0x2: {  	[smem:$0x3F98] =	sst lr;
	_ =	strace $0xD0000000  }
0x3: {  	_ = 	snop  }
0x4: {  	_ = 	snop  }
0x5: {  	_ = 	snop  }
0x6: {  	_ = 	snop  }
0x7: {  	_ = 	snop  }
__scs_overlays_trampoline_lowered:
0x8: {  	[smem:$0x3FA7] =	sst s0  }
0x9: {  	[smem:$0x3FA8] =	sst s1  }
0xa: {  	[smem:$0x3FA9] =	sst s2  }
0xb: {  	[smem:$0x3FAA] =	sst s3  }
0xc: {  	[smem:$0x3FAB] =	sst s4  }
0xd: {  	[smem:$0x3FAC] =	sst s5  }
0xe: {  	[smem:$0x3FAD] =	sst s6  }
0xf: {  	[smem:$0x3FAE] =	sst s7  }
0x10: {  	[smem:$0x3FAF] =	sst s8  }
0x11: {  	[smem:$0x3FB0] =	sst s9;
	s0 =	simm.s32 @!p0 $0x0  }
0x12: {  	s1 =	sld [smem:$0x3F96];
	s0 =	simm.s32 @p0 $0x1  }
0x13: {  	[smem:$0x3FB1] =	sst s0;
	s0 =	simm.s32 @!p1 $0x0  }
0x14: {  	s2 =	sld [smem:$0x3F95];
	s0 =	simm.s32 @p1 $0x1  }
0x15: {  	[smem:$0x3FB2] =	sst s0;
	s0 =	simm.s32 @!p2 $0x0  }
0x16: {  	s3 =	sld [smem:$0x3FDB];
	s0 =	simm.s32 @p2 $0x1  }
0x17: {  	s4 =	simm.s32 $0x1BF5;
	[smem:$0x3FB4] =	sst s0  }
0x18: {  	s0 =	sld [smem:$0x3F97];
	_ =	swait.ge [sflag:s4], $0x0  }
0x19: {  	s7 =	sld [smem:$0x3F98]  }
0x1a: {  	s8 =	sadd.s32 $0xFFFFE003, lr  }
0x1b: {  	s9 =	sadd.s32 $0xFFFFFEF7, lr;
	s5 =	simm.s32 $0xFFFFFFFF;
	p2 =	slt.u32 s8, $0xFFFFF086  }
0x1c: {  	p1 =	slt.u32 s9, $0xF7A;
	s5 =	simm.s32 @!p2 $0x0  }
0x1d: {  	s5 =	simm.s32 @p1 $0x1;
	p0 =	seq.s32 s7, s2  }
0x1e: {  	s7 =	smul.u32 @!p0 $0xF7A, s2;
	p2 =	seq.s32 @!p0 s5, $0x0  }
0x1f: {  	s9 =	smul.u32 $0xF7A, s1;
	s8 =	simm.s32 @!p0 $0x1BF5;
	p2 =	por !p2, p0  }
0x20: {  	[sflag:s8] =	ssyncset.s32 @!p0 $0xFFFFF086;
	s6 =	sadd.s32 @!p0 s3, s7;
	s7 =	simm.s32 @!p0 $0x108  }
0x21: {  	s3 =	sadd.s32 s3, s9;
	s6 =	sadd.s32 @!p0 $0x88, s6;
	s7 =	simm.s32 @p2 $0x1082  }
0x22: {  	[simem:s7], [sflag:s8] =	dma.local @!p0 [hbm:s6], $0xF7A  }
0x23: {  	s9 =	sor.u32 $0xD0000000, s2;
	s6 =	simm.s32 $0x108;
	_ =	swait.ge @!p0 [sflag:s8], $0x0  }
0x24: {  	s3 =	sadd.s32 $0x88, s3;
	s6 =	simm.s32 @!p1 $0x1082;
	[sflag:s4] =	ssyncset.s32 $0xFFFFF086  }
0x25: {  	[simem:s6], [sflag:s4] =	dma.local [hbm:s3], $0xF7A  }
0x26: {  	[smem:$0x3F98] =	sst s1;
	(tag) =	ssettag s2;
	_ =	strace s9  }
0x27: {  	s1 =	sld [smem:$0x3FA8]  }
0x28: {  	s2 =	sld [smem:$0x3FA9]  }
0x29: {  	s4 =	sld [smem:$0x3FAB]  }
0x2a: {  	p0 =	seq.s32 s5, $0x0;
	s5 =	sld [smem:$0x3FAC]  }
0x2b: {  	s6 =	sld [smem:$0x3FAD]  }
0x2c: {  	s7 =	sld [smem:$0x3FAE]  }
0x2d: {  	s3 =	simm.s32 $0x108;
	s8 =	sld [smem:$0x3FAF]  }
0x2e: {  	s3 =	simm.s32 @!p0 $0x1082;
	s9 =	sld [smem:$0x3FB0]  }
0x2f: {  	lr =	sadd.s32 s0, s3;
	s0 =	sld [smem:$0x3FA7]  }
0x30: {  	s3 =	sld [smem:$0x3FAA]  }
0x31: {  	[smem:$0x3FB3] =	sst s10  }
0x32: {  	s10 =	sld [smem:$0x3FB1];
	_ =	sdelay $0x3  }
0x33: {  	p0 =	seq.s32 s10, $0x1;
	s10 =	sld [smem:$0x3FB3];
	_ =	sdelay $0x3  }
0x34: {  	[smem:$0x3FB3] =	sst s10  }
0x35: {  	s10 =	sld [smem:$0x3FB2];
	_ =	sdelay $0x3  }
0x36: {  	p1 =	seq.s32 s10, $0x1;
	s10 =	sld [smem:$0x3FB3];
	_ =	sdelay $0x3  }
0x37: {  	[smem:$0x3FB3] =	sst s10  }
0x38: {  	s10 =	sld [smem:$0x3FB4]  }
0x39: {  	_ = 	snop;
	(pc) =	sbr.ind lr, $3  }
0x3a: {  	_ = 	snop  }
0x3b: {  	_ = 	snop  }
0x3c: {  	p2 =	seq.s32 s10, $0x1;
	s10 =	sld [smem:$0x3FB3]  }
0x3d: {  	_ =	shalt  }
0x3e: {  	_ =	shalt  }
0x3f: {  	_ =	shalt  }
0x40: {  	_ =	shalt  }
0x41: {  	_ =	shalt  }
0x42: {  	_ =	shalt  }
0x43: {  	_ =	shalt  }
0x44: {  	_ =	shalt  }
0x45: {  	_ =	shalt  }
0x46: {  	_ =	shalt  }
0x47: {  	_ =	shalt  }
0x48: {  	_ =	shalt  }
0x49: {  	_ =	shalt  }
0x4a: {  	_ =	shalt  }
0x4b: {  	_ =	shalt  }
0x4c: {  	_ =	shalt  }
0x4d: {  	_ =	shalt  }
0x4e: {  	_ =	shalt  }
0x4f: {  	_ =	shalt  }
0x50: {  	_ =	shalt  }
0x51: {  	_ =	shalt  }
0x52: {  	_ =	shalt  }
0x53: {  	_ =	shalt  }
0x54: {  	_ =	shalt  }
0x55: {  	_ =	shalt  }
0x56: {  	_ =	shalt  }
0x57: {  	_ =	shalt  }
0x58: {  	_ =	shalt  }
0x59: {  	_ =	shalt  }
0x5a: {  	_ =	shalt  }
0x5b: {  	_ =	shalt  }
0x5c: {  	_ =	shalt  }
0x5d: {  	_ =	shalt  }
0x5e: {  	_ =	shalt  }
0x5f: {  	_ =	shalt  }
0x60: {  	_ =	shalt  }
0x61: {  	_ =	shalt  }
0x62: {  	_ =	shalt  }
0x63: {  	_ =	shalt  }
0x64: {  	_ =	shalt  }
0x65: {  	_ =	shalt  }
0x66: {  	_ =	shalt  }
0x67: {  	_ =	shalt  }
0x68: {  	_ =	shalt  }
0x69: {  	_ =	shalt  }
0x6a: {  	_ =	shalt  }
0x6b: {  	_ =	shalt  }
0x6c: {  	_ =	shalt  }
0x6d: {  	_ =	shalt  }
0x6e: {  	_ =	shalt  }
0x6f: {  	_ =	shalt  }
0x70: {  	_ =	shalt  }
0x71: {  	_ =	shalt  }
0x72: {  	_ =	shalt  }
0x73: {  	_ =	shalt  }
0x74: {  	_ =	shalt  }
0x75: {  	_ =	shalt  }
0x76: {  	_ =	shalt  }
0x77: {  	_ =	shalt  }
0x78: {  	_ =	shalt  }
0x79: {  	_ =	shalt  }
0x7a: {  	_ =	shalt  }
0x7b: {  	_ =	shalt  }
0x7c: {  	_ =	shalt  }
0x7d: {  	_ =	shalt  }
0x7e: {  	_ =	shalt  }
0x7f: {  	_ =	shalt  }
0x80: {  	_ =	shalt  }
0x81: {  	_ =	shalt  }
0x82: {  	_ =	shalt  }
0x83: {  	_ =	shalt  }
0x84: {  	_ =	shalt  }
0x85: {  	_ =	shalt  }
0x86: {  	_ =	shalt  }
0x87: {  	_ =	shalt  }
.Lfunc_end0:
.L_simem_size_0:
called_computation.3_lowered:
.L_overlay_start_0:
0x88: {  	s2 =	sld [smem:$0x3FD9]  }
0x89: {  	s3 =	sld [smem:$0x3FFE];
	_ =	sdelay $0x1  }
0x8a: {  	s1 =	srdreg.scid  }
0x8b: {  	s0 =	sand.u32 $0x1, s1  }
0x8c: {  	s16 =	sshll.u32 s0, $0xA;
	s2 =	sadd.s32 s3, s2  }
0x8d: {  	s2 =	sadd.s32 s2, s16  }
0x8e: {  	[smem:$0x3FBF] =	sst s2  }
0x8f: {  	_ = 	snop  }
0x90: {  	(tm) =	ssettm $0x1  }
0x91: {  	s17 =	sld [smem:$0x3FFB];
	_ =	sdelay $0x3  }
0x92: {  	_ =	strace s17  }
0x93: {  	s2 =	sld [smem:$0x3FFC];
	_ =	sdelay $0x3  }
0x94: {  	_ =	strace s2  }
0x95: {  	s2 =	sld [smem:$0x3FFD];
	_ =	sdelay $0x3  }
0x96: {  	_ =	strace s2  }
0x97: {  	_ =	strace $0x8FFFFFFF  }
0x98: {  	s18 =	sld [smem:$0x3FDB];
	_ =	sdelay $0x1  }
0x99: {  	s19 =	simm.s32 $_scs_section_size  }
0x9a: {  	s4 =	simm.s32 $_size__tile_overlayer_lowered;
	s5 =	simm.s32 $_tile_overlayer_lowered  }
0x9b: {  	s22 =	simm.s32 $0x1BFF;
	s21 =	sshll.u32 s5, $0x1;
	s2 =	sadd.s32 s19, s18  }
0x9c: {  	s6 =	simm.s32 $0x0;
	s20 =	sshll.u32 s4, $0x1;
	s4 =	sadd.s32 s21, s2  }
0x9d: {  	[timem:s6], [sflag:s22] =	dma.local [hbm:s4], s20  }
0x9e: {  	_ =	swait.ge [sflag:s22], s20  }
0x9f: {  	s3 =	ssub.s32 $0x0, s20;
	[sflag:s22] =	ssyncset.done $0x0  }
0xa0: {  	[sflag:s22] =	ssyncadd.s32 s3;
	_ =	sdelay $0x1  }
0xa1: {  	s23 =	simm.s32 $0x1B8B  }
0xa2: {  	_ =	swait.ge [sflag:s23], $0x1  }
0xa3: {  	[sflag:s23] =	ssyncset.done $0x0  }
0xa4: {  	s25 =	simm.s32 $0x1B8E;
	s24 =	sld [smem:$0x3FFE];
	[sflag:s23] =	ssyncadd.s32 $0xFFFFFFFF  }
0xa5: {  	s26 =	simm.s32 $execute0_lowered;
	[smem:$0x3FD2] =	sst s25  }
0xa6: {  	s4 =	sshll.u32 s26, $0x1;
	_ =	strace $0x8000004F;
	[dreg:$0x1] =	wrdreg $0xFFFFFFFF  }
0xa7: {  	s28 =	simm.s32 $_size_execute0_lowered;
	s2 =	sadd.s32 s2, s4;
	[dreg:$0x0] =	wrdreg $0x0  }
0xa8: {  	s4 =	sshll.u32 s28, $0x1;
	[dreg:$0x2] =	wrdreg s2  }
0xa9: {  	[dreg:$0x3] =	wrdreg s4  }
0xaa: {  	[dreg:$0x4] =	wrdreg $0xC0  }
0xab: {  	_ =	task [dreg:s6], $0x5FFFF  }
0xac: {  	[dreg:$0x1] =	wrdreg $0xFFFFFFFF  }
0xad: {  	[dreg:$0x0] =	wrdreg $0x60  }
0xae: {  	[dreg:$0x2] =	wrdreg s24  }
0xaf: {  	[dreg:$0x3] =	wrdreg $0x76800  }
0xb0: {  	[dreg:$0x4] =	wrdreg $0x9E800  }
0xb1: {  	[dreg:$0x5] =	wrdreg $0x9  }
0xb2: {  	_ =	task.clear_ibuf [dreg:s6], $0x6FFFF;
	_ =	strace $0x9000004F  }
0xb3: {  	s29 =	simm.s32 $0x9;
	_ =	strace $0x80000051  }
0xb4: {  	_ =	swait.ge [sflag:s29], $0x1  }
0xb5: {  	[sflag:s29] =	ssyncadd.s32 $0xFFFFFFFF  }
0xb6: {  	_ =	strace $0x90000051  }
0xb7: {  	_ =	sfence  }
0xb8: {  	s30 =	sld [smem:$0x0];
	_ =	sdelay $0x2  }
0xb9: {  	s31 =	sshll.u32 s1, $0xD;
	s1 =	sshrl.u32 s1, $0x2  }
0xba: {  	s3 =	sand.u32 $0x4000, s31;
	s1 =	sadd.s32 s1, s30  }
0xbb: {  	s0 =	sor.u32 s3, s0;
	s1 =	sshll.u32 s1, $0x11  }
0xbc: {  	s0 =	sor.u32 s1, s0  }
0xbd: {  	s0 =	sadd.s32 $0x8F2B, s0  }
0xbe: {  	[sflag:s0] =	ssyncadd.remote.s32 $0x1  }
0xbf: {  	_ =	sfence.sel $0xFFFF  }
0xc0: {  	[dreg:$0x0] =	wrdreg $0xFFFFFFFF;
	(pc) =	sbr.abs _section_cstart, $3  }
0xc1: {  	[dreg:$0x1] =	wrdreg $0xFFFFFFFF  }
0xc2: {  	_ =	task.clear_ibuf [dreg:s6], $0x2FFFF;
	_ =	strace $0x9FFFFFFF  }
0xc3: {  	(tm) =	ssettm $0x7FFFFFFF  }
tec
execute0_lowered:
.L_overlay_start_1:
0x0: {  	(tag) =	ssettag $0x1  }
0x1: {  	s5 =	rddreg [dreg:$0x0]  }
0x2: {  	s1 =	rddreg [dreg:$0x1]  }
0x3: {  	s3 =	rddreg [dreg:$0x2]  }
0x4: {  	s0 =	rddreg [dreg:$0x3]  }
0x5: {  	s4 =	simm.s32 $0x0;
	s2 =	stileid.u32;
	s7 =	srdreg.scid  }
0x6: {  	s13 =	simm.s32 $0x2780;
	s17 =	simm.s32 $0x4F00;
	s18 =	simm.s32 $0x1  }
0x7: {  	s19 =	simm.s32 $0x20;
	s20 =	simm.s32 $0x10;
	s21 =	simm.s32 $0x0  }
0x8: {  	[smem:$0x7FF] =	sst s4;
	s8 =	smul.u32 $0x2800, s2;
	s6 =	sshrl.u32 s2, $0x2  }
0x9: {  	s9 =	sshll.u32 s2, $0x8;
	s7 =	sand.u32 $0x1, s7;
	s10 =	smul.u32 $0x5000, s2  }
0xa: {  	s14 =	sshll.u32 s2, $0x6;
	_ =	strace $0x80000050;
	s6 =	smul.u32 $0x13C00, s6  }
0xb: {  	s9 =	sand.u32 $0x300, s9;
	s12 =	sshll.u32 s7, $0x7;
	s7 =	ssub.s32 $0x2, s7  }
0xc: {  	s14 =	sor.u32 $0x1C02, s14;
	s11 =	sshrl.u32 s8, $0x3;
	s10 =	sor.u32 s12, s10  }
0xd: {  	s30 =	sshrl.u32 s7, $0x1;
	s15 =	sadd.s32 s8, s1;
	s16 =	sadd.s32 s8, s3  }
0xe: {  	s6 =	sor.u32 s6, s9;
	s29 =	sadd.s32 s11, s5;
	s10 =	sshrl.u32 s10, $0x3  }
0xf: {  	s31 =	ssub.s32 s7, s30;
	s11 =	simm.s32 $0x400;
	s15 =	sshrl.u32 s15, $0x3  }
0x10: {  	s16 =	sshrl.u32 s16, $0x3;
	s6 =	sor.u32 s12, s6;
	s10 =	sadd.s32 s10, s5  }
0x11: {  	s7 =	sadd.s32 $0x3000, s29;
	s9 =	smax.u32 s31, $0x1;
	s6 =	sshrl.u32 s6, $0x3  }
0x12: {  	s12 =	simm.s32 $0x2;
	s8 =	sadd.s32 $0x8000, s10;
	s6 =	sadd.s32 s6, s5  }
0x13: {  	s10 =	simm.s32 $0x80;
	s5 =	sadd.s32 $0x66A00, s6;
	s6 =	sadd.s32 $0x16C00, s6  }
.LBB2_1:
0x14: {  	[tilespmem:s4], [sflag:$0x2] =	stream.strided.gather [hbm4b:s5+s10], $0x2780, s11, s10, $0x38;
	[tilespmem:$0xC680] =	vst v63  }
0x15: {  	_ =	swait.ge [sflag:s12], $0x2780  }
0x16: {  	[sflag:s12] =	ssyncset.done $0x0  }
0x17: {  	[sflag:s12] =	ssyncadd.s32 $0xFFFFD880  }
0x18: {  	[tilespmem:s13], [sflag:$0x2] =	stream.strided.gather [hbm4b:s6+s10], $0x2780, s11, s10, $0x38;
	[tilespmem:$0xC680] =	vst v63  }
0x19: {  	_ =	swait.ge [sflag:s12], $0x2780  }
0x1a: {  	[sflag:s12] =	ssyncset.done $0x0  }
0x1b: {  	[sflag:s12] =	ssyncadd.s32 $0xFFFFD880  }
0x1c: {  	[spmem:s15], [sflag:s14] =	dma.local [hbm:s7], $0x500  }
0x1d: {  	_ =	swait.ge [sflag:s12], $0x500  }
0x1e: {  	[sflag:s12] =	ssyncset.done $0x0  }
0x1f: {  	[sflag:s12] =	ssyncadd.s32 $0xFFFFFB00  }
0x20: {  	[spmem:s16], [sflag:s14] =	dma.local [hbm:s7], $0x500  }
0x21: {  	_ =	swait.ge [sflag:s12], $0x500  }
0x22: {  	[sflag:s12] =	ssyncset.done $0x0  }
0x23: {  	[sflag:s12] =	ssyncadd.s32 $0xFFFFFB00  }
0x24: {  	s22 =	sadd.s32 $0x0, s1;
	[bflag:$0x0] =	sbarrier.arrive $0xFFFF  }
0x25: {  	[tilespmem:s17], [sflag:$0x1] =	stream.indirect.gather [spmem:s22], $0x1, s4, s13, $0xb8;
	[tilespmem:$0xC680] =	vst v63  }
0x26: {  	_ =	swait.ge [sflag:s18], $0x2780  }
0x27: {  	[sflag:s18] =	ssyncset.done $0x0  }
0x28: {  	s31 =	sadd.s32 $0x0, s3;
	[sflag:s18] =	ssyncadd.s32 $0xFFFFD880  }
0x29: {  	[spmem:s31] =	stream.indirect.scatter.add.f32 [tilespmem:s17], [sflag:$0x2], $0x1, s13, s13, $0xb8;
	[tilespmem:$0xC680] =	vst v63  }
0x2a: {  	_ =	swait.ge [sflag:s12], $0x2780  }
0x2b: {  	s23 =	simm.s32 $0x14000;
	s22 =	simm.s32 $0x2800;
	[sflag:s12] =	ssyncset.done $0x0  }
.LBB2_2:
0x2c: {  	s24 =	sadd.s32 s22, s1  }
0x2d: {  	[sflag:s12] =	ssyncadd.s32 $0xFFFFD880;
	s25 =	smov.u32 s23;
	s26 =	sadd.s32 $0xA000, s23  }
0x2e: {  	[tilespmem:s17], [sflag:$0x1] =	stream.indirect.gather [spmem:s24], $0x1, s4, s13, $0xb8;
	[tilespmem:$0xC680] =	vst v63  }
0x2f: {  	p0 =	sne.s32 s23, $0x96000;
	_ =	swait.ge [sflag:s18], $0x2780  }
.Ltmp0:
0x30: {  	[sflag:s18] =	ssyncset.done $0x0;
	(pc) =	sbr.rel @p0 .LBB2_2-.Ltmp0, $4  }
0x31: {  	s22 =	sadd.s32 s22, s3;
	[sflag:s18] =	ssyncadd.s32 $0xFFFFD880  }
0x32: {  	[spmem:s22] =	stream.indirect.scatter.add.f32 [tilespmem:s17], [sflag:$0x2], $0x1, s13, s13, $0xb8;
	[tilespmem:$0xC680] =	vst v63  }
0x33: {  	_ =	swait.ge [sflag:s12], $0x2780  }
0x34: {  	s23 =	smov.u32 s26;
	s22 =	sshra.s32 s25, $0x2;
	[sflag:s12] =	ssyncset.done $0x0  }
0x35: {  	s23 =	sadd.s32 s22, s1;
	[sflag:s12] =	ssyncadd.s32 $0xFFFFD880  }
0x36: {  	[tilespmem:s17], [sflag:$0x1] =	stream.indirect.gather [spmem:s23], $0x1, s4, s13, $0xb8;
	[tilespmem:$0xC680] =	vst v63  }
0x37: {  	_ =	swait.ge [sflag:s18], $0x2780  }
0x38: {  	[sflag:s18] =	ssyncset.done $0x0  }
0x39: {  	s31 =	sadd.s32 s22, s3;
	[sflag:s18] =	ssyncadd.s32 $0xFFFFD880  }
0x3a: {  	[spmem:s31] =	stream.indirect.scatter.add.f32 [tilespmem:s17], [sflag:$0x2], $0x1, s13, s13, $0xb8;
	[tilespmem:$0xC680] =	vst v63  }
0x3b: {  	_ =	swait.ge [sflag:s12], $0x2780  }
0x3c: {  	s21 =	sadd.s32 $0x1, s21;
	[sflag:s12] =	ssyncset.done $0x0  }
0x3d: {  	p0 =	sne.s32 s21, s9;
	[sflag:s12] =	ssyncadd.s32 $0xFFFFD880  }
.Ltmp1:
0x3e: {  	[bflag:$0x0] =	sbarrier.arrive $0xFFFF;
	(pc) =	sbr.rel @p0 .LBB2_1-.Ltmp1, $4  }
0x3f: {  	[hbm:s8@s19], [sflag:s14] =	dma.strided [spmem:s16@s20], $0x500, s18, $0x10   }
0x40: {  	_ =	swait.ge [sflag:s12], $0x500  }
0x41: {  	[sflag:s12] =	ssyncset.done $0x0  }
0x42: {  	[sflag:s12] =	ssyncadd.s32 $0xFFFFFB00  }
0x43: {  	_ =	sfence.sel $0x180000  }
0x44: {  	[bflag:$0x0] =	sbarrier.arrive $0xFFFF  }
0x45: {  	p0 =	sne.s32 s2, $0x0;
	_ =	strace $0x90000050  }
0x46: {  	s0 =	sadd.s32 @!p0 $0x100000, s0;
	[bflag:$0x2] =	sbarrier.arrive $0xFFFF  }
0x47: {  	[sflag:s0] =	ssyncadd.tile.s32 @!p0 $0x1;
	_ =	shalt  }
.Lfunc_end2:
_tile_overlayer_lowered:
.L_overlay_start_2:
0x48: {  	(tag) =	ssettag $0x2  }
0x49: {  	s0 =	rddreg [dreg:$0x0];
	s2 =	stileid.u32  }
0x4a: {  	s1 =	rddreg [dreg:$0x1];
	p0 =	sne.s32 s2, $0x0  }
0x4b: {  	s3 =	rddreg [dreg:$0x2];
	[bflag:$0x3] =	sbarrier.arrive $0xFFFF;
	s2 =	simm.s32 @!p0 $0x1C02  }
0x4c: {  	[timem:s3], [sflag:s2] =	dma.local @!p0 [hbm:s0], s1  }
0x4d: {  	s0 =	simm.s32 @!p0 $0x2  }
0x4e: {  	_ =	swait.ge @!p0 [sflag:s0], s1  }
0x4f: {  	s1 =	ssub.s32 @!p0 $0x0, s1;
	[sflag:s0] =	ssyncset.done @!p0 $0x0  }
0x50: {  	[sflag:s0] =	ssyncadd.s32 @!p0 s1  }
0x51: {  	[bflag:$0x3] =	sbarrier.arrive $0xFFFF  }
0x52: {  	_ =	shalt  }

</sc_bundles>
